<compile_context>
chip_gen: v7x
topology: tpu7x:2x2x1
jax: 0.10.2.dev20260603
libtpu: 0.0.44.dev20260713+nightly
codegen_flags: <defaults>
</compile_context>

<pallas_src>
import functools

import jax
import jax.numpy as jnp
from jax import lax
from jax.experimental import pallas as pl
from jax.experimental.pallas import tpu as pltpu
from jax.experimental.pallas import tpu_sc as plsc

_T = 0.05
_MOM = 0.5
_LOG2E = 1.4426950408889634
_SSQ_CLAMP = 1e-6

_NC = 2
_NS = 16
_NW = _NC * _NS
_LANE = 128

_P1_B2_BLK = 1000

_HBM = pltpu.MemorySpace.HBM
_VMEM = pltpu.MemorySpace.VMEM
_SMEM = pltpu.MemorySpace.SMEM


def _sc_gather(m1, m2, idx_flat, total):
    d = m1.shape[1]
    n_chunks = total // _LANE
    per_worker = n_chunks // _NW
    mesh = plsc.VectorSubcoreMesh(
        core_axis_name="c", subcore_axis_name="s",
        num_cores=_NC, num_subcores=_NS)

    @functools.partial(
        pl.kernel,
        out_type=jax.ShapeDtypeStruct((2, total, d), jnp.float32),
        mesh=mesh,
        scratch_types=[
            pltpu.VMEM((2, _LANE), jnp.int32),
            pltpu.VMEM((4, _LANE, d), jnp.float32),
            pltpu.SemaphoreType.DMA,
            pltpu.SemaphoreType.DMA,
        ],
    )
    def gather_kernel(m1_hbm, m2_hbm, idx_hbm, w_hbm,
                      idx_v, rows_v, gsem, osem):
        wid = lax.axis_index("s") * _NC + lax.axis_index("c")
        for t in range(per_worker):
            base = (wid * per_worker + t) * _LANE
            pltpu.sync_copy(idx_hbm.at[pl.ds(base, _LANE)], idx_v.at[t])
        gathers = []
        for t in range(per_worker):
            gathers.append(pltpu.async_copy(
                m2_hbm.at[idx_v.at[t]], rows_v.at[2 * t], gsem))
            gathers.append(pltpu.async_copy(
                m1_hbm.at[idx_v.at[t]], rows_v.at[2 * t + 1], gsem))
        for h in gathers:
            h.wait()
        outs = []
        for t in range(per_worker):
            base = (wid * per_worker + t) * _LANE
            outs.append(pltpu.async_copy(
                rows_v.at[2 * t], w_hbm.at[0, pl.ds(base, _LANE)], osem))
            outs.append(pltpu.async_copy(
                rows_v.at[2 * t + 1], w_hbm.at[1, pl.ds(base, _LANE)], osem))
        for h in outs:
            h.wait()

    return gather_kernel(m1, m2, idx_flat)


def _block_scales(w1, a):
    g = lax.dot_general(w1, a, (((1,), (1,)), ((), ())),
                        preferred_element_type=jnp.float32,
                        precision=lax.Precision.HIGHEST)
    wn = jnp.sum(w1 * w1, axis=1, keepdims=True)
    an = jnp.sum(a * a, axis=1)
    ssq = wn - 2.0 * g + an[None, :]
    nrm = jnp.sqrt(jnp.maximum(ssq, _SSQ_CLAMP))
    return (_LOG2E / _T) / nrm


def _anchors_of(a_ref, bb):
    a0 = a_ref[0]
    a1 = a_ref[1]
    return jnp.where(bb == 0, a0, a1)


def _pass1_kernel(w_ref, y_ref, v1_ref, v2_ref, m1r_ref, m2r_ref,
                  m1_ref, m2t_ref,
                  p_ref, c1_ref, c2t_ref, a_ref, u1_ref, u2_ref, sem):
    bb = pl.program_id(0)
    i = pl.program_id(1)
    step = bb * pl.num_programs(1) + i

    c1_ref[...] = m1_ref[...]
    c2t_ref[...] = m2t_ref[...]

    @pl.when(step == 0)
    def _():
        b = v1_ref.shape[0]
        for t in range(b):
            pltpu.make_async_copy(m1r_ref.at[pl.ds(y_ref[t], 1)],
                                  u1_ref.at[pl.ds(t, 1)], sem).start()
            pltpu.make_async_copy(m2r_ref.at[pl.ds(y_ref[t], 1)],
                                  u2_ref.at[pl.ds(t, 1)], sem).start()
        for t in range(2 * b):
            pltpu.make_async_copy(m1r_ref.at[pl.ds(0, 1)],
                                  u1_ref.at[pl.ds(0, 1)], sem).wait()
        rows1 = u1_ref[...]
        rows2 = u2_ref[...]
        a_ref[0] = rows2
        a_ref[1] = rows1
        pos1 = rows1 * _MOM + v1_ref[...] * (1.0 - _MOM)
        pos2 = rows2 * _MOM + v2_ref[...] * (1.0 - _MOM)
        n1 = jnp.sqrt(jnp.sum(pos1 * pos1, axis=1, keepdims=True))
        n2 = jnp.sqrt(jnp.sum(pos2 * pos2, axis=1, keepdims=True))
        u1_ref[...] = pos1 / n1
        u2_ref[...] = pos2 / n2

    b_anch = a_ref.shape[1]
    w1 = w_ref[0, 0] + 1e-6
    a = _anchors_of(a_ref, bb)
    scales = _block_scales(w1, a)

    acc = jnp.zeros((w1.shape[1],), jnp.float32)
    for j in range(b_anch):
        sj = scales[:, j:j + 1]
        e = jnp.exp2((w1 - a[j, :][None, :]) * sj)
        acc = acc + jnp.sum(e, axis=0)

    @pl.when(i == 0)
    def _():
        p_ref[...] = jnp.zeros_like(p_ref)

    p_ref[...] += jnp.broadcast_to(acc[None, None, :], p_ref.shape)


def _pass1(w4, y, v1, v2, m1, m2):
    nb, kk, d = w4.shape[1], w4.shape[2], w4.shape[3]
    b = v1.shape[0]
    n = m1.shape[0]
    rows1 = -(-n // (2 * nb)) // 8 * 8 + 8
    t_base = n // _P1_B2_BLK - 2 * nb
    return pl.pallas_call(
        _pass1_kernel,
        grid=(2, nb),
        in_specs=[
            pl.BlockSpec((1, 1, kk, d), lambda bb, i: (bb, i, 0, 0)),
            pl.BlockSpec(memory_space=_SMEM),
            pl.BlockSpec(memory_space=_VMEM),
            pl.BlockSpec(memory_space=_VMEM),
            pl.BlockSpec(memory_space=_HBM),
            pl.BlockSpec(memory_space=_HBM),
            pl.BlockSpec((rows1, d), lambda bb, i: (bb * 16 + i, 0)),
            pl.BlockSpec((_P1_B2_BLK, d),
                         lambda bb, i: (t_base + bb * 16 + i, 0)),
        ],
        out_specs=[
            pl.BlockSpec((1, 8, d), lambda bb, i: (bb, 0, 0)),
            pl.BlockSpec((rows1, d), lambda bb, i: (bb * 16 + i, 0)),
            pl.BlockSpec((_P1_B2_BLK, d),
                         lambda bb, i: (t_base + bb * 16 + i, 0)),
            pl.BlockSpec((2, b, d), lambda bb, i: (0, 0, 0)),
            pl.BlockSpec((b, d), lambda bb, i: (0, 0)),
            pl.BlockSpec((b, d), lambda bb, i: (0, 0)),
        ],
        out_shape=[
            jax.ShapeDtypeStruct((2, 8, d), jnp.float32),
            jax.ShapeDtypeStruct(m1.shape, m1.dtype),
            jax.ShapeDtypeStruct(m2.shape, m2.dtype),
            jax.ShapeDtypeStruct((2, b, d), jnp.float32),
            jax.ShapeDtypeStruct((b, d), jnp.float32),
            jax.ShapeDtypeStruct((b, d), jnp.float32),
        ],
        scratch_shapes=[pltpu.SemaphoreType.DMA],
        compiler_params=pltpu.CompilerParams(
            dimension_semantics=("arbitrary", "arbitrary")),
    )(w4, y, v1, v2, m1, m2, m1, m2)


def _pass2_kernel(branch, zmul, w_ref, a_ref, p_ref, m2_ref, c2in_ref,
                  o_ref, c2_ref):
    c2_ref[...] = m2_ref[...]

    b_anch = a_ref.shape[1]
    w1 = w_ref[0, 0] + 1e-6
    a = a_ref[branch]
    srow = p_ref[branch, 0:1, :]
    zrow = jnp.sum(srow, axis=1, keepdims=True) * zmul
    lg_inv_z = -jnp.log2(zrow)
    scales = _block_scales(w1, a)

    for j in range(b_anch):
        sj = scales[:, j:j + 1]
        o_ref[pl.ds(j, 1)] = jnp.exp2(
            (w1 - a[j, :][None, :]) * sj + lg_inv_z)[None]


def _pass2(branch, w4, anchors, part, zmul, m2, c2_in):
    nb, kk, d = w4.shape[1], w4.shape[2], w4.shape[3]
    b = anchors.shape[1]
    n = m2.shape[0]
    head = n - 2 * nb * _P1_B2_BLK
    rows2 = -(-head // (2 * nb)) // 8 * 8 + 8
    off = branch * nb
    out = pl.pallas_call(
        functools.partial(_pass2_kernel, branch, zmul),
        grid=(nb,),
        in_specs=[
            pl.BlockSpec((1, 1, kk, d), lambda i: (branch, i, 0, 0)),
            pl.BlockSpec((2, b, d), lambda i: (0, 0, 0)),
            pl.BlockSpec((2, 8, d), lambda i: (0, 0, 0)),
            pl.BlockSpec((rows2, d), lambda i: (off + i, 0)),
            pl.BlockSpec(memory_space=_HBM),
        ],
        out_specs=[
            pl.BlockSpec((b, kk, d), lambda i: (i, 0, 0)),
            pl.BlockSpec((rows2, d), lambda i: (off + i, 0)),
        ],
        out_shape=[
            jax.ShapeDtypeStruct((nb * b, kk, d), jnp.float32),
            jax.ShapeDtypeStruct(m2.shape, m2.dtype),
        ],
        input_output_aliases={4: 1},
        compiler_params=pltpu.CompilerParams(
            dimension_semantics=("arbitrary",)),
    )(w4, anchors, part, m2, c2_in)
    return out


def _patch_kernel(y_ref, u1_ref, u2_ref, c1_ref, c2_ref,
                  nm1_ref, nm2_ref, sem):
    b = u1_ref.shape[0]
    for i in range(b):
        yi = y_ref[i]
        dup = jnp.bool_(False)
        for j in range(i + 1, b):
            dup = jnp.logical_or(dup, y_ref[j] == yi)
        keep = jnp.logical_not(dup)

        @pl.when(keep)
        def _():
            pltpu.make_async_copy(u1_ref.at[pl.ds(i, 1)],
                                  nm1_ref.at[pl.ds(yi, 1)], sem).start()
            pltpu.make_async_copy(u2_ref.at[pl.ds(i, 1)],
                                  nm2_ref.at[pl.ds(yi, 1)], sem).start()

        @pl.when(keep)
        def _():
            pltpu.make_async_copy(u1_ref.at[pl.ds(i, 1)],
                                  nm1_ref.at[pl.ds(yi, 1)], sem).wait()
            pltpu.make_async_copy(u2_ref.at[pl.ds(i, 1)],
                                  nm2_ref.at[pl.ds(yi, 1)], sem).wait()


def _patch(y, u1, u2, c1, c2):
    return pl.pallas_call(
        _patch_kernel,
        in_specs=[
            pl.BlockSpec(memory_space=_SMEM),
            pl.BlockSpec(memory_space=_VMEM),
            pl.BlockSpec(memory_space=_VMEM),
            pl.BlockSpec(memory_space=_HBM),
            pl.BlockSpec(memory_space=_HBM),
        ],
        out_specs=[pl.BlockSpec(memory_space=_HBM)] * 2,
        out_shape=[jax.ShapeDtypeStruct(c1.shape, c1.dtype)] * 2,
        input_output_aliases={3: 0, 4: 1},
        scratch_shapes=[pltpu.SemaphoreType.DMA],
    )(y, u1, u2, c1, c2)


def kernel(v1, v2, y, idx, memory_v1, memory_v2):
    b, d = v1.shape
    n = memory_v1.shape[0]
    kk = idx.shape[1]
    total = b * kk

    w = _sc_gather(memory_v1, memory_v2, idx.reshape(total), total)
    w4 = w.reshape(2, b, kk, d)

    part, c1, c2t, anchors, u1, u2 = _pass1(w4, y, v1, v2,
                                            memory_v1, memory_v2)
    zmul = float(n) / float(b * b * kk * d)
    out_v1, c2h = _pass2(0, w4, anchors, part, zmul, memory_v2, c2t)
    out_v2, c2 = _pass2(1, w4, anchors, part, zmul, memory_v2, c2h)
    new_m1, new_m2 = _patch(y, u1, u2, c1, c2)
    return (out_v1, out_v2, new_m1, new_m2)

# --- scband reference (transcript-rebuilt; emitter-appended) ---
"""Pipeline reference for scband-contrast-memory-45707041964500 (READ-ONLY COPY).

The authoritative reference and input builder live on the scoring server;
editing this copy changes nothing except your own understanding.
"""

import jax, jax.numpy as jnp
import numpy as np
import math

B, D, N, K = 16, 128, 100000, 511
T = 0.05
MOMENTUM = 0.5


def setup_inputs(seed: int = 0) -> dict:
    key = jax.random.key(seed)
    k1, k2, k3, k4, k5, k6 = jax.random.split(key, 6)
    v1 = jax.random.normal(k1, (B, D), dtype=jnp.float32)
    v2 = jax.random.normal(k2, (B, D), dtype=jnp.float32)
    y = jax.random.randint(k3, (B,), 0, N, dtype=jnp.int32)
    idx = jax.random.randint(k4, (B, K + 1), 0, N, dtype=jnp.int32)
    stdv = 1.0 / math.sqrt(D / 3)
    m1 = jax.random.uniform(k5, (N, D), dtype=jnp.float32) * (2 * stdv) - stdv
    m1 = m1 / jnp.sqrt(jnp.sum(m1 * m1, axis=1, keepdims=True))
    m2 = jax.random.uniform(k6, (N, D), dtype=jnp.float32) * (2 * stdv) - stdv
    m2 = m2 / jnp.sqrt(jnp.sum(m2 * m2, axis=1, keepdims=True))
    return {"v1": v1, "v2": v2, "y": y, "idx": idx, "memory_v1": m1, "memory_v2": m2}


def _branch(memory, y, idx):
    # gather anchor rows and negative rows from the memory bank
    anchor = jnp.take(memory, y, axis=0)                      # [B, D]
    weight = jnp.take(memory, idx.reshape(-1), axis=0)        # [B*(K+1), D]
    weight = weight.reshape(B, K + 1, D)
    # rel[i, j] = weight[i] - anchor[j] + 1e-6  -> [B, B, K+1, D]
    rel = weight[:, None, :, :] - anchor[None, :, None, :] + 1e-06
    rel = rel.reshape(B * B, K + 1, D)
    # F.normalize(p=2, dim=2) with eps=1e-12
    nrm = jnp.sqrt(jnp.sum(rel * rel, axis=2, keepdims=True))
    rel = rel / jnp.maximum(nrm, 1e-12)
    out = jnp.exp(rel / T)
    # first-call normalization constant Z (torch stores it via .item(), i.e. detached)
    Z = jax.lax.stop_gradient(jnp.mean(out) * N)
    return out / Z


def _update(memory, y, v):
    pos = jnp.take(memory, y, axis=0) * MOMENTUM + v * (1.0 - MOMENTUM)
    nrm = jnp.sqrt(jnp.sum(pos * pos, axis=1, keepdims=True))
    upd = pos / nrm
    return memory.at[y].set(upd)  # index_copy_ scatter-overwrite


def reference(v1, v2, y, idx, memory_v1, memory_v2):
    out_v1 = _branch(memory_v2, y, idx)
    out_v2 = _branch(memory_v1, y, idx)
    # momentum memory update (torch does this under no_grad, in-place on buffers)
    new_memory_v1 = _update(memory_v1, y, v1)
    new_memory_v2 = _update(memory_v2, y, v2)
    return (out_v1, out_v2, new_memory_v1, new_memory_v2)

if __name__ == "__main__":
    import jax
    _d = setup_inputs()
    print(jax.jit(kernel)(*tuple(_d.values())))

</pallas_src>

<mosaic_0001>
#map = affine_map<(d0, d1) -> (0, 0)>
#map1 = affine_map<(d0, d1) -> (0)>
#map2 = affine_map<(d0, d1) -> (0, 0, 0)>
module attributes {stable_mosaic.version = 14 : i64} {
  func.func @gather_kernel(%arg0: i32, %arg1: i32, %arg2: memref<100000x128xf32, #tpu.memory_space<hbm>>, %arg3: memref<100000x128xf32, #tpu.memory_space<hbm>>, %arg4: memref<8192xi32, #tpu.memory_space<hbm>>, %arg5: memref<2x8192x128xf32, #tpu.memory_space<hbm>>, %arg6: memref<2x128xi32, #tpu.memory_space<vmem>>, %arg7: memref<4x128x128xf32, #tpu.memory_space<vmem>>, %arg8: memref<!tpu.dma_semaphore, #tpu.memory_space<semaphore_mem>>, %arg9: memref<!tpu.dma_semaphore, #tpu.memory_space<semaphore_mem>>) attributes {dimension_semantics = [#tpu.dimension_semantics<core_parallel>, #tpu.dimension_semantics<subcore_parallel>], iteration_bounds = array<i64: 2, 16>, scalar_prefetch = 0 : i64, scratch_operands = 4 : i64, tpu.core_type = #tpu.core_type<sc_vector_subcore>, window_params = [{transform_indices = #map}, {transform_indices = #map}, {transform_indices = #map1}, {transform_indices = #map2}]} {
    %mul3A = arith.constant 2 : i32
    %mul3A_0 = arith.muli %arg1, %mul3A : i32
    %add3A = arith.addi %mul3A_0, %arg0 : i32
    %mul3A_1 = arith.constant 2 : i32
    %mul3A_2 = arith.muli %add3A, %mul3A_1 : i32
    %add3A_3 = arith.constant 0 : i32
    %add3A_4 = arith.addi %mul3A_2, %add3A_3 : i32
    %mul3A_5 = arith.constant 128 : i32
    %mul3A_6 = arith.muli %add3A_4, %mul3A_5 : i32
    %run_scoped3A = arith.constant 0 : i32
    "tpu.region"() ({
      %run_scoped3A_248 = tpu.sem_alloc : memref<!tpu.dma_semaphore, #tpu.memory_space<semaphore_mem>>
      %dma_start3A_249 = arith.constant 0 : i32
      %dma_start3A_250 = tpu.memref_slice %arg6[%run_scoped3A, %dma_start3A_249] : memref<2x128xi32, #tpu.memory_space<vmem>> -> memref<1x128xi32, #tpu.memory_space<vmem>>
      %dma_start3A_251 = tpu.memref_squeeze %dma_start3A_250 : memref<1x128xi32, #tpu.memory_space<vmem>> -> memref<128xi32, #tpu.memory_space<vmem>>
      %dma_start3A_252 = tpu.memref_slice %arg4[%mul3A_6] : memref<8192xi32, #tpu.memory_space<hbm>> -> memref<128xi32, #tpu.memory_space<hbm>>
      %dma_start3A_253 = arith.constant 0 : i32
      %dma_start3A_254 = tpu.memref_slice %arg6[%run_scoped3A, %dma_start3A_253] : memref<2x128xi32, #tpu.memory_space<vmem>> -> memref<1x128xi32, #tpu.memory_space<vmem>>
      %dma_start3A_255 = tpu.memref_squeeze %dma_start3A_254 : memref<1x128xi32, #tpu.memory_space<vmem>> -> memref<128xi32, #tpu.memory_space<vmem>>
      %dma_start3A_256 = tpu.memref_slice %arg4[%mul3A_6] : memref<8192xi32, #tpu.memory_space<hbm>> -> memref<128xi32, #tpu.memory_space<hbm>>
      tpu.enqueue_dma source(%dma_start3A_256 : memref<128xi32, #tpu.memory_space<hbm>>) target(%dma_start3A_255 : memref<128xi32, #tpu.memory_space<vmem>>) target_semaphore(%run_scoped3A_248 : memref<!tpu.dma_semaphore, #tpu.memory_space<semaphore_mem>>)
      %dma_wait3A_257 = arith.constant 0 : i32
      %dma_wait3A_258 = tpu.memref_slice %arg6[%run_scoped3A, %dma_wait3A_257] : memref<2x128xi32, #tpu.memory_space<vmem>> -> memref<1x128xi32, #tpu.memory_space<vmem>>
      %dma_wait3A_259 = tpu.memref_squeeze %dma_wait3A_258 : memref<1x128xi32, #tpu.memory_space<vmem>> -> memref<128xi32, #tpu.memory_space<vmem>>
      %dma_wait3A_260 = tpu.memref_slice %arg4[%mul3A_6] : memref<8192xi32, #tpu.memory_space<hbm>> -> memref<128xi32, #tpu.memory_space<hbm>>
      %dma_wait3A_261 = arith.constant 0 : i32
      %dma_wait3A_262 = tpu.memref_slice %arg6[%run_scoped3A, %dma_wait3A_261] : memref<2x128xi32, #tpu.memory_space<vmem>> -> memref<1x128xi32, #tpu.memory_space<vmem>>
      %dma_wait3A_263 = tpu.memref_squeeze %dma_wait3A_262 : memref<1x128xi32, #tpu.memory_space<vmem>> -> memref<128xi32, #tpu.memory_space<vmem>>
      %dma_wait3A_264 = tpu.memref_slice %arg4[%mul3A_6] : memref<8192xi32, #tpu.memory_space<hbm>> -> memref<128xi32, #tpu.memory_space<hbm>>
      tpu.wait_dma2 semaphore(%run_scoped3A_248 : memref<!tpu.dma_semaphore, #tpu.memory_space<semaphore_mem>>) src(%dma_wait3A_264 : memref<128xi32, #tpu.memory_space<hbm>>) dst(%dma_wait3A_263 : memref<128xi32, #tpu.memory_space<vmem>>)
      tpu.yield
    }) : () -> ()
    %mul3A_7 = arith.constant 2 : i32
    %mul3A_8 = arith.muli %add3A, %mul3A_7 : i32
    %add3A_9 = arith.constant 1 : i32
    %add3A_10 = arith.addi %mul3A_8, %add3A_9 : i32
    %mul3A_11 = arith.constant 128 : i32
    %mul3A_12 = arith.muli %add3A_10, %mul3A_11 : i32
    %run_scoped3A_13 = arith.constant 1 : i32
    "tpu.region"() ({
      %run_scoped3A_248 = tpu.sem_alloc : memref<!tpu.dma_semaphore, #tpu.memory_space<semaphore_mem>>
      %dma_start3A_249 = arith.constant 0 : i32
      %dma_start3A_250 = tpu.memref_slice %arg6[%run_scoped3A_13, %dma_start3A_249] : memref<2x128xi32, #tpu.memory_space<vmem>> -> memref<1x128xi32, #tpu.memory_space<vmem>>
      %dma_start3A_251 = tpu.memref_squeeze %dma_start3A_250 : memref<1x128xi32, #tpu.memory_space<vmem>> -> memref<128xi32, #tpu.memory_space<vmem>>
      %dma_start3A_252 = tpu.memref_slice %arg4[%mul3A_12] : memref<8192xi32, #tpu.memory_space<hbm>> -> memref<128xi32, #tpu.memory_space<hbm>>
      %dma_start3A_253 = arith.constant 0 : i32
      %dma_start3A_254 = tpu.memref_slice %arg6[%run_scoped3A_13, %dma_start3A_253] : memref<2x128xi32, #tpu.memory_space<vmem>> -> memref<1x128xi32, #tpu.memory_space<vmem>>
      %dma_start3A_255 = tpu.memref_squeeze %dma_start3A_254 : memref<1x128xi32, #tpu.memory_space<vmem>> -> memref<128xi32, #tpu.memory_space<vmem>>
      %dma_start3A_256 = tpu.memref_slice %arg4[%mul3A_12] : memref<8192xi32, #tpu.memory_space<hbm>> -> memref<128xi32, #tpu.memory_space<hbm>>
      tpu.enqueue_dma source(%dma_start3A_256 : memref<128xi32, #tpu.memory_space<hbm>>) target(%dma_start3A_255 : memref<128xi32, #tpu.memory_space<vmem>>) target_semaphore(%run_scoped3A_248 : memref<!tpu.dma_semaphore, #tpu.memory_space<semaphore_mem>>)
      %dma_wait3A_257 = arith.constant 0 : i32
      %dma_wait3A_258 = tpu.memref_slice %arg6[%run_scoped3A_13, %dma_wait3A_257] : memref<2x128xi32, #tpu.memory_space<vmem>> -> memref<1x128xi32, #tpu.memory_space<vmem>>
      %dma_wait3A_259 = tpu.memref_squeeze %dma_wait3A_258 : memref<1x128xi32, #tpu.memory_space<vmem>> -> memref<128xi32, #tpu.memory_space<vmem>>
      %dma_wait3A_260 = tpu.memref_slice %arg4[%mul3A_12] : memref<8192xi32, #tpu.memory_space<hbm>> -> memref<128xi32, #tpu.memory_space<hbm>>
      %dma_wait3A_261 = arith.constant 0 : i32
      %dma_wait3A_262 = tpu.memref_slice %arg6[%run_scoped3A_13, %dma_wait3A_261] : memref<2x128xi32, #tpu.memory_space<vmem>> -> memref<1x128xi32, #tpu.memory_space<vmem>>
      %dma_wait3A_263 = tpu.memref_squeeze %dma_wait3A_262 : memref<1x128xi32, #tpu.memory_space<vmem>> -> memref<128xi32, #tpu.memory_space<vmem>>
      %dma_wait3A_264 = tpu.memref_slice %arg4[%mul3A_12] : memref<8192xi32, #tpu.memory_space<hbm>> -> memref<128xi32, #tpu.memory_space<hbm>>
      tpu.wait_dma2 semaphore(%run_scoped3A_248 : memref<!tpu.dma_semaphore, #tpu.memory_space<semaphore_mem>>) src(%dma_wait3A_264 : memref<128xi32, #tpu.memory_space<hbm>>) dst(%dma_wait3A_263 : memref<128xi32, #tpu.memory_space<vmem>>)
      tpu.yield
    }) : () -> ()
    %dma_start3A = arith.constant 0 : i32
    %dma_start3A_14 = arith.constant 0 : i32
    %dma_start3A_15 = arith.constant 0 : i32
    %dma_start3A_16 = arith.constant 0 : i32
    %dma_start3A_17 = tpu.memref_slice %arg7[%dma_start3A_14, %dma_start3A_15, %dma_start3A_16] : memref<4x128x128xf32, #tpu.memory_space<vmem>> -> memref<1x128x128xf32, #tpu.memory_space<vmem>>
    %dma_start3A_18 = tpu.memref_squeeze %dma_start3A_17 : memref<1x128x128xf32, #tpu.memory_space<vmem>> -> memref<128x128xf32, #tpu.memory_space<vmem>>
    %dma_start3A_19 = arith.constant 0 : i32
    %dma_start3A_20 = tpu.memref_slice %arg6[%dma_start3A, %dma_start3A_19] : memref<2x128xi32, #tpu.memory_space<vmem>> -> memref<1x128xi32, #tpu.memory_space<vmem>>
    %dma_start3A_21 = tpu.memref_squeeze %dma_start3A_20 : memref<1x128xi32, #tpu.memory_space<vmem>> -> memref<128xi32, #tpu.memory_space<vmem>>
    %dma_start3A_22 = arith.constant 0 : i32
    %dma_start3A_23 = arith.constant 0 : i32
    %dma_start3A_24 = tpu.memref_slice %arg3[%dma_start3A_22, %dma_start3A_23] : memref<100000x128xf32, #tpu.memory_space<hbm>> -> memref<100000x128xf32, #tpu.memory_space<hbm>>
    tpu.enqueue_indirect_dma source(%dma_start3A_24 : memref<100000x128xf32, #tpu.memory_space<hbm>>) target(%dma_start3A_18 : memref<128x128xf32, #tpu.memory_space<vmem>>) offsets(%dma_start3A_21 : memref<128xi32, #tpu.memory_space<vmem>>) semaphore(%arg8 : memref<!tpu.dma_semaphore, #tpu.memory_space<semaphore_mem>>)
    %dma_start3A_25 = arith.constant 0 : i32
    %dma_start3A_26 = arith.constant 1 : i32
    %dma_start3A_27 = arith.constant 0 : i32
    %dma_start3A_28 = arith.constant 0 : i32
    %dma_start3A_29 = tpu.memref_slice %arg7[%dma_start3A_26, %dma_start3A_27, %dma_start3A_28] : memref<4x128x128xf32, #tpu.memory_space<vmem>> -> memref<1x128x128xf32, #tpu.memory_space<vmem>>
    %dma_start3A_30 = tpu.memref_squeeze %dma_start3A_29 : memref<1x128x128xf32, #tpu.memory_space<vmem>> -> memref<128x128xf32, #tpu.memory_space<vmem>>
    %dma_start3A_31 = arith.constant 0 : i32
    %dma_start3A_32 = tpu.memref_slice %arg6[%dma_start3A_25, %dma_start3A_31] : memref<2x128xi32, #tpu.memory_space<vmem>> -> memref<1x128xi32, #tpu.memory_space<vmem>>
    %dma_start3A_33 = tpu.memref_squeeze %dma_start3A_32 : memref<1x128xi32, #tpu.memory_space<vmem>> -> memref<128xi32, #tpu.memory_space<vmem>>
    %dma_start3A_34 = arith.constant 0 : i32
    %dma_start3A_35 = arith.constant 0 : i32
    %dma_start3A_36 = tpu.memref_slice %arg2[%dma_start3A_34, %dma_start3A_35] : memref<100000x128xf32, #tpu.memory_space<hbm>> -> memref<100000x128xf32, #tpu.memory_space<hbm>>
    tpu.enqueue_indirect_dma source(%dma_start3A_36 : memref<100000x128xf32, #tpu.memory_space<hbm>>) target(%dma_start3A_30 : memref<128x128xf32, #tpu.memory_space<vmem>>) offsets(%dma_start3A_33 : memref<128xi32, #tpu.memory_space<vmem>>) semaphore(%arg8 : memref<!tpu.dma_semaphore, #tpu.memory_space<semaphore_mem>>)
    %dma_start3A_37 = arith.constant 1 : i32
    %dma_start3A_38 = arith.constant 2 : i32
    %dma_start3A_39 = arith.constant 0 : i32
    %dma_start3A_40 = arith.constant 0 : i32
    %dma_start3A_41 = tpu.memref_slice %arg7[%dma_start3A_38, %dma_start3A_39, %dma_start3A_40] : memref<4x128x128xf32, #tpu.memory_space<vmem>> -> memref<1x128x128xf32, #tpu.memory_space<vmem>>
    %dma_start3A_42 = tpu.memref_squeeze %dma_start3A_41 : memref<1x128x128xf32, #tpu.memory_space<vmem>> -> memref<128x128xf32, #tpu.memory_space<vmem>>
    %dma_start3A_43 = arith.constant 0 : i32
    %dma_start3A_44 = tpu.memref_slice %arg6[%dma_start3A_37, %dma_start3A_43] : memref<2x128xi32, #tpu.memory_space<vmem>> -> memref<1x128xi32, #tpu.memory_space<vmem>>
    %dma_start3A_45 = tpu.memref_squeeze %dma_start3A_44 : memref<1x128xi32, #tpu.memory_space<vmem>> -> memref<128xi32, #tpu.memory_space<vmem>>
    %dma_start3A_46 = arith.constant 0 : i32
    %dma_start3A_47 = arith.constant 0 : i32
    %dma_start3A_48 = tpu.memref_slice %arg3[%dma_start3A_46, %dma_start3A_47] : memref<100000x128xf32, #tpu.memory_space<hbm>> -> memref<100000x128xf32, #tpu.memory_space<hbm>>
    tpu.enqueue_indirect_dma source(%dma_start3A_48 : memref<100000x128xf32, #tpu.memory_space<hbm>>) target(%dma_start3A_42 : memref<128x128xf32, #tpu.memory_space<vmem>>) offsets(%dma_start3A_45 : memref<128xi32, #tpu.memory_space<vmem>>) semaphore(%arg8 : memref<!tpu.dma_semaphore, #tpu.memory_space<semaphore_mem>>)
    %dma_start3A_49 = arith.constant 1 : i32
    %dma_start3A_50 = arith.constant 3 : i32
    %dma_start3A_51 = arith.constant 0 : i32
    %dma_start3A_52 = arith.constant 0 : i32
    %dma_start3A_53 = tpu.memref_slice %arg7[%dma_start3A_50, %dma_start3A_51, %dma_start3A_52] : memref<4x128x128xf32, #tpu.memory_space<vmem>> -> memref<1x128x128xf32, #tpu.memory_space<vmem>>
    %dma_start3A_54 = tpu.memref_squeeze %dma_start3A_53 : memref<1x128x128xf32, #tpu.memory_space<vmem>> -> memref<128x128xf32, #tpu.memory_space<vmem>>
    %dma_start3A_55 = arith.constant 0 : i32
    %dma_start3A_56 = tpu.memref_slice %arg6[%dma_start3A_49, %dma_start3A_55] : memref<2x128xi32, #tpu.memory_space<vmem>> -> memref<1x128xi32, #tpu.memory_space<vmem>>
    %dma_start3A_57 = tpu.memref_squeeze %dma_start3A_56 : memref<1x128xi32, #tpu.memory_space<vmem>> -> memref<128xi32, #tpu.memory_space<vmem>>
    %dma_start3A_58 = arith.constant 0 : i32
    %dma_start3A_59 = arith.constant 0 : i32
    %dma_start3A_60 = tpu.memref_slice %arg2[%dma_start3A_58, %dma_start3A_59] : memref<100000x128xf32, #tpu.memory_space<hbm>> -> memref<100000x128xf32, #tpu.memory_space<hbm>>
    tpu.enqueue_indirect_dma source(%dma_start3A_60 : memref<100000x128xf32, #tpu.memory_space<hbm>>) target(%dma_start3A_54 : memref<128x128xf32, #tpu.memory_space<vmem>>) offsets(%dma_start3A_57 : memref<128xi32, #tpu.memory_space<vmem>>) semaphore(%arg8 : memref<!tpu.dma_semaphore, #tpu.memory_space<semaphore_mem>>)
    %dma_wait3A = arith.constant 0 : i32
    %dma_wait3A_61 = arith.constant 0 : i32
    %dma_wait3A_62 = arith.constant 0 : i32
    %dma_wait3A_63 = arith.constant 0 : i32
    %dma_wait3A_64 = tpu.memref_slice %arg7[%dma_wait3A_61, %dma_wait3A_62, %dma_wait3A_63] : memref<4x128x128xf32, #tpu.memory_space<vmem>> -> memref<1x128x128xf32, #tpu.memory_space<vmem>>
    %dma_wait3A_65 = tpu.memref_squeeze %dma_wait3A_64 : memref<1x128x128xf32, #tpu.memory_space<vmem>> -> memref<128x128xf32, #tpu.memory_space<vmem>>
    %dma_wait3A_66 = arith.constant 0 : i32
    %dma_wait3A_67 = tpu.memref_slice %arg6[%dma_wait3A, %dma_wait3A_66] : memref<2x128xi32, #tpu.memory_space<vmem>> -> memref<1x128xi32, #tpu.memory_space<vmem>>
    %dma_wait3A_68 = tpu.memref_squeeze %dma_wait3A_67 : memref<1x128xi32, #tpu.memory_space<vmem>> -> memref<128xi32, #tpu.memory_space<vmem>>
    %dma_wait3A_69 = arith.constant 0 : i32
    %dma_wait3A_70 = arith.constant 0 : i32
    %dma_wait3A_71 = tpu.memref_slice %arg3[%dma_wait3A_69, %dma_wait3A_70] : memref<100000x128xf32, #tpu.memory_space<hbm>> -> memref<100000x128xf32, #tpu.memory_space<hbm>>
    tpu.wait_indirect_dma semaphore(%arg8 : memref<!tpu.dma_semaphore, #tpu.memory_space<semaphore_mem>>) src(%dma_wait3A_71 : memref<100000x128xf32, #tpu.memory_space<hbm>>) dst(%dma_wait3A_65 : memref<128x128xf32, #tpu.memory_space<vmem>>)
    %dma_wait3A_72 = arith.constant 0 : i32
    %dma_wait3A_73 = arith.constant 1 : i32
    %dma_wait3A_74 = arith.constant 0 : i32
    %dma_wait3A_75 = arith.constant 0 : i32
    %dma_wait3A_76 = tpu.memref_slice %arg7[%dma_wait3A_73, %dma_wait3A_74, %dma_wait3A_75] : memref<4x128x128xf32, #tpu.memory_space<vmem>> -> memref<1x128x128xf32, #tpu.memory_space<vmem>>
    %dma_wait3A_77 = tpu.memref_squeeze %dma_wait3A_76 : memref<1x128x128xf32, #tpu.memory_space<vmem>> -> memref<128x128xf32, #tpu.memory_space<vmem>>
    %dma_wait3A_78 = arith.constant 0 : i32
    %dma_wait3A_79 = tpu.memref_slice %arg6[%dma_wait3A_72, %dma_wait3A_78] : memref<2x128xi32, #tpu.memory_space<vmem>> -> memref<1x128xi32, #tpu.memory_space<vmem>>
    %dma_wait3A_80 = tpu.memref_squeeze %dma_wait3A_79 : memref<1x128xi32, #tpu.memory_space<vmem>> -> memref<128xi32, #tpu.memory_space<vmem>>
    %dma_wait3A_81 = arith.constant 0 : i32
    %dma_wait3A_82 = arith.constant 0 : i32
    %dma_wait3A_83 = tpu.memref_slice %arg2[%dma_wait3A_81, %dma_wait3A_82] : memref<100000x128xf32, #tpu.memory_space<hbm>> -> memref<100000x128xf32, #tpu.memory_space<hbm>>
    tpu.wait_indirect_dma semaphore(%arg8 : memref<!tpu.dma_semaphore, #tpu.memory_space<semaphore_mem>>) src(%dma_wait3A_83 : memref<100000x128xf32, #tpu.memory_space<hbm>>) dst(%dma_wait3A_77 : memref<128x128xf32, #tpu.memory_space<vmem>>)
    %dma_wait3A_84 = arith.constant 1 : i32
    %dma_wait3A_85 = arith.constant 2 : i32
    %dma_wait3A_86 = arith.constant 0 : i32
    %dma_wait3A_87 = arith.constant 0 : i32
    %dma_wait3A_88 = tpu.memref_slice %arg7[%dma_wait3A_85, %dma_wait3A_86, %dma_wait3A_87] : memref<4x128x128xf32, #tpu.memory_space<vmem>> -> memref<1x128x128xf32, #tpu.memory_space<vmem>>
    %dma_wait3A_89 = tpu.memref_squeeze %dma_wait3A_88 : memref<1x128x128xf32, #tpu.memory_space<vmem>> -> memref<128x128xf32, #tpu.memory_space<vmem>>
    %dma_wait3A_90 = arith.constant 0 : i32
    %dma_wait3A_91 = tpu.memref_slice %arg6[%dma_wait3A_84, %dma_wait3A_90] : memref<2x128xi32, #tpu.memory_space<vmem>> -> memref<1x128xi32, #tpu.memory_space<vmem>>
    %dma_wait3A_92 = tpu.memref_squeeze %dma_wait3A_91 : memref<1x128xi32, #tpu.memory_space<vmem>> -> memref<128xi32, #tpu.memory_space<vmem>>
    %dma_wait3A_93 = arith.constant 0 : i32
    %dma_wait3A_94 = arith.constant 0 : i32
    %dma_wait3A_95 = tpu.memref_slice %arg3[%dma_wait3A_93, %dma_wait3A_94] : memref<100000x128xf32, #tpu.memory_space<hbm>> -> memref<100000x128xf32, #tpu.memory_space<hbm>>
    tpu.wait_indirect_dma semaphore(%arg8 : memref<!tpu.dma_semaphore, #tpu.memory_space<semaphore_mem>>) src(%dma_wait3A_95 : memref<100000x128xf32, #tpu.memory_space<hbm>>) dst(%dma_wait3A_89 : memref<128x128xf32, #tpu.memory_space<vmem>>)
    %dma_wait3A_96 = arith.constant 1 : i32
    %dma_wait3A_97 = arith.constant 3 : i32
    %dma_wait3A_98 = arith.constant 0 : i32
    %dma_wait3A_99 = arith.constant 0 : i32
    %dma_wait3A_100 = tpu.memref_slice %arg7[%dma_wait3A_97, %dma_wait3A_98, %dma_wait3A_99] : memref<4x128x128xf32, #tpu.memory_space<vmem>> -> memref<1x128x128xf32, #tpu.memory_space<vmem>>
    %dma_wait3A_101 = tpu.memref_squeeze %dma_wait3A_100 : memref<1x128x128xf32, #tpu.memory_space<vmem>> -> memref<128x128xf32, #tpu.memory_space<vmem>>
    %dma_wait3A_102 = arith.constant 0 : i32
    %dma_wait3A_103 = tpu.memref_slice %arg6[%dma_wait3A_96, %dma_wait3A_102] : memref<2x128xi32, #tpu.memory_space<vmem>> -> memref<1x128xi32, #tpu.memory_space<vmem>>
    %dma_wait3A_104 = tpu.memref_squeeze %dma_wait3A_103 : memref<1x128xi32, #tpu.memory_space<vmem>> -> memref<128xi32, #tpu.memory_space<vmem>>
    %dma_wait3A_105 = arith.constant 0 : i32
    %dma_wait3A_106 = arith.constant 0 : i32
    %dma_wait3A_107 = tpu.memref_slice %arg2[%dma_wait3A_105, %dma_wait3A_106] : memref<100000x128xf32, #tpu.memory_space<hbm>> -> memref<100000x128xf32, #tpu.memory_space<hbm>>
    tpu.wait_indirect_dma semaphore(%arg8 : memref<!tpu.dma_semaphore, #tpu.memory_space<semaphore_mem>>) src(%dma_wait3A_107 : memref<100000x128xf32, #tpu.memory_space<hbm>>) dst(%dma_wait3A_101 : memref<128x128xf32, #tpu.memory_space<vmem>>)
    %mul3A_108 = arith.constant 2 : i32
    %mul3A_109 = arith.muli %add3A, %mul3A_108 : i32
    %add3A_110 = arith.constant 0 : i32
    %add3A_111 = arith.addi %mul3A_109, %add3A_110 : i32
    %mul3A_112 = arith.constant 128 : i32
    %mul3A_113 = arith.muli %add3A_111, %mul3A_112 : i32
    %dma_start3A_114 = arith.constant 0 : i32
    %dma_start3A_115 = arith.constant 0 : i32
    %dma_start3A_116 = arith.constant 0 : i32
    %dma_start3A_117 = arith.constant 0 : i32
    %dma_start3A_118 = tpu.memref_slice %arg7[%dma_start3A_114, %dma_start3A_116, %dma_start3A_117] : memref<4x128x128xf32, #tpu.memory_space<vmem>> -> memref<1x128x128xf32, #tpu.memory_space<vmem>>
    %dma_start3A_119 = tpu.memref_squeeze %dma_start3A_118 : memref<1x128x128xf32, #tpu.memory_space<vmem>> -> memref<128x128xf32, #tpu.memory_space<vmem>>
    %dma_start3A_120 = arith.constant 0 : i32
    %dma_start3A_121 = tpu.memref_slice %arg5[%dma_start3A_115, %mul3A_113, %dma_start3A_120] : memref<2x8192x128xf32, #tpu.memory_space<hbm>> -> memref<1x128x128xf32, #tpu.memory_space<hbm>>
    %dma_start3A_122 = tpu.memref_squeeze %dma_start3A_121 : memref<1x128x128xf32, #tpu.memory_space<hbm>> -> memref<128x128xf32, #tpu.memory_space<hbm>>
    %dma_start3A_123 = arith.constant 0 : i32
    %dma_start3A_124 = tpu.memref_slice %arg5[%dma_start3A_115, %mul3A_113, %dma_start3A_123] : memref<2x8192x128xf32, #tpu.memory_space<hbm>> -> memref<1x128x128xf32, #tpu.memory_space<hbm>>
    %dma_start3A_125 = tpu.memref_squeeze %dma_start3A_124 : memref<1x128x128xf32, #tpu.memory_space<hbm>> -> memref<128x128xf32, #tpu.memory_space<hbm>>
    %dma_start3A_126 = arith.constant 0 : i32
    %dma_start3A_127 = arith.constant 0 : i32
    %dma_start3A_128 = tpu.memref_slice %arg7[%dma_start3A_114, %dma_start3A_126, %dma_start3A_127] : memref<4x128x128xf32, #tpu.memory_space<vmem>> -> memref<1x128x128xf32, #tpu.memory_space<vmem>>
    %dma_start3A_129 = tpu.memref_squeeze %dma_start3A_128 : memref<1x128x128xf32, #tpu.memory_space<vmem>> -> memref<128x128xf32, #tpu.memory_space<vmem>>
    tpu.enqueue_dma source(%dma_start3A_129 : memref<128x128xf32, #tpu.memory_space<vmem>>) target(%dma_start3A_125 : memref<128x128xf32, #tpu.memory_space<hbm>>) target_semaphore(%arg9 : memref<!tpu.dma_semaphore, #tpu.memory_space<semaphore_mem>>)
    %dma_start3A_130 = arith.constant 1 : i32
    %dma_start3A_131 = arith.constant 1 : i32
    %dma_start3A_132 = arith.constant 0 : i32
    %dma_start3A_133 = arith.constant 0 : i32
    %dma_start3A_134 = tpu.memref_slice %arg7[%dma_start3A_130, %dma_start3A_132, %dma_start3A_133] : memref<4x128x128xf32, #tpu.memory_space<vmem>> -> memref<1x128x128xf32, #tpu.memory_space<vmem>>
    %dma_start3A_135 = tpu.memref_squeeze %dma_start3A_134 : memref<1x128x128xf32, #tpu.memory_space<vmem>> -> memref<128x128xf32, #tpu.memory_space<vmem>>
    %dma_start3A_136 = arith.constant 0 : i32
    %dma_start3A_137 = tpu.memref_slice %arg5[%dma_start3A_131, %mul3A_113, %dma_start3A_136] : memref<2x8192x128xf32, #tpu.memory_space<hbm>> -> memref<1x128x128xf32, #tpu.memory_space<hbm>>
    %dma_start3A_138 = tpu.memref_squeeze %dma_start3A_137 : memref<1x128x128xf32, #tpu.memory_space<hbm>> -> memref<128x128xf32, #tpu.memory_space<hbm>>
    %dma_start3A_139 = arith.constant 0 : i32
    %dma_start3A_140 = tpu.memref_slice %arg5[%dma_start3A_131, %mul3A_113, %dma_start3A_139] : memref<2x8192x128xf32, #tpu.memory_space<hbm>> -> memref<1x128x128xf32, #tpu.memory_space<hbm>>
    %dma_start3A_141 = tpu.memref_squeeze %dma_start3A_140 : memref<1x128x128xf32, #tpu.memory_space<hbm>> -> memref<128x128xf32, #tpu.memory_space<hbm>>
    %dma_start3A_142 = arith.constant 0 : i32
    %dma_start3A_143 = arith.constant 0 : i32
    %dma_start3A_144 = tpu.memref_slice %arg7[%dma_start3A_130, %dma_start3A_142, %dma_start3A_143] : memref<4x128x128xf32, #tpu.memory_space<vmem>> -> memref<1x128x128xf32, #tpu.memory_space<vmem>>
    %dma_start3A_145 = tpu.memref_squeeze %dma_start3A_144 : memref<1x128x128xf32, #tpu.memory_space<vmem>> -> memref<128x128xf32, #tpu.memory_space<vmem>>
    tpu.enqueue_dma source(%dma_start3A_145 : memref<128x128xf32, #tpu.memory_space<vmem>>) target(%dma_start3A_141 : memref<128x128xf32, #tpu.memory_space<hbm>>) target_semaphore(%arg9 : memref<!tpu.dma_semaphore, #tpu.memory_space<semaphore_mem>>)
    %mul3A_146 = arith.constant 2 : i32
    %mul3A_147 = arith.muli %add3A, %mul3A_146 : i32
    %add3A_148 = arith.constant 1 : i32
    %add3A_149 = arith.addi %mul3A_147, %add3A_148 : i32
    %mul3A_150 = arith.constant 128 : i32
    %mul3A_151 = arith.muli %add3A_149, %mul3A_150 : i32
    %dma_start3A_152 = arith.constant 2 : i32
    %dma_start3A_153 = arith.constant 0 : i32
    %dma_start3A_154 = arith.constant 0 : i32
    %dma_start3A_155 = arith.constant 0 : i32
    %dma_start3A_156 = tpu.memref_slice %arg7[%dma_start3A_152, %dma_start3A_154, %dma_start3A_155] : memref<4x128x128xf32, #tpu.memory_space<vmem>> -> memref<1x128x128xf32, #tpu.memory_space<vmem>>
    %dma_start3A_157 = tpu.memref_squeeze %dma_start3A_156 : memref<1x128x128xf32, #tpu.memory_space<vmem>> -> memref<128x128xf32, #tpu.memory_space<vmem>>
    %dma_start3A_158 = arith.constant 0 : i32
    %dma_start3A_159 = tpu.memref_slice %arg5[%dma_start3A_153, %mul3A_151, %dma_start3A_158] : memref<2x8192x128xf32, #tpu.memory_space<hbm>> -> memref<1x128x128xf32, #tpu.memory_space<hbm>>
    %dma_start3A_160 = tpu.memref_squeeze %dma_start3A_159 : memref<1x128x128xf32, #tpu.memory_space<hbm>> -> memref<128x128xf32, #tpu.memory_space<hbm>>
    %dma_start3A_161 = arith.constant 0 : i32
    %dma_start3A_162 = tpu.memref_slice %arg5[%dma_start3A_153, %mul3A_151, %dma_start3A_161] : memref<2x8192x128xf32, #tpu.memory_space<hbm>> -> memref<1x128x128xf32, #tpu.memory_space<hbm>>
    %dma_start3A_163 = tpu.memref_squeeze %dma_start3A_162 : memref<1x128x128xf32, #tpu.memory_space<hbm>> -> memref<128x128xf32, #tpu.memory_space<hbm>>
    %dma_start3A_164 = arith.constant 0 : i32
    %dma_start3A_165 = arith.constant 0 : i32
    %dma_start3A_166 = tpu.memref_slice %arg7[%dma_start3A_152, %dma_start3A_164, %dma_start3A_165] : memref<4x128x128xf32, #tpu.memory_space<vmem>> -> memref<1x128x128xf32, #tpu.memory_space<vmem>>
    %dma_start3A_167 = tpu.memref_squeeze %dma_start3A_166 : memref<1x128x128xf32, #tpu.memory_space<vmem>> -> memref<128x128xf32, #tpu.memory_space<vmem>>
    tpu.enqueue_dma source(%dma_start3A_167 : memref<128x128xf32, #tpu.memory_space<vmem>>) target(%dma_start3A_163 : memref<128x128xf32, #tpu.memory_space<hbm>>) target_semaphore(%arg9 : memref<!tpu.dma_semaphore, #tpu.memory_space<semaphore_mem>>)
    %dma_start3A_168 = arith.constant 3 : i32
    %dma_start3A_169 = arith.constant 1 : i32
    %dma_start3A_170 = arith.constant 0 : i32
    %dma_start3A_171 = arith.constant 0 : i32
    %dma_start3A_172 = tpu.memref_slice %arg7[%dma_start3A_168, %dma_start3A_170, %dma_start3A_171] : memref<4x128x128xf32, #tpu.memory_space<vmem>> -> memref<1x128x128xf32, #tpu.memory_space<vmem>>
    %dma_start3A_173 = tpu.memref_squeeze %dma_start3A_172 : memref<1x128x128xf32, #tpu.memory_space<vmem>> -> memref<128x128xf32, #tpu.memory_space<vmem>>
    %dma_start3A_174 = arith.constant 0 : i32
    %dma_start3A_175 = tpu.memref_slice %arg5[%dma_start3A_169, %mul3A_151, %dma_start3A_174] : memref<2x8192x128xf32, #tpu.memory_space<hbm>> -> memref<1x128x128xf32, #tpu.memory_space<hbm>>
    %dma_start3A_176 = tpu.memref_squeeze %dma_start3A_175 : memref<1x128x128xf32, #tpu.memory_space<hbm>> -> memref<128x128xf32, #tpu.memory_space<hbm>>
    %dma_start3A_177 = arith.constant 0 : i32
    %dma_start3A_178 = tpu.memref_slice %arg5[%dma_start3A_169, %mul3A_151, %dma_start3A_177] : memref<2x8192x128xf32, #tpu.memory_space<hbm>> -> memref<1x128x128xf32, #tpu.memory_space<hbm>>
    %dma_start3A_179 = tpu.memref_squeeze %dma_start3A_178 : memref<1x128x128xf32, #tpu.memory_space<hbm>> -> memref<128x128xf32, #tpu.memory_space<hbm>>
    %dma_start3A_180 = arith.constant 0 : i32
    %dma_start3A_181 = arith.constant 0 : i32
    %dma_start3A_182 = tpu.memref_slice %arg7[%dma_start3A_168, %dma_start3A_180, %dma_start3A_181] : memref<4x128x128xf32, #tpu.memory_space<vmem>> -> memref<1x128x128xf32, #tpu.memory_space<vmem>>
    %dma_start3A_183 = tpu.memref_squeeze %dma_start3A_182 : memref<1x128x128xf32, #tpu.memory_space<vmem>> -> memref<128x128xf32, #tpu.memory_space<vmem>>
    tpu.enqueue_dma source(%dma_start3A_183 : memref<128x128xf32, #tpu.memory_space<vmem>>) target(%dma_start3A_179 : memref<128x128xf32, #tpu.memory_space<hbm>>) target_semaphore(%arg9 : memref<!tpu.dma_semaphore, #tpu.memory_space<semaphore_mem>>)
    %dma_wait3A_184 = arith.constant 0 : i32
    %dma_wait3A_185 = arith.constant 0 : i32
    %dma_wait3A_186 = arith.constant 0 : i32
    %dma_wait3A_187 = arith.constant 0 : i32
    %dma_wait3A_188 = tpu.memref_slice %arg7[%dma_wait3A_184, %dma_wait3A_186, %dma_wait3A_187] : memref<4x128x128xf32, #tpu.memory_space<vmem>> -> memref<1x128x128xf32, #tpu.memory_space<vmem>>
    %dma_wait3A_189 = tpu.memref_squeeze %dma_wait3A_188 : memref<1x128x128xf32, #tpu.memory_space<vmem>> -> memref<128x128xf32, #tpu.memory_space<vmem>>
    %dma_wait3A_190 = arith.constant 0 : i32
    %dma_wait3A_191 = tpu.memref_slice %arg5[%dma_wait3A_185, %mul3A_113, %dma_wait3A_190] : memref<2x8192x128xf32, #tpu.memory_space<hbm>> -> memref<1x128x128xf32, #tpu.memory_space<hbm>>
    %dma_wait3A_192 = tpu.memref_squeeze %dma_wait3A_191 : memref<1x128x128xf32, #tpu.memory_space<hbm>> -> memref<128x128xf32, #tpu.memory_space<hbm>>
    %dma_wait3A_193 = arith.constant 0 : i32
    %dma_wait3A_194 = tpu.memref_slice %arg5[%dma_wait3A_185, %mul3A_113, %dma_wait3A_193] : memref<2x8192x128xf32, #tpu.memory_space<hbm>> -> memref<1x128x128xf32, #tpu.memory_space<hbm>>
    %dma_wait3A_195 = tpu.memref_squeeze %dma_wait3A_194 : memref<1x128x128xf32, #tpu.memory_space<hbm>> -> memref<128x128xf32, #tpu.memory_space<hbm>>
    %dma_wait3A_196 = arith.constant 0 : i32
    %dma_wait3A_197 = arith.constant 0 : i32
    %dma_wait3A_198 = tpu.memref_slice %arg7[%dma_wait3A_184, %dma_wait3A_196, %dma_wait3A_197] : memref<4x128x128xf32, #tpu.memory_space<vmem>> -> memref<1x128x128xf32, #tpu.memory_space<vmem>>
    %dma_wait3A_199 = tpu.memref_squeeze %dma_wait3A_198 : memref<1x128x128xf32, #tpu.memory_space<vmem>> -> memref<128x128xf32, #tpu.memory_space<vmem>>
    tpu.wait_dma2 semaphore(%arg9 : memref<!tpu.dma_semaphore, #tpu.memory_space<semaphore_mem>>) src(%dma_wait3A_199 : memref<128x128xf32, #tpu.memory_space<vmem>>) dst(%dma_wait3A_195 : memref<128x128xf32, #tpu.memory_space<hbm>>)
    %dma_wait3A_200 = arith.constant 1 : i32
    %dma_wait3A_201 = arith.constant 1 : i32
    %dma_wait3A_202 = arith.constant 0 : i32
    %dma_wait3A_203 = arith.constant 0 : i32
    %dma_wait3A_204 = tpu.memref_slice %arg7[%dma_wait3A_200, %dma_wait3A_202, %dma_wait3A_203] : memref<4x128x128xf32, #tpu.memory_space<vmem>> -> memref<1x128x128xf32, #tpu.memory_space<vmem>>
    %dma_wait3A_205 = tpu.memref_squeeze %dma_wait3A_204 : memref<1x128x128xf32, #tpu.memory_space<vmem>> -> memref<128x128xf32, #tpu.memory_space<vmem>>
    %dma_wait3A_206 = arith.constant 0 : i32
    %dma_wait3A_207 = tpu.memref_slice %arg5[%dma_wait3A_201, %mul3A_113, %dma_wait3A_206] : memref<2x8192x128xf32, #tpu.memory_space<hbm>> -> memref<1x128x128xf32, #tpu.memory_space<hbm>>
    %dma_wait3A_208 = tpu.memref_squeeze %dma_wait3A_207 : memref<1x128x128xf32, #tpu.memory_space<hbm>> -> memref<128x128xf32, #tpu.memory_space<hbm>>
    %dma_wait3A_209 = arith.constant 0 : i32
    %dma_wait3A_210 = tpu.memref_slice %arg5[%dma_wait3A_201, %mul3A_113, %dma_wait3A_209] : memref<2x8192x128xf32, #tpu.memory_space<hbm>> -> memref<1x128x128xf32, #tpu.memory_space<hbm>>
    %dma_wait3A_211 = tpu.memref_squeeze %dma_wait3A_210 : memref<1x128x128xf32, #tpu.memory_space<hbm>> -> memref<128x128xf32, #tpu.memory_space<hbm>>
    %dma_wait3A_212 = arith.constant 0 : i32
    %dma_wait3A_213 = arith.constant 0 : i32
    %dma_wait3A_214 = tpu.memref_slice %arg7[%dma_wait3A_200, %dma_wait3A_212, %dma_wait3A_213] : memref<4x128x128xf32, #tpu.memory_space<vmem>> -> memref<1x128x128xf32, #tpu.memory_space<vmem>>
    %dma_wait3A_215 = tpu.memref_squeeze %dma_wait3A_214 : memref<1x128x128xf32, #tpu.memory_space<vmem>> -> memref<128x128xf32, #tpu.memory_space<vmem>>
    tpu.wait_dma2 semaphore(%arg9 : memref<!tpu.dma_semaphore, #tpu.memory_space<semaphore_mem>>) src(%dma_wait3A_215 : memref<128x128xf32, #tpu.memory_space<vmem>>) dst(%dma_wait3A_211 : memref<128x128xf32, #tpu.memory_space<hbm>>)
    %dma_wait3A_216 = arith.constant 2 : i32
    %dma_wait3A_217 = arith.constant 0 : i32
    %dma_wait3A_218 = arith.constant 0 : i32
    %dma_wait3A_219 = arith.constant 0 : i32
    %dma_wait3A_220 = tpu.memref_slice %arg7[%dma_wait3A_216, %dma_wait3A_218, %dma_wait3A_219] : memref<4x128x128xf32, #tpu.memory_space<vmem>> -> memref<1x128x128xf32, #tpu.memory_space<vmem>>
    %dma_wait3A_221 = tpu.memref_squeeze %dma_wait3A_220 : memref<1x128x128xf32, #tpu.memory_space<vmem>> -> memref<128x128xf32, #tpu.memory_space<vmem>>
    %dma_wait3A_222 = arith.constant 0 : i32
    %dma_wait3A_223 = tpu.memref_slice %arg5[%dma_wait3A_217, %mul3A_151, %dma_wait3A_222] : memref<2x8192x128xf32, #tpu.memory_space<hbm>> -> memref<1x128x128xf32, #tpu.memory_space<hbm>>
    %dma_wait3A_224 = tpu.memref_squeeze %dma_wait3A_223 : memref<1x128x128xf32, #tpu.memory_space<hbm>> -> memref<128x128xf32, #tpu.memory_space<hbm>>
    %dma_wait3A_225 = arith.constant 0 : i32
    %dma_wait3A_226 = tpu.memref_slice %arg5[%dma_wait3A_217, %mul3A_151, %dma_wait3A_225] : memref<2x8192x128xf32, #tpu.memory_space<hbm>> -> memref<1x128x128xf32, #tpu.memory_space<hbm>>
    %dma_wait3A_227 = tpu.memref_squeeze %dma_wait3A_226 : memref<1x128x128xf32, #tpu.memory_space<hbm>> -> memref<128x128xf32, #tpu.memory_space<hbm>>
    %dma_wait3A_228 = arith.constant 0 : i32
    %dma_wait3A_229 = arith.constant 0 : i32
    %dma_wait3A_230 = tpu.memref_slice %arg7[%dma_wait3A_216, %dma_wait3A_228, %dma_wait3A_229] : memref<4x128x128xf32, #tpu.memory_space<vmem>> -> memref<1x128x128xf32, #tpu.memory_space<vmem>>
    %dma_wait3A_231 = tpu.memref_squeeze %dma_wait3A_230 : memref<1x128x128xf32, #tpu.memory_space<vmem>> -> memref<128x128xf32, #tpu.memory_space<vmem>>
    tpu.wait_dma2 semaphore(%arg9 : memref<!tpu.dma_semaphore, #tpu.memory_space<semaphore_mem>>) src(%dma_wait3A_231 : memref<128x128xf32, #tpu.memory_space<vmem>>) dst(%dma_wait3A_227 : memref<128x128xf32, #tpu.memory_space<hbm>>)
    %dma_wait3A_232 = arith.constant 3 : i32
    %dma_wait3A_233 = arith.constant 1 : i32
    %dma_wait3A_234 = arith.constant 0 : i32
    %dma_wait3A_235 = arith.constant 0 : i32
    %dma_wait3A_236 = tpu.memref_slice %arg7[%dma_wait3A_232, %dma_wait3A_234, %dma_wait3A_235] : memref<4x128x128xf32, #tpu.memory_space<vmem>> -> memref<1x128x128xf32, #tpu.memory_space<vmem>>
    %dma_wait3A_237 = tpu.memref_squeeze %dma_wait3A_236 : memref<1x128x128xf32, #tpu.memory_space<vmem>> -> memref<128x128xf32, #tpu.memory_space<vmem>>
    %dma_wait3A_238 = arith.constant 0 : i32
    %dma_wait3A_239 = tpu.memref_slice %arg5[%dma_wait3A_233, %mul3A_151, %dma_wait3A_238] : memref<2x8192x128xf32, #tpu.memory_space<hbm>> -> memref<1x128x128xf32, #tpu.memory_space<hbm>>
    %dma_wait3A_240 = tpu.memref_squeeze %dma_wait3A_239 : memref<1x128x128xf32, #tpu.memory_space<hbm>> -> memref<128x128xf32, #tpu.memory_space<hbm>>
    %dma_wait3A_241 = arith.constant 0 : i32
    %dma_wait3A_242 = tpu.memref_slice %arg5[%dma_wait3A_233, %mul3A_151, %dma_wait3A_241] : memref<2x8192x128xf32, #tpu.memory_space<hbm>> -> memref<1x128x128xf32, #tpu.memory_space<hbm>>
    %dma_wait3A_243 = tpu.memref_squeeze %dma_wait3A_242 : memref<1x128x128xf32, #tpu.memory_space<hbm>> -> memref<128x128xf32, #tpu.memory_space<hbm>>
    %dma_wait3A_244 = arith.constant 0 : i32
    %dma_wait3A_245 = arith.constant 0 : i32
    %dma_wait3A_246 = tpu.memref_slice %arg7[%dma_wait3A_232, %dma_wait3A_244, %dma_wait3A_245] : memref<4x128x128xf32, #tpu.memory_space<vmem>> -> memref<1x128x128xf32, #tpu.memory_space<vmem>>
    %dma_wait3A_247 = tpu.memref_squeeze %dma_wait3A_246 : memref<1x128x128xf32, #tpu.memory_space<vmem>> -> memref<128x128xf32, #tpu.memory_space<vmem>>
    tpu.wait_dma2 semaphore(%arg9 : memref<!tpu.dma_semaphore, #tpu.memory_space<semaphore_mem>>) src(%dma_wait3A_247 : memref<128x128xf32, #tpu.memory_space<vmem>>) dst(%dma_wait3A_243 : memref<128x128xf32, #tpu.memory_space<hbm>>)
    return
  }
}

module attributes {stable_mosaic.version = 14 : i64} {
  func.func @_pass2_kernel(%arg0: i32, %arg1: memref<1x1x512x128xf32, #tpu.memory_space<vmem>>, %arg2: memref<2x16x128xf32, #tpu.memory_space<vmem>>, %arg3: memref<2x8x128xf32, #tpu.memory_space<vmem>>, %arg4: memref<2128x128xf32, #tpu.memory_space<vmem>>, %arg5: memref<100000x128xf32, #tpu.memory_space<hbm>>, %arg6: memref<16x512x128xf32, #tpu.memory_space<vmem>>, %arg7: memref<2128x128xf32, #tpu.memory_space<vmem>>) attributes {dimension_semantics = [#tpu.dimension_semantics<arbitrary>], iteration_bounds = array<i64: 16>, scalar_prefetch = 0 : i64, scratch_operands = 0 : i64, tpu.core_type = #tpu.core_type<tc>, window_params = [{transform_indices = @transform_0, window_bounds = array<i64: 1, 1, 512, 128>}, {pipeline_mode = #tpu.pipeline_mode<synchronous>, transform_indices = @transform_1, window_bounds = array<i64: 2, 16, 128>}, {pipeline_mode = #tpu.pipeline_mode<synchronous>, transform_indices = @transform_2, window_bounds = array<i64: 2, 8, 128>}, {transform_indices = @transform_3, window_bounds = array<i64: 2128, 128>}, {}, {transform_indices = @transform_5, window_bounds = array<i64: 16, 512, 128>}, {transform_indices = @transform_6, window_bounds = array<i64: 2128, 128>}]} {
    %get3A = arith.constant 0 : index
    %get3A_0 = arith.constant 0 : index
    %get3A_1 = vector.load %arg4[%get3A, %get3A_0] : memref<2128x128xf32, #tpu.memory_space<vmem>>, vector<2128x128xf32>
    %swap3A = arith.constant 0 : index
    %swap3A_2 = arith.constant 0 : index
    %swap3A_3 = vector.load %arg7[%swap3A, %swap3A_2] : memref<2128x128xf32, #tpu.memory_space<vmem>>, vector<2128x128xf32>
    tpu.vector_store %arg7[%swap3A, %swap3A_2], %get3A_1 {strides = array<i32>} : memref<2128x128xf32, #tpu.memory_space<vmem>>, vector<2128x128xf32>,
    %get3A_4 = arith.constant 0 : index
    %get3A_5 = arith.constant 0 : index
    %get3A_6 = arith.constant 0 : index
    %get3A_7 = arith.constant 0 : index
    %get3A_8 = vector.load %arg1[%get3A_4, %get3A_5, %get3A_6, %get3A_7] : memref<1x1x512x128xf32, #tpu.memory_space<vmem>>, vector<1x1x512x128xf32>
    %get3A_9 = vector.shape_cast %get3A_8 : vector<1x1x512x128xf32> to vector<512x128xf32>
    %add3A = arith.constant 9.99999997E-7 : f32
    %add3A_10 = vector.broadcast %add3A : f32 to vector<512x128xf32>
    %add3A_11 = arith.addf %get3A_9, %add3A_10 : vector<512x128xf32>
    %get3A_12 = arith.constant 0 : index
    %get3A_13 = arith.constant 0 : index
    %get3A_14 = arith.constant 0 : index
    %get3A_15 = vector.load %arg2[%get3A_12, %get3A_13, %get3A_14] : memref<2x16x128xf32, #tpu.memory_space<vmem>>, vector<1x16x128xf32>
    %get3A_16 = vector.shape_cast %get3A_15 : vector<1x16x128xf32> to vector<16x128xf32>
    %get3A_17 = arith.constant 0 : index
    %get3A_18 = arith.constant 0 : index
    %get3A_19 = arith.constant 0 : index
    %get3A_20 = vector.load %arg3[%get3A_17, %get3A_18, %get3A_19] : memref<2x8x128xf32, #tpu.memory_space<vmem>>, vector<1x1x128xf32>
    %get3A_21 = vector.shape_cast %get3A_20 : vector<1x1x128xf32> to vector<1x128xf32>
    %reduce_sum3A = arith.constant dense<0.000000e+00> : vector<1xf32>
    %reduce_sum3A_22 = vector.multi_reduction <add>, %get3A_21, %reduce_sum3A [1] : vector<1x128xf32> to vector<1xf32>
    %broadcast_in_dim3A = vector.shape_cast %reduce_sum3A_22 : vector<1xf32> to vector<1x1xf32>
    %mul3A = arith.constant 0.00596046448 : f32
    %mul3A_23 = vector.broadcast %mul3A : f32 to vector<1x1xf32>
    %mul3A_24 = arith.mulf %broadcast_in_dim3A, %mul3A_23 : vector<1x1xf32>
    %log3A = math.log %mul3A_24 : vector<1x1xf32>
    %log3A_25 = arith.constant 2.000000e+00 : f32
    %log3A_26 = math.log %log3A_25 : f32
    %div3A = vector.broadcast %log3A_26 : f32 to vector<1x1xf32>
    %div3A_27 = arith.divf %log3A, %div3A : vector<1x1xf32>
    %neg3A = arith.constant 0.000000e+00 : f32
    %neg3A_28 = vector.broadcast %neg3A : f32 to vector<1x1xf32>
    %neg3A_29 = arith.subf %neg3A_28, %div3A_27 : vector<1x1xf32>
    %dot_general3A = arith.constant dense<0.000000e+00> : vector<512x16xf32>
    %dot_general3A_30 = tpu.matmul %add3A_11, %get3A_16, %dot_general3A {dimension_numbers = #tpu.dot_dimension_numbers<[1], [1], [0], [0], [0, 0, 1, 0], [], []>, precision = #tpu.contract_precision<fp32>, transpose_lhs_hint = false} : vector<512x128xf32>, vector<16x128xf32>, vector<512x16xf32> -> vector<512x16xf32>
    %mul3A_31 = arith.mulf %add3A_11, %add3A_11 : vector<512x128xf32>
    %reduce_sum3A_32 = arith.constant dense<0.000000e+00> : vector<512xf32>
    %reduce_sum3A_33 = vector.multi_reduction <add>, %mul3A_31, %reduce_sum3A_32 [1] : vector<512x128xf32> to vector<512xf32>
    %broadcast_in_dim3A_34 = vector.shape_cast %reduce_sum3A_33 : vector<512xf32> to vector<512x1xf32>
    %mul3A_35 = arith.mulf %get3A_16, %get3A_16 : vector<16x128xf32>
    %reduce_sum3A_36 = arith.constant dense<0.000000e+00> : vector<16xf32>
    %reduce_sum3A_37 = vector.multi_reduction <add>, %mul3A_35, %reduce_sum3A_36 [1] : vector<16x128xf32> to vector<16xf32>
    %mul3A_38 = arith.constant 2.000000e+00 : f32
    %mul3A_39 = vector.broadcast %mul3A_38 : f32 to vector<512x16xf32>
    %mul3A_40 = arith.mulf %mul3A_39, %dot_general3A_30 : vector<512x16xf32>
    %sub3A = vector.broadcast %broadcast_in_dim3A_34 : vector<512x1xf32> to vector<512x16xf32>
    %sub3A_41 = arith.subf %sub3A, %mul3A_40 : vector<512x16xf32>
    %broadcast_in_dim3A_42 = vector.shape_cast %reduce_sum3A_37 : vector<16xf32> to vector<1x16xf32>
    %add3A_43 = vector.broadcast %broadcast_in_dim3A_42 : vector<1x16xf32> to vector<512x16xf32>
    %add3A_44 = arith.addf %sub3A_41, %add3A_43 : vector<512x16xf32>
    %max3A = arith.constant 9.99999997E-7 : f32
    %max3A_45 = vector.broadcast %max3A : f32 to vector<512x16xf32>
    %max3A_46 = arith.maximumf %add3A_44, %max3A_45 : vector<512x16xf32>
    %sqrt3A = math.sqrt %max3A_46 : vector<512x16xf32>
    %div3A_47 = arith.constant 2.885390e+01 : f32
    %div3A_48 = vector.broadcast %div3A_47 : f32 to vector<512x16xf32>
    %div3A_49 = arith.divf %div3A_48, %sqrt3A : vector<512x16xf32>
    %slice3A = vector.extract_strided_slice %div3A_49 {offsets = [0, 0], sizes = [512, 1], strides = [1, 1]} : vector<512x16xf32> to vector<512x1xf32>
    %slice3A_50 = vector.extract_strided_slice %get3A_16 {offsets = [0, 0], sizes = [1, 128], strides = [1, 1]} : vector<16x128xf32> to vector<1x128xf32>
    %squeeze3A = vector.shape_cast %slice3A_50 : vector<1x128xf32> to vector<128xf32>
    %broadcast_in_dim3A_51 = vector.shape_cast %squeeze3A : vector<128xf32> to vector<1x128xf32>
    %sub3A_52 = vector.broadcast %broadcast_in_dim3A_51 : vector<1x128xf32> to vector<512x128xf32>
    %sub3A_53 = arith.subf %add3A_11, %sub3A_52 : vector<512x128xf32>
    %mul3A_54 = vector.broadcast %slice3A : vector<512x1xf32> to vector<512x128xf32>
    %mul3A_55 = arith.mulf %sub3A_53, %mul3A_54 : vector<512x128xf32>
    %add3A_56 = vector.broadcast %neg3A_29 : vector<1x1xf32> to vector<512x128xf32>
    %add3A_57 = arith.addf %mul3A_55, %add3A_56 : vector<512x128xf32>
    %exp23A = math.exp2 %add3A_57 : vector<512x128xf32>
    %broadcast_in_dim3A_58 = vector.shape_cast %exp23A : vector<512x128xf32> to vector<1x512x128xf32>
    %swap3A_59 = arith.constant 0 : index
    %swap3A_60 = arith.constant 0 : index
    %swap3A_61 = arith.constant 0 : index
    %swap3A_62 = vector.load %arg6[%swap3A_59, %swap3A_60, %swap3A_61] : memref<16x512x128xf32, #tpu.memory_space<vmem>>, vector<1x512x128xf32>
    tpu.vector_store %arg6[%swap3A_59, %swap3A_60, %swap3A_61], %broadcast_in_dim3A_58 {strides = array<i32>} : memref<16x512x128xf32, #tpu.memory_space<vmem>>, vector<1x512x128xf32>,
    %slice3A_63 = vector.extract_strided_slice %div3A_49 {offsets = [0, 1], sizes = [512, 1], strides = [1, 1]} : vector<512x16xf32> to vector<512x1xf32>
    %slice3A_64 = vector.extract_strided_slice %get3A_16 {offsets = [1, 0], sizes = [1, 128], strides = [1, 1]} : vector<16x128xf32> to vector<1x128xf32>
    %squeeze3A_65 = vector.shape_cast %slice3A_64 : vector<1x128xf32> to vector<128xf32>
    %broadcast_in_dim3A_66 = vector.shape_cast %squeeze3A_65 : vector<128xf32> to vector<1x128xf32>
    %sub3A_67 = vector.broadcast %broadcast_in_dim3A_66 : vector<1x128xf32> to vector<512x128xf32>
    %sub3A_68 = arith.subf %add3A_11, %sub3A_67 : vector<512x128xf32>
    %mul3A_69 = vector.broadcast %slice3A_63 : vector<512x1xf32> to vector<512x128xf32>
    %mul3A_70 = arith.mulf %sub3A_68, %mul3A_69 : vector<512x128xf32>
    %add3A_71 = vector.broadcast %neg3A_29 : vector<1x1xf32> to vector<512x128xf32>
    %add3A_72 = arith.addf %mul3A_70, %add3A_71 : vector<512x128xf32>
    %exp23A_73 = math.exp2 %add3A_72 : vector<512x128xf32>
    %broadcast_in_dim3A_74 = vector.shape_cast %exp23A_73 : vector<512x128xf32> to vector<1x512x128xf32>
    %swap3A_75 = arith.constant 1 : index
    %swap3A_76 = arith.constant 0 : index
    %swap3A_77 = arith.constant 0 : index
    %swap3A_78 = vector.load %arg6[%swap3A_75, %swap3A_76, %swap3A_77] : memref<16x512x128xf32, #tpu.memory_space<vmem>>, vector<1x512x128xf32>
    tpu.vector_store %arg6[%swap3A_75, %swap3A_76, %swap3A_77], %broadcast_in_dim3A_74 {strides = array<i32>} : memref<16x512x128xf32, #tpu.memory_space<vmem>>, vector<1x512x128xf32>,
    %slice3A_79 = vector.extract_strided_slice %div3A_49 {offsets = [0, 2], sizes = [512, 1], strides = [1, 1]} : vector<512x16xf32> to vector<512x1xf32>
    %slice3A_80 = vector.extract_strided_slice %get3A_16 {offsets = [2, 0], sizes = [1, 128], strides = [1, 1]} : vector<16x128xf32> to vector<1x128xf32>
    %squeeze3A_81 = vector.shape_cast %slice3A_80 : vector<1x128xf32> to vector<128xf32>
    %broadcast_in_dim3A_82 = vector.shape_cast %squeeze3A_81 : vector<128xf32> to vector<1x128xf32>
    %sub3A_83 = vector.broadcast %broadcast_in_dim3A_82 : vector<1x128xf32> to vector<512x128xf32>
    %sub3A_84 = arith.subf %add3A_11, %sub3A_83 : vector<512x128xf32>
    %mul3A_85 = vector.broadcast %slice3A_79 : vector<512x1xf32> to vector<512x128xf32>
    %mul3A_86 = arith.mulf %sub3A_84, %mul3A_85 : vector<512x128xf32>
    %add3A_87 = vector.broadcast %neg3A_29 : vector<1x1xf32> to vector<512x128xf32>
    %add3A_88 = arith.addf %mul3A_86, %add3A_87 : vector<512x128xf32>
    %exp23A_89 = math.exp2 %add3A_88 : vector<512x128xf32>
    %broadcast_in_dim3A_90 = vector.shape_cast %exp23A_89 : vector<512x128xf32> to vector<1x512x128xf32>
    %swap3A_91 = arith.constant 2 : index
    %swap3A_92 = arith.constant 0 : index
    %swap3A_93 = arith.constant 0 : index
    %swap3A_94 = vector.load %arg6[%swap3A_91, %swap3A_92, %swap3A_93] : memref<16x512x128xf32, #tpu.memory_space<vmem>>, vector<1x512x128xf32>
    tpu.vector_store %arg6[%swap3A_91, %swap3A_92, %swap3A_93], %broadcast_in_dim3A_90 {strides = array<i32>} : memref<16x512x128xf32, #tpu.memory_space<vmem>>, vector<1x512x128xf32>,
    %slice3A_95 = vector.extract_strided_slice %div3A_49 {offsets = [0, 3], sizes = [512, 1], strides = [1, 1]} : vector<512x16xf32> to vector<512x1xf32>
    %slice3A_96 = vector.extract_strided_slice %get3A_16 {offsets = [3, 0], sizes = [1, 128], strides = [1, 1]} : vector<16x128xf32> to vector<1x128xf32>
    %squeeze3A_97 = vector.shape_cast %slice3A_96 : vector<1x128xf32> to vector<128xf32>
    %broadcast_in_dim3A_98 = vector.shape_cast %squeeze3A_97 : vector<128xf32> to vector<1x128xf32>
    %sub3A_99 = vector.broadcast %broadcast_in_dim3A_98 : vector<1x128xf32> to vector<512x128xf32>
    %sub3A_100 = arith.subf %add3A_11, %sub3A_99 : vector<512x128xf32>
    %mul3A_101 = vector.broadcast %slice3A_95 : vector<512x1xf32> to vector<512x128xf32>
    %mul3A_102 = arith.mulf %sub3A_100, %mul3A_101 : vector<512x128xf32>
    %add3A_103 = vector.broadcast %neg3A_29 : vector<1x1xf32> to vector<512x128xf32>
    %add3A_104 = arith.addf %mul3A_102, %add3A_103 : vector<512x128xf32>
    %exp23A_105 = math.exp2 %add3A_104 : vector<512x128xf32>
    %broadcast_in_dim3A_106 = vector.shape_cast %exp23A_105 : vector<512x128xf32> to vector<1x512x128xf32>
    %swap3A_107 = arith.constant 3 : index
    %swap3A_108 = arith.constant 0 : index
    %swap3A_109 = arith.constant 0 : index
    %swap3A_110 = vector.load %arg6[%swap3A_107, %swap3A_108, %swap3A_109] : memref<16x512x128xf32, #tpu.memory_space<vmem>>, vector<1x512x128xf32>
    tpu.vector_store %arg6[%swap3A_107, %swap3A_108, %swap3A_109], %broadcast_in_dim3A_106 {strides = array<i32>} : memref<16x512x128xf32, #tpu.memory_space<vmem>>, vector<1x512x128xf32>,
    %slice3A_111 = vector.extract_strided_slice %div3A_49 {offsets = [0, 4], sizes = [512, 1], strides = [1, 1]} : vector<512x16xf32> to vector<512x1xf32>
    %slice3A_112 = vector.extract_strided_slice %get3A_16 {offsets = [4, 0], sizes = [1, 128], strides = [1, 1]} : vector<16x128xf32> to vector<1x128xf32>
    %squeeze3A_113 = vector.shape_cast %slice3A_112 : vector<1x128xf32> to vector<128xf32>
    %broadcast_in_dim3A_114 = vector.shape_cast %squeeze3A_113 : vector<128xf32> to vector<1x128xf32>
    %sub3A_115 = vector.broadcast %broadcast_in_dim3A_114 : vector<1x128xf32> to vector<512x128xf32>
    %sub3A_116 = arith.subf %add3A_11, %sub3A_115 : vector<512x128xf32>
    %mul3A_117 = vector.broadcast %slice3A_111 : vector<512x1xf32> to vector<512x128xf32>
    %mul3A_118 = arith.mulf %sub3A_116, %mul3A_117 : vector<512x128xf32>
    %add3A_119 = vector.broadcast %neg3A_29 : vector<1x1xf32> to vector<512x128xf32>
    %add3A_120 = arith.addf %mul3A_118, %add3A_119 : vector<512x128xf32>
    %exp23A_121 = math.exp2 %add3A_120 : vector<512x128xf32>
    %broadcast_in_dim3A_122 = vector.shape_cast %exp23A_121 : vector<512x128xf32> to vector<1x512x128xf32>
    %swap3A_123 = arith.constant 4 : index
    %swap3A_124 = arith.constant 0 : index
    %swap3A_125 = arith.constant 0 : index
    %swap3A_126 = vector.load %arg6[%swap3A_123, %swap3A_124, %swap3A_125] : memref<16x512x128xf32, #tpu.memory_space<vmem>>, vector<1x512x128xf32>
    tpu.vector_store %arg6[%swap3A_123, %swap3A_124, %swap3A_125], %broadcast_in_dim3A_122 {strides = array<i32>} : memref<16x512x128xf32, #tpu.memory_space<vmem>>, vector<1x512x128xf32>,
    %slice3A_127 = vector.extract_strided_slice %div3A_49 {offsets = [0, 5], sizes = [512, 1], strides = [1, 1]} : vector<512x16xf32> to vector<512x1xf32>
    %slice3A_128 = vector.extract_strided_slice %get3A_16 {offsets = [5, 0], sizes = [1, 128], strides = [1, 1]} : vector<16x128xf32> to vector<1x128xf32>
    %squeeze3A_129 = vector.shape_cast %slice3A_128 : vector<1x128xf32> to vector<128xf32>
    %broadcast_in_dim3A_130 = vector.shape_cast %squeeze3A_129 : vector<128xf32> to vector<1x128xf32>
    %sub3A_131 = vector.broadcast %broadcast_in_dim3A_130 : vector<1x128xf32> to vector<512x128xf32>
    %sub3A_132 = arith.subf %add3A_11, %sub3A_131 : vector<512x128xf32>
    %mul3A_133 = vector.broadcast %slice3A_127 : vector<512x1xf32> to vector<512x128xf32>
    %mul3A_134 = arith.mulf %sub3A_132, %mul3A_133 : vector<512x128xf32>
    %add3A_135 = vector.broadcast %neg3A_29 : vector<1x1xf32> to vector<512x128xf32>
    %add3A_136 = arith.addf %mul3A_134, %add3A_135 : vector<512x128xf32>
    %exp23A_137 = math.exp2 %add3A_136 : vector<512x128xf32>
    %broadcast_in_dim3A_138 = vector.shape_cast %exp23A_137 : vector<512x128xf32> to vector<1x512x128xf32>
    %swap3A_139 = arith.constant 5 : index
    %swap3A_140 = arith.constant 0 : index
    %swap3A_141 = arith.constant 0 : index
    %swap3A_142 = vector.load %arg6[%swap3A_139, %swap3A_140, %swap3A_141] : memref<16x512x128xf32, #tpu.memory_space<vmem>>, vector<1x512x128xf32>
    tpu.vector_store %arg6[%swap3A_139, %swap3A_140, %swap3A_141], %broadcast_in_dim3A_138 {strides = array<i32>} : memref<16x512x128xf32, #tpu.memory_space<vmem>>, vector<1x512x128xf32>,
    %slice3A_143 = vector.extract_strided_slice %div3A_49 {offsets = [0, 6], sizes = [512, 1], strides = [1, 1]} : vector<512x16xf32> to vector<512x1xf32>
    %slice3A_144 = vector.extract_strided_slice %get3A_16 {offsets = [6, 0], sizes = [1, 128], strides = [1, 1]} : vector<16x128xf32> to vector<1x128xf32>
    %squeeze3A_145 = vector.shape_cast %slice3A_144 : vector<1x128xf32> to vector<128xf32>
    %broadcast_in_dim3A_146 = vector.shape_cast %squeeze3A_145 : vector<128xf32> to vector<1x128xf32>
    %sub3A_147 = vector.broadcast %broadcast_in_dim3A_146 : vector<1x128xf32> to vector<512x128xf32>
    %sub3A_148 = arith.subf %add3A_11, %sub3A_147 : vector<512x128xf32>
    %mul3A_149 = vector.broadcast %slice3A_143 : vector<512x1xf32> to vector<512x128xf32>
    %mul3A_150 = arith.mulf %sub3A_148, %mul3A_149 : vector<512x128xf32>
    %add3A_151 = vector.broadcast %neg3A_29 : vector<1x1xf32> to vector<512x128xf32>
    %add3A_152 = arith.addf %mul3A_150, %add3A_151 : vector<512x128xf32>
    %exp23A_153 = math.exp2 %add3A_152 : vector<512x128xf32>
    %broadcast_in_dim3A_154 = vector.shape_cast %exp23A_153 : vector<512x128xf32> to vector<1x512x128xf32>
    %swap3A_155 = arith.constant 6 : index
    %swap3A_156 = arith.constant 0 : index
    %swap3A_157 = arith.constant 0 : index
    %swap3A_158 = vector.load %arg6[%swap3A_155, %swap3A_156, %swap3A_157] : memref<16x512x128xf32, #tpu.memory_space<vmem>>, vector<1x512x128xf32>
    tpu.vector_store %arg6[%swap3A_155, %swap3A_156, %swap3A_157], %broadcast_in_dim3A_154 {strides = array<i32>} : memref<16x512x128xf32, #tpu.memory_space<vmem>>, vector<1x512x128xf32>,
    %slice3A_159 = vector.extract_strided_slice %div3A_49 {offsets = [0, 7], sizes = [512, 1], strides = [1, 1]} : vector<512x16xf32> to vector<512x1xf32>
    %slice3A_160 = vector.extract_strided_slice %get3A_16 {offsets = [7, 0], sizes = [1, 128], strides = [1, 1]} : vector<16x128xf32> to vector<1x128xf32>
    %squeeze3A_161 = vector.shape_cast %slice3A_160 : vector<1x128xf32> to vector<128xf32>
    %broadcast_in_dim3A_162 = vector.shape_cast %squeeze3A_161 : vector<128xf32> to vector<1x128xf32>
    %sub3A_163 = vector.broadcast %broadcast_in_dim3A_162 : vector<1x128xf32> to vector<512x128xf32>
    %sub3A_164 = arith.subf %add3A_11, %sub3A_163 : vector<512x128xf32>
    %mul3A_165 = vector.broadcast %slice3A_159 : vector<512x1xf32> to vector<512x128xf32>
    %mul3A_166 = arith.mulf %sub3A_164, %mul3A_165 : vector<512x128xf32>
    %add3A_167 = vector.broadcast %neg3A_29 : vector<1x1xf32> to vector<512x128xf32>
    %add3A_168 = arith.addf %mul3A_166, %add3A_167 : vector<512x128xf32>
    %exp23A_169 = math.exp2 %add3A_168 : vector<512x128xf32>
    %broadcast_in_dim3A_170 = vector.shape_cast %exp23A_169 : vector<512x128xf32> to vector<1x512x128xf32>
    %swap3A_171 = arith.constant 7 : index
    %swap3A_172 = arith.constant 0 : index
    %swap3A_173 = arith.constant 0 : index
    %swap3A_174 = vector.load %arg6[%swap3A_171, %swap3A_172, %swap3A_173] : memref<16x512x128xf32, #tpu.memory_space<vmem>>, vector<1x512x128xf32>
    tpu.vector_store %arg6[%swap3A_171, %swap3A_172, %swap3A_173], %broadcast_in_dim3A_170 {strides = array<i32>} : memref<16x512x128xf32, #tpu.memory_space<vmem>>, vector<1x512x128xf32>,
    %slice3A_175 = vector.extract_strided_slice %div3A_49 {offsets = [0, 8], sizes = [512, 1], strides = [1, 1]} : vector<512x16xf32> to vector<512x1xf32>
    %slice3A_176 = vector.extract_strided_slice %get3A_16 {offsets = [8, 0], sizes = [1, 128], strides = [1, 1]} : vector<16x128xf32> to vector<1x128xf32>
    %squeeze3A_177 = vector.shape_cast %slice3A_176 : vector<1x128xf32> to vector<128xf32>
    %broadcast_in_dim3A_178 = vector.shape_cast %squeeze3A_177 : vector<128xf32> to vector<1x128xf32>
    %sub3A_179 = vector.broadcast %broadcast_in_dim3A_178 : vector<1x128xf32> to vector<512x128xf32>
    %sub3A_180 = arith.subf %add3A_11, %sub3A_179 : vector<512x128xf32>
    %mul3A_181 = vector.broadcast %slice3A_175 : vector<512x1xf32> to vector<512x128xf32>
    %mul3A_182 = arith.mulf %sub3A_180, %mul3A_181 : vector<512x128xf32>
    %add3A_183 = vector.broadcast %neg3A_29 : vector<1x1xf32> to vector<512x128xf32>
    %add3A_184 = arith.addf %mul3A_182, %add3A_183 : vector<512x128xf32>
    %exp23A_185 = math.exp2 %add3A_184 : vector<512x128xf32>
    %broadcast_in_dim3A_186 = vector.shape_cast %exp23A_185 : vector<512x128xf32> to vector<1x512x128xf32>
    %swap3A_187 = arith.constant 8 : index
    %swap3A_188 = arith.constant 0 : index
    %swap3A_189 = arith.constant 0 : index
    %swap3A_190 = vector.load %arg6[%swap3A_187, %swap3A_188, %swap3A_189] : memref<16x512x128xf32, #tpu.memory_space<vmem>>, vector<1x512x128xf32>
    tpu.vector_store %arg6[%swap3A_187, %swap3A_188, %swap3A_189], %broadcast_in_dim3A_186 {strides = array<i32>} : memref<16x512x128xf32, #tpu.memory_space<vmem>>, vector<1x512x128xf32>,
    %slice3A_191 = vector.extract_strided_slice %div3A_49 {offsets = [0, 9], sizes = [512, 1], strides = [1, 1]} : vector<512x16xf32> to vector<512x1xf32>
    %slice3A_192 = vector.extract_strided_slice %get3A_16 {offsets = [9, 0], sizes = [1, 128], strides = [1, 1]} : vector<16x128xf32> to vector<1x128xf32>
    %squeeze3A_193 = vector.shape_cast %slice3A_192 : vector<1x128xf32> to vector<128xf32>
    %broadcast_in_dim3A_194 = vector.shape_cast %squeeze3A_193 : vector<128xf32> to vector<1x128xf32>
    %sub3A_195 = vector.broadcast %broadcast_in_dim3A_194 : vector<1x128xf32> to vector<512x128xf32>
    %sub3A_196 = arith.subf %add3A_11, %sub3A_195 : vector<512x128xf32>
    %mul3A_197 = vector.broadcast %slice3A_191 : vector<512x1xf32> to vector<512x128xf32>
    %mul3A_198 = arith.mulf %sub3A_196, %mul3A_197 : vector<512x128xf32>
    %add3A_199 = vector.broadcast %neg3A_29 : vector<1x1xf32> to vector<512x128xf32>
    %add3A_200 = arith.addf %mul3A_198, %add3A_199 : vector<512x128xf32>
    %exp23A_201 = math.exp2 %add3A_200 : vector<512x128xf32>
    %broadcast_in_dim3A_202 = vector.shape_cast %exp23A_201 : vector<512x128xf32> to vector<1x512x128xf32>
    %swap3A_203 = arith.constant 9 : index
    %swap3A_204 = arith.constant 0 : index
    %swap3A_205 = arith.constant 0 : index
    %swap3A_206 = vector.load %arg6[%swap3A_203, %swap3A_204, %swap3A_205] : memref<16x512x128xf32, #tpu.memory_space<vmem>>, vector<1x512x128xf32>
    tpu.vector_store %arg6[%swap3A_203, %swap3A_204, %swap3A_205], %broadcast_in_dim3A_202 {strides = array<i32>} : memref<16x512x128xf32, #tpu.memory_space<vmem>>, vector<1x512x128xf32>,
    %slice3A_207 = vector.extract_strided_slice %div3A_49 {offsets = [0, 10], sizes = [512, 1], strides = [1, 1]} : vector<512x16xf32> to vector<512x1xf32>
    %slice3A_208 = vector.extract_strided_slice %get3A_16 {offsets = [10, 0], sizes = [1, 128], strides = [1, 1]} : vector<16x128xf32> to vector<1x128xf32>
    %squeeze3A_209 = vector.shape_cast %slice3A_208 : vector<1x128xf32> to vector<128xf32>
    %broadcast_in_dim3A_210 = vector.shape_cast %squeeze3A_209 : vector<128xf32> to vector<1x128xf32>
    %sub3A_211 = vector.broadcast %broadcast_in_dim3A_210 : vector<1x128xf32> to vector<512x128xf32>
    %sub3A_212 = arith.subf %add3A_11, %sub3A_211 : vector<512x128xf32>
    %mul3A_213 = vector.broadcast %slice3A_207 : vector<512x1xf32> to vector<512x128xf32>
    %mul3A_214 = arith.mulf %sub3A_212, %mul3A_213 : vector<512x128xf32>
    %add3A_215 = vector.broadcast %neg3A_29 : vector<1x1xf32> to vector<512x128xf32>
    %add3A_216 = arith.addf %mul3A_214, %add3A_215 : vector<512x128xf32>
    %exp23A_217 = math.exp2 %add3A_216 : vector<512x128xf32>
    %broadcast_in_dim3A_218 = vector.shape_cast %exp23A_217 : vector<512x128xf32> to vector<1x512x128xf32>
    %swap3A_219 = arith.constant 10 : index
    %swap3A_220 = arith.constant 0 : index
    %swap3A_221 = arith.constant 0 : index
    %swap3A_222 = vector.load %arg6[%swap3A_219, %swap3A_220, %swap3A_221] : memref<16x512x128xf32, #tpu.memory_space<vmem>>, vector<1x512x128xf32>
    tpu.vector_store %arg6[%swap3A_219, %swap3A_220, %swap3A_221], %broadcast_in_dim3A_218 {strides = array<i32>} : memref<16x512x128xf32, #tpu.memory_space<vmem>>, vector<1x512x128xf32>,
    %slice3A_223 = vector.extract_strided_slice %div3A_49 {offsets = [0, 11], sizes = [512, 1], strides = [1, 1]} : vector<512x16xf32> to vector<512x1xf32>
    %slice3A_224 = vector.extract_strided_slice %get3A_16 {offsets = [11, 0], sizes = [1, 128], strides = [1, 1]} : vector<16x128xf32> to vector<1x128xf32>
    %squeeze3A_225 = vector.shape_cast %slice3A_224 : vector<1x128xf32> to vector<128xf32>
    %broadcast_in_dim3A_226 = vector.shape_cast %squeeze3A_225 : vector<128xf32> to vector<1x128xf32>
    %sub3A_227 = vector.broadcast %broadcast_in_dim3A_226 : vector<1x128xf32> to vector<512x128xf32>
    %sub3A_228 = arith.subf %add3A_11, %sub3A_227 : vector<512x128xf32>
    %mul3A_229 = vector.broadcast %slice3A_223 : vector<512x1xf32> to vector<512x128xf32>
    %mul3A_230 = arith.mulf %sub3A_228, %mul3A_229 : vector<512x128xf32>
    %add3A_231 = vector.broadcast %neg3A_29 : vector<1x1xf32> to vector<512x128xf32>
    %add3A_232 = arith.addf %mul3A_230, %add3A_231 : vector<512x128xf32>
    %exp23A_233 = math.exp2 %add3A_232 : vector<512x128xf32>
    %broadcast_in_dim3A_234 = vector.shape_cast %exp23A_233 : vector<512x128xf32> to vector<1x512x128xf32>
    %swap3A_235 = arith.constant 11 : index
    %swap3A_236 = arith.constant 0 : index
    %swap3A_237 = arith.constant 0 : index
    %swap3A_238 = vector.load %arg6[%swap3A_235, %swap3A_236, %swap3A_237] : memref<16x512x128xf32, #tpu.memory_space<vmem>>, vector<1x512x128xf32>
    tpu.vector_store %arg6[%swap3A_235, %swap3A_236, %swap3A_237], %broadcast_in_dim3A_234 {strides = array<i32>} : memref<16x512x128xf32, #tpu.memory_space<vmem>>, vector<1x512x128xf32>,
    %slice3A_239 = vector.extract_strided_slice %div3A_49 {offsets = [0, 12], sizes = [512, 1], strides = [1, 1]} : vector<512x16xf32> to vector<512x1xf32>
    %slice3A_240 = vector.extract_strided_slice %get3A_16 {offsets = [12, 0], sizes = [1, 128], strides = [1, 1]} : vector<16x128xf32> to vector<1x128xf32>
    %squeeze3A_241 = vector.shape_cast %slice3A_240 : vector<1x128xf32> to vector<128xf32>
    %broadcast_in_dim3A_242 = vector.shape_cast %squeeze3A_241 : vector<128xf32> to vector<1x128xf32>
    %sub3A_243 = vector.broadcast %broadcast_in_dim3A_242 : vector<1x128xf32> to vector<512x128xf32>
    %sub3A_244 = arith.subf %add3A_11, %sub3A_243 : vector<512x128xf32>
    %mul3A_245 = vector.broadcast %slice3A_239 : vector<512x1xf32> to vector<512x128xf32>
    %mul3A_246 = arith.mulf %sub3A_244, %mul3A_245 : vector<512x128xf32>
    %add3A_247 = vector.broadcast %neg3A_29 : vector<1x1xf32> to vector<512x128xf32>
    %add3A_248 = arith.addf %mul3A_246, %add3A_247 : vector<512x128xf32>
    %exp23A_249 = math.exp2 %add3A_248 : vector<512x128xf32>
    %broadcast_in_dim3A_250 = vector.shape_cast %exp23A_249 : vector<512x128xf32> to vector<1x512x128xf32>
    %swap3A_251 = arith.constant 12 : index
    %swap3A_252 = arith.constant 0 : index
    %swap3A_253 = arith.constant 0 : index
    %swap3A_254 = vector.load %arg6[%swap3A_251, %swap3A_252, %swap3A_253] : memref<16x512x128xf32, #tpu.memory_space<vmem>>, vector<1x512x128xf32>
    tpu.vector_store %arg6[%swap3A_251, %swap3A_252, %swap3A_253], %broadcast_in_dim3A_250 {strides = array<i32>} : memref<16x512x128xf32, #tpu.memory_space<vmem>>, vector<1x512x128xf32>,
    %slice3A_255 = vector.extract_strided_slice %div3A_49 {offsets = [0, 13], sizes = [512, 1], strides = [1, 1]} : vector<512x16xf32> to vector<512x1xf32>
    %slice3A_256 = vector.extract_strided_slice %get3A_16 {offsets = [13, 0], sizes = [1, 128], strides = [1, 1]} : vector<16x128xf32> to vector<1x128xf32>
    %squeeze3A_257 = vector.shape_cast %slice3A_256 : vector<1x128xf32> to vector<128xf32>
    %broadcast_in_dim3A_258 = vector.shape_cast %squeeze3A_257 : vector<128xf32> to vector<1x128xf32>
    %sub3A_259 = vector.broadcast %broadcast_in_dim3A_258 : vector<1x128xf32> to vector<512x128xf32>
    %sub3A_260 = arith.subf %add3A_11, %sub3A_259 : vector<512x128xf32>
    %mul3A_261 = vector.broadcast %slice3A_255 : vector<512x1xf32> to vector<512x128xf32>
    %mul3A_262 = arith.mulf %sub3A_260, %mul3A_261 : vector<512x128xf32>
    %add3A_263 = vector.broadcast %neg3A_29 : vector<1x1xf32> to vector<512x128xf32>
    %add3A_264 = arith.addf %mul3A_262, %add3A_263 : vector<512x128xf32>
    %exp23A_265 = math.exp2 %add3A_264 : vector<512x128xf32>
    %broadcast_in_dim3A_266 = vector.shape_cast %exp23A_265 : vector<512x128xf32> to vector<1x512x128xf32>
    %swap3A_267 = arith.constant 13 : index
    %swap3A_268 = arith.constant 0 : index
    %swap3A_269 = arith.constant 0 : index
    %swap3A_270 = vector.load %arg6[%swap3A_267, %swap3A_268, %swap3A_269] : memref<16x512x128xf32, #tpu.memory_space<vmem>>, vector<1x512x128xf32>
    tpu.vector_store %arg6[%swap3A_267, %swap3A_268, %swap3A_269], %broadcast_in_dim3A_266 {strides = array<i32>} : memref<16x512x128xf32, #tpu.memory_space<vmem>>, vector<1x512x128xf32>,
    %slice3A_271 = vector.extract_strided_slice %div3A_49 {offsets = [0, 14], sizes = [512, 1], strides = [1, 1]} : vector<512x16xf32> to vector<512x1xf32>
    %slice3A_272 = vector.extract_strided_slice %get3A_16 {offsets = [14, 0], sizes = [1, 128], strides = [1, 1]} : vector<16x128xf32> to vector<1x128xf32>
    %squeeze3A_273 = vector.shape_cast %slice3A_272 : vector<1x128xf32> to vector<128xf32>
    %broadcast_in_dim3A_274 = vector.shape_cast %squeeze3A_273 : vector<128xf32> to vector<1x128xf32>
    %sub3A_275 = vector.broadcast %broadcast_in_dim3A_274 : vector<1x128xf32> to vector<512x128xf32>
    %sub3A_276 = arith.subf %add3A_11, %sub3A_275 : vector<512x128xf32>
    %mul3A_277 = vector.broadcast %slice3A_271 : vector<512x1xf32> to vector<512x128xf32>
    %mul3A_278 = arith.mulf %sub3A_276, %mul3A_277 : vector<512x128xf32>
    %add3A_279 = vector.broadcast %neg3A_29 : vector<1x1xf32> to vector<512x128xf32>
    %add3A_280 = arith.addf %mul3A_278, %add3A_279 : vector<512x128xf32>
    %exp23A_281 = math.exp2 %add3A_280 : vector<512x128xf32>
    %broadcast_in_dim3A_282 = vector.shape_cast %exp23A_281 : vector<512x128xf32> to vector<1x512x128xf32>
    %swap3A_283 = arith.constant 14 : index
    %swap3A_284 = arith.constant 0 : index
    %swap3A_285 = arith.constant 0 : index
    %swap3A_286 = vector.load %arg6[%swap3A_283, %swap3A_284, %swap3A_285] : memref<16x512x128xf32, #tpu.memory_space<vmem>>, vector<1x512x128xf32>
    tpu.vector_store %arg6[%swap3A_283, %swap3A_284, %swap3A_285], %broadcast_in_dim3A_282 {strides = array<i32>} : memref<16x512x128xf32, #tpu.memory_space<vmem>>, vector<1x512x128xf32>,
    %slice3A_287 = vector.extract_strided_slice %div3A_49 {offsets = [0, 15], sizes = [512, 1], strides = [1, 1]} : vector<512x16xf32> to vector<512x1xf32>
    %slice3A_288 = vector.extract_strided_slice %get3A_16 {offsets = [15, 0], sizes = [1, 128], strides = [1, 1]} : vector<16x128xf32> to vector<1x128xf32>
    %squeeze3A_289 = vector.shape_cast %slice3A_288 : vector<1x128xf32> to vector<128xf32>
    %broadcast_in_dim3A_290 = vector.shape_cast %squeeze3A_289 : vector<128xf32> to vector<1x128xf32>
    %sub3A_291 = vector.broadcast %broadcast_in_dim3A_290 : vector<1x128xf32> to vector<512x128xf32>
    %sub3A_292 = arith.subf %add3A_11, %sub3A_291 : vector<512x128xf32>
    %mul3A_293 = vector.broadcast %slice3A_287 : vector<512x1xf32> to vector<512x128xf32>
    %mul3A_294 = arith.mulf %sub3A_292, %mul3A_293 : vector<512x128xf32>
    %add3A_295 = vector.broadcast %neg3A_29 : vector<1x1xf32> to vector<512x128xf32>
    %add3A_296 = arith.addf %mul3A_294, %add3A_295 : vector<512x128xf32>
    %exp23A_297 = math.exp2 %add3A_296 : vector<512x128xf32>
    %broadcast_in_dim3A_298 = vector.shape_cast %exp23A_297 : vector<512x128xf32> to vector<1x512x128xf32>
    %swap3A_299 = arith.constant 15 : index
    %swap3A_300 = arith.constant 0 : index
    %swap3A_301 = arith.constant 0 : index
    %swap3A_302 = vector.load %arg6[%swap3A_299, %swap3A_300, %swap3A_301] : memref<16x512x128xf32, #tpu.memory_space<vmem>>, vector<1x512x128xf32>
    tpu.vector_store %arg6[%swap3A_299, %swap3A_300, %swap3A_301], %broadcast_in_dim3A_298 {strides = array<i32>} : memref<16x512x128xf32, #tpu.memory_space<vmem>>, vector<1x512x128xf32>,
    return
  }
  func.func @transform_0(%arg0: i32) -> (i32, i32, i32, i32) {
    %c0_i32 = arith.constant 0 : i32
    %c0_i32_0 = arith.constant 0 : i32
    %c0_i32_1 = arith.constant 0 : i32
    %c0_i32_2 = arith.constant 0 : i32
    return %c0_i32, %arg0, %c0_i32_0, %c0_i32_1 : i32, i32, i32, i32
  }
  func.func @transform_1(%arg0: i32) -> (i32, i32, i32) {
    %c0_i32 = arith.constant 0 : i32
    %c0_i32_0 = arith.constant 0 : i32
    %c0_i32_1 = arith.constant 0 : i32
    %c0_i32_2 = arith.constant 0 : i32
    return %c0_i32, %c0_i32_0, %c0_i32_1 : i32, i32, i32
  }
  func.func @transform_2(%arg0: i32) -> (i32, i32, i32) {
    %c0_i32 = arith.constant 0 : i32
    %c0_i32_0 = arith.constant 0 : i32
    %c0_i32_1 = arith.constant 0 : i32
    %c0_i32_2 = arith.constant 0 : i32
    return %c0_i32, %c0_i32_0, %c0_i32_1 : i32, i32, i32
  }
  func.func @transform_3(%arg0: i32) -> (i32, i32) {
    %add3A = arith.constant 0 : i32
    %add3A_0 = arith.addi %add3A, %arg0 : i32
    %c0_i32 = arith.constant 0 : i32
    %c0_i32_1 = arith.constant 0 : i32
    return %add3A_0, %c0_i32 : i32, i32
  }
  func.func @transform_5(%arg0: i32) -> (i32, i32, i32) {
    %c0_i32 = arith.constant 0 : i32
    %c0_i32_0 = arith.constant 0 : i32
    %c0_i32_1 = arith.constant 0 : i32
    return %arg0, %c0_i32, %c0_i32_0 : i32, i32, i32
  }
  func.func @transform_6(%arg0: i32) -> (i32, i32) {
    %add3A = arith.constant 0 : i32
    %add3A_0 = arith.addi %add3A, %arg0 : i32
    %c0_i32 = arith.constant 0 : i32
    %c0_i32_1 = arith.constant 0 : i32
    return %add3A_0, %c0_i32 : i32, i32
  }
}

module attributes {stable_mosaic.version = 14 : i64} {
  func.func @_pass2_kernel(%arg0: i32, %arg1: memref<1x1x512x128xf32, #tpu.memory_space<vmem>>, %arg2: memref<2x16x128xf32, #tpu.memory_space<vmem>>, %arg3: memref<2x8x128xf32, #tpu.memory_space<vmem>>, %arg4: memref<2128x128xf32, #tpu.memory_space<vmem>>, %arg5: memref<100000x128xf32, #tpu.memory_space<hbm>>, %arg6: memref<16x512x128xf32, #tpu.memory_space<vmem>>, %arg7: memref<2128x128xf32, #tpu.memory_space<vmem>>) attributes {dimension_semantics = [#tpu.dimension_semantics<arbitrary>], iteration_bounds = array<i64: 16>, scalar_prefetch = 0 : i64, scratch_operands = 0 : i64, tpu.core_type = #tpu.core_type<tc>, window_params = [{transform_indices = @transform_0, window_bounds = array<i64: 1, 1, 512, 128>}, {pipeline_mode = #tpu.pipeline_mode<synchronous>, transform_indices = @transform_1, window_bounds = array<i64: 2, 16, 128>}, {pipeline_mode = #tpu.pipeline_mode<synchronous>, transform_indices = @transform_2, window_bounds = array<i64: 2, 8, 128>}, {transform_indices = @transform_3, window_bounds = array<i64: 2128, 128>}, {}, {transform_indices = @transform_5, window_bounds = array<i64: 16, 512, 128>}, {transform_indices = @transform_6, window_bounds = array<i64: 2128, 128>}]} {
    %get3A = arith.constant 0 : index
    %get3A_0 = arith.constant 0 : index
    %get3A_1 = vector.load %arg4[%get3A, %get3A_0] : memref<2128x128xf32, #tpu.memory_space<vmem>>, vector<2128x128xf32>
    %swap3A = arith.constant 0 : index
    %swap3A_2 = arith.constant 0 : index
    %swap3A_3 = vector.load %arg7[%swap3A, %swap3A_2] : memref<2128x128xf32, #tpu.memory_space<vmem>>, vector<2128x128xf32>
    tpu.vector_store %arg7[%swap3A, %swap3A_2], %get3A_1 {strides = array<i32>} : memref<2128x128xf32, #tpu.memory_space<vmem>>, vector<2128x128xf32>,
    %get3A_4 = arith.constant 0 : index
    %get3A_5 = arith.constant 0 : index
    %get3A_6 = arith.constant 0 : index
    %get3A_7 = arith.constant 0 : index
    %get3A_8 = vector.load %arg1[%get3A_4, %get3A_5, %get3A_6, %get3A_7] : memref<1x1x512x128xf32, #tpu.memory_space<vmem>>, vector<1x1x512x128xf32>
    %get3A_9 = vector.shape_cast %get3A_8 : vector<1x1x512x128xf32> to vector<512x128xf32>
    %add3A = arith.constant 9.99999997E-7 : f32
    %add3A_10 = vector.broadcast %add3A : f32 to vector<512x128xf32>
    %add3A_11 = arith.addf %get3A_9, %add3A_10 : vector<512x128xf32>
    %get3A_12 = arith.constant 1 : index
    %get3A_13 = arith.constant 0 : index
    %get3A_14 = arith.constant 0 : index
    %get3A_15 = vector.load %arg2[%get3A_12, %get3A_13, %get3A_14] : memref<2x16x128xf32, #tpu.memory_space<vmem>>, vector<1x16x128xf32>
    %get3A_16 = vector.shape_cast %get3A_15 : vector<1x16x128xf32> to vector<16x128xf32>
    %get3A_17 = arith.constant 1 : index
    %get3A_18 = arith.constant 0 : index
    %get3A_19 = arith.constant 0 : index
    %get3A_20 = vector.load %arg3[%get3A_17, %get3A_18, %get3A_19] : memref<2x8x128xf32, #tpu.memory_space<vmem>>, vector<1x1x128xf32>
    %get3A_21 = vector.shape_cast %get3A_20 : vector<1x1x128xf32> to vector<1x128xf32>
    %reduce_sum3A = arith.constant dense<0.000000e+00> : vector<1xf32>
    %reduce_sum3A_22 = vector.multi_reduction <add>, %get3A_21, %reduce_sum3A [1] : vector<1x128xf32> to vector<1xf32>
    %broadcast_in_dim3A = vector.shape_cast %reduce_sum3A_22 : vector<1xf32> to vector<1x1xf32>
    %mul3A = arith.constant 0.00596046448 : f32
    %mul3A_23 = vector.broadcast %mul3A : f32 to vector<1x1xf32>
    %mul3A_24 = arith.mulf %broadcast_in_dim3A, %mul3A_23 : vector<1x1xf32>
    %log3A = math.log %mul3A_24 : vector<1x1xf32>
    %log3A_25 = arith.constant 2.000000e+00 : f32
    %log3A_26 = math.log %log3A_25 : f32
    %div3A = vector.broadcast %log3A_26 : f32 to vector<1x1xf32>
    %div3A_27 = arith.divf %log3A, %div3A : vector<1x1xf32>
    %neg3A = arith.constant 0.000000e+00 : f32
    %neg3A_28 = vector.broadcast %neg3A : f32 to vector<1x1xf32>
    %neg3A_29 = arith.subf %neg3A_28, %div3A_27 : vector<1x1xf32>
    %dot_general3A = arith.constant dense<0.000000e+00> : vector<512x16xf32>
    %dot_general3A_30 = tpu.matmul %add3A_11, %get3A_16, %dot_general3A {dimension_numbers = #tpu.dot_dimension_numbers<[1], [1], [0], [0], [0, 0, 1, 0], [], []>, precision = #tpu.contract_precision<fp32>, transpose_lhs_hint = false} : vector<512x128xf32>, vector<16x128xf32>, vector<512x16xf32> -> vector<512x16xf32>
    %mul3A_31 = arith.mulf %add3A_11, %add3A_11 : vector<512x128xf32>
    %reduce_sum3A_32 = arith.constant dense<0.000000e+00> : vector<512xf32>
    %reduce_sum3A_33 = vector.multi_reduction <add>, %mul3A_31, %reduce_sum3A_32 [1] : vector<512x128xf32> to vector<512xf32>
    %broadcast_in_dim3A_34 = vector.shape_cast %reduce_sum3A_33 : vector<512xf32> to vector<512x1xf32>
    %mul3A_35 = arith.mulf %get3A_16, %get3A_16 : vector<16x128xf32>
    %reduce_sum3A_36 = arith.constant dense<0.000000e+00> : vector<16xf32>
    %reduce_sum3A_37 = vector.multi_reduction <add>, %mul3A_35, %reduce_sum3A_36 [1] : vector<16x128xf32> to vector<16xf32>
    %mul3A_38 = arith.constant 2.000000e+00 : f32
    %mul3A_39 = vector.broadcast %mul3A_38 : f32 to vector<512x16xf32>
    %mul3A_40 = arith.mulf %mul3A_39, %dot_general3A_30 : vector<512x16xf32>
    %sub3A = vector.broadcast %broadcast_in_dim3A_34 : vector<512x1xf32> to vector<512x16xf32>
    %sub3A_41 = arith.subf %sub3A, %mul3A_40 : vector<512x16xf32>
    %broadcast_in_dim3A_42 = vector.shape_cast %reduce_sum3A_37 : vector<16xf32> to vector<1x16xf32>
    %add3A_43 = vector.broadcast %broadcast_in_dim3A_42 : vector<1x16xf32> to vector<512x16xf32>
    %add3A_44 = arith.addf %sub3A_41, %add3A_43 : vector<512x16xf32>
    %max3A = arith.constant 9.99999997E-7 : f32
    %max3A_45 = vector.broadcast %max3A : f32 to vector<512x16xf32>
    %max3A_46 = arith.maximumf %add3A_44, %max3A_45 : vector<512x16xf32>
    %sqrt3A = math.sqrt %max3A_46 : vector<512x16xf32>
    %div3A_47 = arith.constant 2.885390e+01 : f32
    %div3A_48 = vector.broadcast %div3A_47 : f32 to vector<512x16xf32>
    %div3A_49 = arith.divf %div3A_48, %sqrt3A : vector<512x16xf32>
    %slice3A = vector.extract_strided_slice %div3A_49 {offsets = [0, 0], sizes = [512, 1], strides = [1, 1]} : vector<512x16xf32> to vector<512x1xf32>
    %slice3A_50 = vector.extract_strided_slice %get3A_16 {offsets = [0, 0], sizes = [1, 128], strides = [1, 1]} : vector<16x128xf32> to vector<1x128xf32>
    %squeeze3A = vector.shape_cast %slice3A_50 : vector<1x128xf32> to vector<128xf32>
    %broadcast_in_dim3A_51 = vector.shape_cast %squeeze3A : vector<128xf32> to vector<1x128xf32>
    %sub3A_52 = vector.broadcast %broadcast_in_dim3A_51 : vector<1x128xf32> to vector<512x128xf32>
    %sub3A_53 = arith.subf %add3A_11, %sub3A_52 : vector<512x128xf32>
    %mul3A_54 = vector.broadcast %slice3A : vector<512x1xf32> to vector<512x128xf32>
    %mul3A_55 = arith.mulf %sub3A_53, %mul3A_54 : vector<512x128xf32>
    %add3A_56 = vector.broadcast %neg3A_29 : vector<1x1xf32> to vector<512x128xf32>
    %add3A_57 = arith.addf %mul3A_55, %add3A_56 : vector<512x128xf32>
    %exp23A = math.exp2 %add3A_57 : vector<512x128xf32>
    %broadcast_in_dim3A_58 = vector.shape_cast %exp23A : vector<512x128xf32> to vector<1x512x128xf32>
    %swap3A_59 = arith.constant 0 : index
    %swap3A_60 = arith.constant 0 : index
    %swap3A_61 = arith.constant 0 : index
    %swap3A_62 = vector.load %arg6[%swap3A_59, %swap3A_60, %swap3A_61] : memref<16x512x128xf32, #tpu.memory_space<vmem>>, vector<1x512x128xf32>
    tpu.vector_store %arg6[%swap3A_59, %swap3A_60, %swap3A_61], %broadcast_in_dim3A_58 {strides = array<i32>} : memref<16x512x128xf32, #tpu.memory_space<vmem>>, vector<1x512x128xf32>,
    %slice3A_63 = vector.extract_strided_slice %div3A_49 {offsets = [0, 1], sizes = [512, 1], strides = [1, 1]} : vector<512x16xf32> to vector<512x1xf32>
    %slice3A_64 = vector.extract_strided_slice %get3A_16 {offsets = [1, 0], sizes = [1, 128], strides = [1, 1]} : vector<16x128xf32> to vector<1x128xf32>
    %squeeze3A_65 = vector.shape_cast %slice3A_64 : vector<1x128xf32> to vector<128xf32>
    %broadcast_in_dim3A_66 = vector.shape_cast %squeeze3A_65 : vector<128xf32> to vector<1x128xf32>
    %sub3A_67 = vector.broadcast %broadcast_in_dim3A_66 : vector<1x128xf32> to vector<512x128xf32>
    %sub3A_68 = arith.subf %add3A_11, %sub3A_67 : vector<512x128xf32>
    %mul3A_69 = vector.broadcast %slice3A_63 : vector<512x1xf32> to vector<512x128xf32>
    %mul3A_70 = arith.mulf %sub3A_68, %mul3A_69 : vector<512x128xf32>
    %add3A_71 = vector.broadcast %neg3A_29 : vector<1x1xf32> to vector<512x128xf32>
    %add3A_72 = arith.addf %mul3A_70, %add3A_71 : vector<512x128xf32>
    %exp23A_73 = math.exp2 %add3A_72 : vector<512x128xf32>
    %broadcast_in_dim3A_74 = vector.shape_cast %exp23A_73 : vector<512x128xf32> to vector<1x512x128xf32>
    %swap3A_75 = arith.constant 1 : index
    %swap3A_76 = arith.constant 0 : index
    %swap3A_77 = arith.constant 0 : index
    %swap3A_78 = vector.load %arg6[%swap3A_75, %swap3A_76, %swap3A_77] : memref<16x512x128xf32, #tpu.memory_space<vmem>>, vector<1x512x128xf32>
    tpu.vector_store %arg6[%swap3A_75, %swap3A_76, %swap3A_77], %broadcast_in_dim3A_74 {strides = array<i32>} : memref<16x512x128xf32, #tpu.memory_space<vmem>>, vector<1x512x128xf32>,
    %slice3A_79 = vector.extract_strided_slice %div3A_49 {offsets = [0, 2], sizes = [512, 1], strides = [1, 1]} : vector<512x16xf32> to vector<512x1xf32>
    %slice3A_80 = vector.extract_strided_slice %get3A_16 {offsets = [2, 0], sizes = [1, 128], strides = [1, 1]} : vector<16x128xf32> to vector<1x128xf32>
    %squeeze3A_81 = vector.shape_cast %slice3A_80 : vector<1x128xf32> to vector<128xf32>
    %broadcast_in_dim3A_82 = vector.shape_cast %squeeze3A_81 : vector<128xf32> to vector<1x128xf32>
    %sub3A_83 = vector.broadcast %broadcast_in_dim3A_82 : vector<1x128xf32> to vector<512x128xf32>
    %sub3A_84 = arith.subf %add3A_11, %sub3A_83 : vector<512x128xf32>
    %mul3A_85 = vector.broadcast %slice3A_79 : vector<512x1xf32> to vector<512x128xf32>
    %mul3A_86 = arith.mulf %sub3A_84, %mul3A_85 : vector<512x128xf32>
    %add3A_87 = vector.broadcast %neg3A_29 : vector<1x1xf32> to vector<512x128xf32>
    %add3A_88 = arith.addf %mul3A_86, %add3A_87 : vector<512x128xf32>
    %exp23A_89 = math.exp2 %add3A_88 : vector<512x128xf32>
    %broadcast_in_dim3A_90 = vector.shape_cast %exp23A_89 : vector<512x128xf32> to vector<1x512x128xf32>
    %swap3A_91 = arith.constant 2 : index
    %swap3A_92 = arith.constant 0 : index
    %swap3A_93 = arith.constant 0 : index
    %swap3A_94 = vector.load %arg6[%swap3A_91, %swap3A_92, %swap3A_93] : memref<16x512x128xf32, #tpu.memory_space<vmem>>, vector<1x512x128xf32>
    tpu.vector_store %arg6[%swap3A_91, %swap3A_92, %swap3A_93], %broadcast_in_dim3A_90 {strides = array<i32>} : memref<16x512x128xf32, #tpu.memory_space<vmem>>, vector<1x512x128xf32>,
    %slice3A_95 = vector.extract_strided_slice %div3A_49 {offsets = [0, 3], sizes = [512, 1], strides = [1, 1]} : vector<512x16xf32> to vector<512x1xf32>
    %slice3A_96 = vector.extract_strided_slice %get3A_16 {offsets = [3, 0], sizes = [1, 128], strides = [1, 1]} : vector<16x128xf32> to vector<1x128xf32>
    %squeeze3A_97 = vector.shape_cast %slice3A_96 : vector<1x128xf32> to vector<128xf32>
    %broadcast_in_dim3A_98 = vector.shape_cast %squeeze3A_97 : vector<128xf32> to vector<1x128xf32>
    %sub3A_99 = vector.broadcast %broadcast_in_dim3A_98 : vector<1x128xf32> to vector<512x128xf32>
    %sub3A_100 = arith.subf %add3A_11, %sub3A_99 : vector<512x128xf32>
    %mul3A_101 = vector.broadcast %slice3A_95 : vector<512x1xf32> to vector<512x128xf32>
    %mul3A_102 = arith.mulf %sub3A_100, %mul3A_101 : vector<512x128xf32>
    %add3A_103 = vector.broadcast %neg3A_29 : vector<1x1xf32> to vector<512x128xf32>
    %add3A_104 = arith.addf %mul3A_102, %add3A_103 : vector<512x128xf32>
    %exp23A_105 = math.exp2 %add3A_104 : vector<512x128xf32>
    %broadcast_in_dim3A_106 = vector.shape_cast %exp23A_105 : vector<512x128xf32> to vector<1x512x128xf32>
    %swap3A_107 = arith.constant 3 : index
    %swap3A_108 = arith.constant 0 : index
    %swap3A_109 = arith.constant 0 : index
    %swap3A_110 = vector.load %arg6[%swap3A_107, %swap3A_108, %swap3A_109] : memref<16x512x128xf32, #tpu.memory_space<vmem>>, vector<1x512x128xf32>
    tpu.vector_store %arg6[%swap3A_107, %swap3A_108, %swap3A_109], %broadcast_in_dim3A_106 {strides = array<i32>} : memref<16x512x128xf32, #tpu.memory_space<vmem>>, vector<1x512x128xf32>,
    %slice3A_111 = vector.extract_strided_slice %div3A_49 {offsets = [0, 4], sizes = [512, 1], strides = [1, 1]} : vector<512x16xf32> to vector<512x1xf32>
    %slice3A_112 = vector.extract_strided_slice %get3A_16 {offsets = [4, 0], sizes = [1, 128], strides = [1, 1]} : vector<16x128xf32> to vector<1x128xf32>
    %squeeze3A_113 = vector.shape_cast %slice3A_112 : vector<1x128xf32> to vector<128xf32>
    %broadcast_in_dim3A_114 = vector.shape_cast %squeeze3A_113 : vector<128xf32> to vector<1x128xf32>
    %sub3A_115 = vector.broadcast %broadcast_in_dim3A_114 : vector<1x128xf32> to vector<512x128xf32>
    %sub3A_116 = arith.subf %add3A_11, %sub3A_115 : vector<512x128xf32>
    %mul3A_117 = vector.broadcast %slice3A_111 : vector<512x1xf32> to vector<512x128xf32>
    %mul3A_118 = arith.mulf %sub3A_116, %mul3A_117 : vector<512x128xf32>
    %add3A_119 = vector.broadcast %neg3A_29 : vector<1x1xf32> to vector<512x128xf32>
    %add3A_120 = arith.addf %mul3A_118, %add3A_119 : vector<512x128xf32>
    %exp23A_121 = math.exp2 %add3A_120 : vector<512x128xf32>
    %broadcast_in_dim3A_122 = vector.shape_cast %exp23A_121 : vector<512x128xf32> to vector<1x512x128xf32>
    %swap3A_123 = arith.constant 4 : index
    %swap3A_124 = arith.constant 0 : index
    %swap3A_125 = arith.constant 0 : index
    %swap3A_126 = vector.load %arg6[%swap3A_123, %swap3A_124, %swap3A_125] : memref<16x512x128xf32, #tpu.memory_space<vmem>>, vector<1x512x128xf32>
    tpu.vector_store %arg6[%swap3A_123, %swap3A_124, %swap3A_125], %broadcast_in_dim3A_122 {strides = array<i32>} : memref<16x512x128xf32, #tpu.memory_space<vmem>>, vector<1x512x128xf32>,
    %slice3A_127 = vector.extract_strided_slice %div3A_49 {offsets = [0, 5], sizes = [512, 1], strides = [1, 1]} : vector<512x16xf32> to vector<512x1xf32>
    %slice3A_128 = vector.extract_strided_slice %get3A_16 {offsets = [5, 0], sizes = [1, 128], strides = [1, 1]} : vector<16x128xf32> to vector<1x128xf32>
    %squeeze3A_129 = vector.shape_cast %slice3A_128 : vector<1x128xf32> to vector<128xf32>
    %broadcast_in_dim3A_130 = vector.shape_cast %squeeze3A_129 : vector<128xf32> to vector<1x128xf32>
    %sub3A_131 = vector.broadcast %broadcast_in_dim3A_130 : vector<1x128xf32> to vector<512x128xf32>
    %sub3A_132 = arith.subf %add3A_11, %sub3A_131 : vector<512x128xf32>
    %mul3A_133 = vector.broadcast %slice3A_127 : vector<512x1xf32> to vector<512x128xf32>
    %mul3A_134 = arith.mulf %sub3A_132, %mul3A_133 : vector<512x128xf32>
    %add3A_135 = vector.broadcast %neg3A_29 : vector<1x1xf32> to vector<512x128xf32>
    %add3A_136 = arith.addf %mul3A_134, %add3A_135 : vector<512x128xf32>
    %exp23A_137 = math.exp2 %add3A_136 : vector<512x128xf32>
    %broadcast_in_dim3A_138 = vector.shape_cast %exp23A_137 : vector<512x128xf32> to vector<1x512x128xf32>
    %swap3A_139 = arith.constant 5 : index
    %swap3A_140 = arith.constant 0 : index
    %swap3A_141 = arith.constant 0 : index
    %swap3A_142 = vector.load %arg6[%swap3A_139, %swap3A_140, %swap3A_141] : memref<16x512x128xf32, #tpu.memory_space<vmem>>, vector<1x512x128xf32>
    tpu.vector_store %arg6[%swap3A_139, %swap3A_140, %swap3A_141], %broadcast_in_dim3A_138 {strides = array<i32>} : memref<16x512x128xf32, #tpu.memory_space<vmem>>, vector<1x512x128xf32>,
    %slice3A_143 = vector.extract_strided_slice %div3A_49 {offsets = [0, 6], sizes = [512, 1], strides = [1, 1]} : vector<512x16xf32> to vector<512x1xf32>
    %slice3A_144 = vector.extract_strided_slice %get3A_16 {offsets = [6, 0], sizes = [1, 128], strides = [1, 1]} : vector<16x128xf32> to vector<1x128xf32>
    %squeeze3A_145 = vector.shape_cast %slice3A_144 : vector<1x128xf32> to vector<128xf32>
    %broadcast_in_dim3A_146 = vector.shape_cast %squeeze3A_145 : vector<128xf32> to vector<1x128xf32>
    %sub3A_147 = vector.broadcast %broadcast_in_dim3A_146 : vector<1x128xf32> to vector<512x128xf32>
    %sub3A_148 = arith.subf %add3A_11, %sub3A_147 : vector<512x128xf32>
    %mul3A_149 = vector.broadcast %slice3A_143 : vector<512x1xf32> to vector<512x128xf32>
    %mul3A_150 = arith.mulf %sub3A_148, %mul3A_149 : vector<512x128xf32>
    %add3A_151 = vector.broadcast %neg3A_29 : vector<1x1xf32> to vector<512x128xf32>
    %add3A_152 = arith.addf %mul3A_150, %add3A_151 : vector<512x128xf32>
    %exp23A_153 = math.exp2 %add3A_152 : vector<512x128xf32>
    %broadcast_in_dim3A_154 = vector.shape_cast %exp23A_153 : vector<512x128xf32> to vector<1x512x128xf32>
    %swap3A_155 = arith.constant 6 : index
    %swap3A_156 = arith.constant 0 : index
    %swap3A_157 = arith.constant 0 : index
    %swap3A_158 = vector.load %arg6[%swap3A_155, %swap3A_156, %swap3A_157] : memref<16x512x128xf32, #tpu.memory_space<vmem>>, vector<1x512x128xf32>
    tpu.vector_store %arg6[%swap3A_155, %swap3A_156, %swap3A_157], %broadcast_in_dim3A_154 {strides = array<i32>} : memref<16x512x128xf32, #tpu.memory_space<vmem>>, vector<1x512x128xf32>,
    %slice3A_159 = vector.extract_strided_slice %div3A_49 {offsets = [0, 7], sizes = [512, 1], strides = [1, 1]} : vector<512x16xf32> to vector<512x1xf32>
    %slice3A_160 = vector.extract_strided_slice %get3A_16 {offsets = [7, 0], sizes = [1, 128], strides = [1, 1]} : vector<16x128xf32> to vector<1x128xf32>
    %squeeze3A_161 = vector.shape_cast %slice3A_160 : vector<1x128xf32> to vector<128xf32>
    %broadcast_in_dim3A_162 = vector.shape_cast %squeeze3A_161 : vector<128xf32> to vector<1x128xf32>
    %sub3A_163 = vector.broadcast %broadcast_in_dim3A_162 : vector<1x128xf32> to vector<512x128xf32>
    %sub3A_164 = arith.subf %add3A_11, %sub3A_163 : vector<512x128xf32>
    %mul3A_165 = vector.broadcast %slice3A_159 : vector<512x1xf32> to vector<512x128xf32>
    %mul3A_166 = arith.mulf %sub3A_164, %mul3A_165 : vector<512x128xf32>
    %add3A_167 = vector.broadcast %neg3A_29 : vector<1x1xf32> to vector<512x128xf32>
    %add3A_168 = arith.addf %mul3A_166, %add3A_167 : vector<512x128xf32>
    %exp23A_169 = math.exp2 %add3A_168 : vector<512x128xf32>
    %broadcast_in_dim3A_170 = vector.shape_cast %exp23A_169 : vector<512x128xf32> to vector<1x512x128xf32>
    %swap3A_171 = arith.constant 7 : index
    %swap3A_172 = arith.constant 0 : index
    %swap3A_173 = arith.constant 0 : index
    %swap3A_174 = vector.load %arg6[%swap3A_171, %swap3A_172, %swap3A_173] : memref<16x512x128xf32, #tpu.memory_space<vmem>>, vector<1x512x128xf32>
    tpu.vector_store %arg6[%swap3A_171, %swap3A_172, %swap3A_173], %broadcast_in_dim3A_170 {strides = array<i32>} : memref<16x512x128xf32, #tpu.memory_space<vmem>>, vector<1x512x128xf32>,
    %slice3A_175 = vector.extract_strided_slice %div3A_49 {offsets = [0, 8], sizes = [512, 1], strides = [1, 1]} : vector<512x16xf32> to vector<512x1xf32>
    %slice3A_176 = vector.extract_strided_slice %get3A_16 {offsets = [8, 0], sizes = [1, 128], strides = [1, 1]} : vector<16x128xf32> to vector<1x128xf32>
    %squeeze3A_177 = vector.shape_cast %slice3A_176 : vector<1x128xf32> to vector<128xf32>
    %broadcast_in_dim3A_178 = vector.shape_cast %squeeze3A_177 : vector<128xf32> to vector<1x128xf32>
    %sub3A_179 = vector.broadcast %broadcast_in_dim3A_178 : vector<1x128xf32> to vector<512x128xf32>
    %sub3A_180 = arith.subf %add3A_11, %sub3A_179 : vector<512x128xf32>
    %mul3A_181 = vector.broadcast %slice3A_175 : vector<512x1xf32> to vector<512x128xf32>
    %mul3A_182 = arith.mulf %sub3A_180, %mul3A_181 : vector<512x128xf32>
    %add3A_183 = vector.broadcast %neg3A_29 : vector<1x1xf32> to vector<512x128xf32>
    %add3A_184 = arith.addf %mul3A_182, %add3A_183 : vector<512x128xf32>
    %exp23A_185 = math.exp2 %add3A_184 : vector<512x128xf32>
    %broadcast_in_dim3A_186 = vector.shape_cast %exp23A_185 : vector<512x128xf32> to vector<1x512x128xf32>
    %swap3A_187 = arith.constant 8 : index
    %swap3A_188 = arith.constant 0 : index
    %swap3A_189 = arith.constant 0 : index
    %swap3A_190 = vector.load %arg6[%swap3A_187, %swap3A_188, %swap3A_189] : memref<16x512x128xf32, #tpu.memory_space<vmem>>, vector<1x512x128xf32>
    tpu.vector_store %arg6[%swap3A_187, %swap3A_188, %swap3A_189], %broadcast_in_dim3A_186 {strides = array<i32>} : memref<16x512x128xf32, #tpu.memory_space<vmem>>, vector<1x512x128xf32>,
    %slice3A_191 = vector.extract_strided_slice %div3A_49 {offsets = [0, 9], sizes = [512, 1], strides = [1, 1]} : vector<512x16xf32> to vector<512x1xf32>
    %slice3A_192 = vector.extract_strided_slice %get3A_16 {offsets = [9, 0], sizes = [1, 128], strides = [1, 1]} : vector<16x128xf32> to vector<1x128xf32>
    %squeeze3A_193 = vector.shape_cast %slice3A_192 : vector<1x128xf32> to vector<128xf32>
    %broadcast_in_dim3A_194 = vector.shape_cast %squeeze3A_193 : vector<128xf32> to vector<1x128xf32>
    %sub3A_195 = vector.broadcast %broadcast_in_dim3A_194 : vector<1x128xf32> to vector<512x128xf32>
    %sub3A_196 = arith.subf %add3A_11, %sub3A_195 : vector<512x128xf32>
    %mul3A_197 = vector.broadcast %slice3A_191 : vector<512x1xf32> to vector<512x128xf32>
    %mul3A_198 = arith.mulf %sub3A_196, %mul3A_197 : vector<512x128xf32>
    %add3A_199 = vector.broadcast %neg3A_29 : vector<1x1xf32> to vector<512x128xf32>
    %add3A_200 = arith.addf %mul3A_198, %add3A_199 : vector<512x128xf32>
    %exp23A_201 = math.exp2 %add3A_200 : vector<512x128xf32>
    %broadcast_in_dim3A_202 = vector.shape_cast %exp23A_201 : vector<512x128xf32> to vector<1x512x128xf32>
    %swap3A_203 = arith.constant 9 : index
    %swap3A_204 = arith.constant 0 : index
    %swap3A_205 = arith.constant 0 : index
    %swap3A_206 = vector.load %arg6[%swap3A_203, %swap3A_204, %swap3A_205] : memref<16x512x128xf32, #tpu.memory_space<vmem>>, vector<1x512x128xf32>
    tpu.vector_store %arg6[%swap3A_203, %swap3A_204, %swap3A_205], %broadcast_in_dim3A_202 {strides = array<i32>} : memref<16x512x128xf32, #tpu.memory_space<vmem>>, vector<1x512x128xf32>,
    %slice3A_207 = vector.extract_strided_slice %div3A_49 {offsets = [0, 10], sizes = [512, 1], strides = [1, 1]} : vector<512x16xf32> to vector<512x1xf32>
    %slice3A_208 = vector.extract_strided_slice %get3A_16 {offsets = [10, 0], sizes = [1, 128], strides = [1, 1]} : vector<16x128xf32> to vector<1x128xf32>
    %squeeze3A_209 = vector.shape_cast %slice3A_208 : vector<1x128xf32> to vector<128xf32>
    %broadcast_in_dim3A_210 = vector.shape_cast %squeeze3A_209 : vector<128xf32> to vector<1x128xf32>
    %sub3A_211 = vector.broadcast %broadcast_in_dim3A_210 : vector<1x128xf32> to vector<512x128xf32>
    %sub3A_212 = arith.subf %add3A_11, %sub3A_211 : vector<512x128xf32>
    %mul3A_213 = vector.broadcast %slice3A_207 : vector<512x1xf32> to vector<512x128xf32>
    %mul3A_214 = arith.mulf %sub3A_212, %mul3A_213 : vector<512x128xf32>
    %add3A_215 = vector.broadcast %neg3A_29 : vector<1x1xf32> to vector<512x128xf32>
    %add3A_216 = arith.addf %mul3A_214, %add3A_215 : vector<512x128xf32>
    %exp23A_217 = math.exp2 %add3A_216 : vector<512x128xf32>
    %broadcast_in_dim3A_218 = vector.shape_cast %exp23A_217 : vector<512x128xf32> to vector<1x512x128xf32>
    %swap3A_219 = arith.constant 10 : index
    %swap3A_220 = arith.constant 0 : index
    %swap3A_221 = arith.constant 0 : index
    %swap3A_222 = vector.load %arg6[%swap3A_219, %swap3A_220, %swap3A_221] : memref<16x512x128xf32, #tpu.memory_space<vmem>>, vector<1x512x128xf32>
    tpu.vector_store %arg6[%swap3A_219, %swap3A_220, %swap3A_221], %broadcast_in_dim3A_218 {strides = array<i32>} : memref<16x512x128xf32, #tpu.memory_space<vmem>>, vector<1x512x128xf32>,
    %slice3A_223 = vector.extract_strided_slice %div3A_49 {offsets = [0, 11], sizes = [512, 1], strides = [1, 1]} : vector<512x16xf32> to vector<512x1xf32>
    %slice3A_224 = vector.extract_strided_slice %get3A_16 {offsets = [11, 0], sizes = [1, 128], strides = [1, 1]} : vector<16x128xf32> to vector<1x128xf32>
    %squeeze3A_225 = vector.shape_cast %slice3A_224 : vector<1x128xf32> to vector<128xf32>
    %broadcast_in_dim3A_226 = vector.shape_cast %squeeze3A_225 : vector<128xf32> to vector<1x128xf32>
    %sub3A_227 = vector.broadcast %broadcast_in_dim3A_226 : vector<1x128xf32> to vector<512x128xf32>
    %sub3A_228 = arith.subf %add3A_11, %sub3A_227 : vector<512x128xf32>
    %mul3A_229 = vector.broadcast %slice3A_223 : vector<512x1xf32> to vector<512x128xf32>
    %mul3A_230 = arith.mulf %sub3A_228, %mul3A_229 : vector<512x128xf32>
    %add3A_231 = vector.broadcast %neg3A_29 : vector<1x1xf32> to vector<512x128xf32>
    %add3A_232 = arith.addf %mul3A_230, %add3A_231 : vector<512x128xf32>
    %exp23A_233 = math.exp2 %add3A_232 : vector<512x128xf32>
    %broadcast_in_dim3A_234 = vector.shape_cast %exp23A_233 : vector<512x128xf32> to vector<1x512x128xf32>
    %swap3A_235 = arith.constant 11 : index
    %swap3A_236 = arith.constant 0 : index
    %swap3A_237 = arith.constant 0 : index
    %swap3A_238 = vector.load %arg6[%swap3A_235, %swap3A_236, %swap3A_237] : memref<16x512x128xf32, #tpu.memory_space<vmem>>, vector<1x512x128xf32>
    tpu.vector_store %arg6[%swap3A_235, %swap3A_236, %swap3A_237], %broadcast_in_dim3A_234 {strides = array<i32>} : memref<16x512x128xf32, #tpu.memory_space<vmem>>, vector<1x512x128xf32>,
    %slice3A_239 = vector.extract_strided_slice %div3A_49 {offsets = [0, 12], sizes = [512, 1], strides = [1, 1]} : vector<512x16xf32> to vector<512x1xf32>
    %slice3A_240 = vector.extract_strided_slice %get3A_16 {offsets = [12, 0], sizes = [1, 128], strides = [1, 1]} : vector<16x128xf32> to vector<1x128xf32>
    %squeeze3A_241 = vector.shape_cast %slice3A_240 : vector<1x128xf32> to vector<128xf32>
    %broadcast_in_dim3A_242 = vector.shape_cast %squeeze3A_241 : vector<128xf32> to vector<1x128xf32>
    %sub3A_243 = vector.broadcast %broadcast_in_dim3A_242 : vector<1x128xf32> to vector<512x128xf32>
    %sub3A_244 = arith.subf %add3A_11, %sub3A_243 : vector<512x128xf32>
    %mul3A_245 = vector.broadcast %slice3A_239 : vector<512x1xf32> to vector<512x128xf32>
    %mul3A_246 = arith.mulf %sub3A_244, %mul3A_245 : vector<512x128xf32>
    %add3A_247 = vector.broadcast %neg3A_29 : vector<1x1xf32> to vector<512x128xf32>
    %add3A_248 = arith.addf %mul3A_246, %add3A_247 : vector<512x128xf32>
    %exp23A_249 = math.exp2 %add3A_248 : vector<512x128xf32>
    %broadcast_in_dim3A_250 = vector.shape_cast %exp23A_249 : vector<512x128xf32> to vector<1x512x128xf32>
    %swap3A_251 = arith.constant 12 : index
    %swap3A_252 = arith.constant 0 : index
    %swap3A_253 = arith.constant 0 : index
    %swap3A_254 = vector.load %arg6[%swap3A_251, %swap3A_252, %swap3A_253] : memref<16x512x128xf32, #tpu.memory_space<vmem>>, vector<1x512x128xf32>
    tpu.vector_store %arg6[%swap3A_251, %swap3A_252, %swap3A_253], %broadcast_in_dim3A_250 {strides = array<i32>} : memref<16x512x128xf32, #tpu.memory_space<vmem>>, vector<1x512x128xf32>,
    %slice3A_255 = vector.extract_strided_slice %div3A_49 {offsets = [0, 13], sizes = [512, 1], strides = [1, 1]} : vector<512x16xf32> to vector<512x1xf32>
    %slice3A_256 = vector.extract_strided_slice %get3A_16 {offsets = [13, 0], sizes = [1, 128], strides = [1, 1]} : vector<16x128xf32> to vector<1x128xf32>
    %squeeze3A_257 = vector.shape_cast %slice3A_256 : vector<1x128xf32> to vector<128xf32>
    %broadcast_in_dim3A_258 = vector.shape_cast %squeeze3A_257 : vector<128xf32> to vector<1x128xf32>
    %sub3A_259 = vector.broadcast %broadcast_in_dim3A_258 : vector<1x128xf32> to vector<512x128xf32>
    %sub3A_260 = arith.subf %add3A_11, %sub3A_259 : vector<512x128xf32>
    %mul3A_261 = vector.broadcast %slice3A_255 : vector<512x1xf32> to vector<512x128xf32>
    %mul3A_262 = arith.mulf %sub3A_260, %mul3A_261 : vector<512x128xf32>
    %add3A_263 = vector.broadcast %neg3A_29 : vector<1x1xf32> to vector<512x128xf32>
    %add3A_264 = arith.addf %mul3A_262, %add3A_263 : vector<512x128xf32>
    %exp23A_265 = math.exp2 %add3A_264 : vector<512x128xf32>
    %broadcast_in_dim3A_266 = vector.shape_cast %exp23A_265 : vector<512x128xf32> to vector<1x512x128xf32>
    %swap3A_267 = arith.constant 13 : index
    %swap3A_268 = arith.constant 0 : index
    %swap3A_269 = arith.constant 0 : index
    %swap3A_270 = vector.load %arg6[%swap3A_267, %swap3A_268, %swap3A_269] : memref<16x512x128xf32, #tpu.memory_space<vmem>>, vector<1x512x128xf32>
    tpu.vector_store %arg6[%swap3A_267, %swap3A_268, %swap3A_269], %broadcast_in_dim3A_266 {strides = array<i32>} : memref<16x512x128xf32, #tpu.memory_space<vmem>>, vector<1x512x128xf32>,
    %slice3A_271 = vector.extract_strided_slice %div3A_49 {offsets = [0, 14], sizes = [512, 1], strides = [1, 1]} : vector<512x16xf32> to vector<512x1xf32>
    %slice3A_272 = vector.extract_strided_slice %get3A_16 {offsets = [14, 0], sizes = [1, 128], strides = [1, 1]} : vector<16x128xf32> to vector<1x128xf32>
    %squeeze3A_273 = vector.shape_cast %slice3A_272 : vector<1x128xf32> to vector<128xf32>
    %broadcast_in_dim3A_274 = vector.shape_cast %squeeze3A_273 : vector<128xf32> to vector<1x128xf32>
    %sub3A_275 = vector.broadcast %broadcast_in_dim3A_274 : vector<1x128xf32> to vector<512x128xf32>
    %sub3A_276 = arith.subf %add3A_11, %sub3A_275 : vector<512x128xf32>
    %mul3A_277 = vector.broadcast %slice3A_271 : vector<512x1xf32> to vector<512x128xf32>
    %mul3A_278 = arith.mulf %sub3A_276, %mul3A_277 : vector<512x128xf32>
    %add3A_279 = vector.broadcast %neg3A_29 : vector<1x1xf32> to vector<512x128xf32>
    %add3A_280 = arith.addf %mul3A_278, %add3A_279 : vector<512x128xf32>
    %exp23A_281 = math.exp2 %add3A_280 : vector<512x128xf32>
    %broadcast_in_dim3A_282 = vector.shape_cast %exp23A_281 : vector<512x128xf32> to vector<1x512x128xf32>
    %swap3A_283 = arith.constant 14 : index
    %swap3A_284 = arith.constant 0 : index
    %swap3A_285 = arith.constant 0 : index
    %swap3A_286 = vector.load %arg6[%swap3A_283, %swap3A_284, %swap3A_285] : memref<16x512x128xf32, #tpu.memory_space<vmem>>, vector<1x512x128xf32>
    tpu.vector_store %arg6[%swap3A_283, %swap3A_284, %swap3A_285], %broadcast_in_dim3A_282 {strides = array<i32>} : memref<16x512x128xf32, #tpu.memory_space<vmem>>, vector<1x512x128xf32>,
    %slice3A_287 = vector.extract_strided_slice %div3A_49 {offsets = [0, 15], sizes = [512, 1], strides = [1, 1]} : vector<512x16xf32> to vector<512x1xf32>
    %slice3A_288 = vector.extract_strided_slice %get3A_16 {offsets = [15, 0], sizes = [1, 128], strides = [1, 1]} : vector<16x128xf32> to vector<1x128xf32>
    %squeeze3A_289 = vector.shape_cast %slice3A_288 : vector<1x128xf32> to vector<128xf32>
    %broadcast_in_dim3A_290 = vector.shape_cast %squeeze3A_289 : vector<128xf32> to vector<1x128xf32>
    %sub3A_291 = vector.broadcast %broadcast_in_dim3A_290 : vector<1x128xf32> to vector<512x128xf32>
    %sub3A_292 = arith.subf %add3A_11, %sub3A_291 : vector<512x128xf32>
    %mul3A_293 = vector.broadcast %slice3A_287 : vector<512x1xf32> to vector<512x128xf32>
    %mul3A_294 = arith.mulf %sub3A_292, %mul3A_293 : vector<512x128xf32>
    %add3A_295 = vector.broadcast %neg3A_29 : vector<1x1xf32> to vector<512x128xf32>
    %add3A_296 = arith.addf %mul3A_294, %add3A_295 : vector<512x128xf32>
    %exp23A_297 = math.exp2 %add3A_296 : vector<512x128xf32>
    %broadcast_in_dim3A_298 = vector.shape_cast %exp23A_297 : vector<512x128xf32> to vector<1x512x128xf32>
    %swap3A_299 = arith.constant 15 : index
    %swap3A_300 = arith.constant 0 : index
    %swap3A_301 = arith.constant 0 : index
    %swap3A_302 = vector.load %arg6[%swap3A_299, %swap3A_300, %swap3A_301] : memref<16x512x128xf32, #tpu.memory_space<vmem>>, vector<1x512x128xf32>
    tpu.vector_store %arg6[%swap3A_299, %swap3A_300, %swap3A_301], %broadcast_in_dim3A_298 {strides = array<i32>} : memref<16x512x128xf32, #tpu.memory_space<vmem>>, vector<1x512x128xf32>,
    return
  }
  func.func @transform_0(%arg0: i32) -> (i32, i32, i32, i32) {
    %c1_i32 = arith.constant 1 : i32
    %c0_i32 = arith.constant 0 : i32
    %c0_i32_0 = arith.constant 0 : i32
    %c0_i32_1 = arith.constant 0 : i32
    return %c1_i32, %arg0, %c0_i32, %c0_i32_0 : i32, i32, i32, i32
  }
  func.func @transform_1(%arg0: i32) -> (i32, i32, i32) {
    %c0_i32 = arith.constant 0 : i32
    %c0_i32_0 = arith.constant 0 : i32
    %c0_i32_1 = arith.constant 0 : i32
    %c0_i32_2 = arith.constant 0 : i32
    return %c0_i32, %c0_i32_0, %c0_i32_1 : i32, i32, i32
  }
  func.func @transform_2(%arg0: i32) -> (i32, i32, i32) {
    %c0_i32 = arith.constant 0 : i32
    %c0_i32_0 = arith.constant 0 : i32
    %c0_i32_1 = arith.constant 0 : i32
    %c0_i32_2 = arith.constant 0 : i32
    return %c0_i32, %c0_i32_0, %c0_i32_1 : i32, i32, i32
  }
  func.func @transform_3(%arg0: i32) -> (i32, i32) {
    %add3A = arith.constant 16 : i32
    %add3A_0 = arith.addi %add3A, %arg0 : i32
    %c0_i32 = arith.constant 0 : i32
    %c0_i32_1 = arith.constant 0 : i32
    return %add3A_0, %c0_i32 : i32, i32
  }
  func.func @transform_5(%arg0: i32) -> (i32, i32, i32) {
    %c0_i32 = arith.constant 0 : i32
    %c0_i32_0 = arith.constant 0 : i32
    %c0_i32_1 = arith.constant 0 : i32
    return %arg0, %c0_i32, %c0_i32_0 : i32, i32, i32
  }
  func.func @transform_6(%arg0: i32) -> (i32, i32) {
    %add3A = arith.constant 16 : i32
    %add3A_0 = arith.addi %add3A, %arg0 : i32
    %c0_i32 = arith.constant 0 : i32
    %c0_i32_1 = arith.constant 0 : i32
    return %add3A_0, %c0_i32 : i32, i32
  }
}

module attributes {stable_mosaic.version = 14 : i64} {
  func.func @_pass1_kernel(%arg0: i32, %arg1: i32, %arg2: memref<1x1x512x128xf32, #tpu.memory_space<vmem>>, %arg3: memref<16xi32, #tpu.memory_space<smem>>, %arg4: memref<16x128xf32, #tpu.memory_space<vmem>>, %arg5: memref<16x128xf32, #tpu.memory_space<vmem>>, %arg6: memref<100000x128xf32, #tpu.memory_space<hbm>>, %arg7: memref<100000x128xf32, #tpu.memory_space<hbm>>, %arg8: memref<3128x128xf32, #tpu.memory_space<vmem>>, %arg9: memref<1000x128xf32, #tpu.memory_space<vmem>>, %arg10: memref<1x8x128xf32, #tpu.memory_space<vmem>>, %arg11: memref<3128x128xf32, #tpu.memory_space<vmem>>, %arg12: memref<1000x128xf32, #tpu.memory_space<vmem>>, %arg13: memref<2x16x128xf32, #tpu.memory_space<vmem>>, %arg14: memref<16x128xf32, #tpu.memory_space<vmem>>, %arg15: memref<16x128xf32, #tpu.memory_space<vmem>>, %arg16: memref<!tpu.dma_semaphore, #tpu.memory_space<semaphore_mem>>) attributes {dimension_semantics = [#tpu.dimension_semantics<arbitrary>, #tpu.dimension_semantics<arbitrary>], iteration_bounds = array<i64: 2, 16>, scalar_prefetch = 0 : i64, scratch_operands = 1 : i64, tpu.core_type = #tpu.core_type<tc>, window_params = [{transform_indices = @transform_0, window_bounds = array<i64: 1, 1, 512, 128>}, {transform_indices = @transform_1, window_bounds = array<i64: 16>}, {pipeline_mode = #tpu.pipeline_mode<synchronous>, transform_indices = @transform_2, window_bounds = array<i64: 16, 128>}, {pipeline_mode = #tpu.pipeline_mode<synchronous>, transform_indices = @transform_3, window_bounds = array<i64: 16, 128>}, {}, {}, {transform_indices = @transform_6, window_bounds = array<i64: 3128, 128>}, {transform_indices = @transform_7, window_bounds = array<i64: 1000, 128>}, {transform_indices = @transform_8, window_bounds = array<i64: 1, 8, 128>}, {transform_indices = @transform_9, window_bounds = array<i64: 3128, 128>}, {transform_indices = @transform_10, window_bounds = array<i64: 1000, 128>}, {pipeline_mode = #tpu.pipeline_mode<synchronous>, transform_indices = @transform_11, window_bounds = array<i64: 2, 16, 128>}, {pipeline_mode = #tpu.pipeline_mode<synchronous>, transform_indices = @transform_12, window_bounds = array<i64: 16, 128>}, {pipeline_mode = #tpu.pipeline_mode<synchronous>, transform_indices = @transform_13, window_bounds = array<i64: 16, 128>}]} {
    %mul3A = arith.constant 16 : i32
    %mul3A_0 = arith.muli %arg0, %mul3A : i32
    %add3A = arith.addi %mul3A_0, %arg1 : i32
    %get3A = arith.constant 0 : index
    %get3A_1 = arith.constant 0 : index
    %get3A_2 = vector.load %arg8[%get3A, %get3A_1] : memref<3128x128xf32, #tpu.memory_space<vmem>>, vector<3128x128xf32>
    %swap3A = arith.constant 0 : index
    %swap3A_3 = arith.constant 0 : index
    %swap3A_4 = vector.load %arg11[%swap3A, %swap3A_3] : memref<3128x128xf32, #tpu.memory_space<vmem>>, vector<3128x128xf32>
    tpu.vector_store %arg11[%swap3A, %swap3A_3], %get3A_2 {strides = array<i32>} : memref<3128x128xf32, #tpu.memory_space<vmem>>, vector<3128x128xf32>,
    %get3A_5 = arith.constant 0 : index
    %get3A_6 = arith.constant 0 : index
    %get3A_7 = vector.load %arg9[%get3A_5, %get3A_6] : memref<1000x128xf32, #tpu.memory_space<vmem>>, vector<1000x128xf32>
    %swap3A_8 = arith.constant 0 : index
    %swap3A_9 = arith.constant 0 : index
    %swap3A_10 = vector.load %arg12[%swap3A_8, %swap3A_9] : memref<1000x128xf32, #tpu.memory_space<vmem>>, vector<1000x128xf32>
    tpu.vector_store %arg12[%swap3A_8, %swap3A_9], %get3A_7 {strides = array<i32>} : memref<1000x128xf32, #tpu.memory_space<vmem>>, vector<1000x128xf32>,
    %eq3A = arith.constant 0 : i32
    %eq3A_11 = arith.cmpi eq, %add3A, %eq3A : i32
    %convert_element_type3A = arith.extui %eq3A_11 : i1 to i32
    %cond3A = arith.constant 0 : i32
    %cond3A_12 = arith.cmpi ne, %convert_element_type3A, %cond3A : i32
    scf.if %cond3A_12 {
      %get3A_259 = arith.constant 0 : index
      %get3A_260 = memref.load %arg3[%get3A_259] : memref<16xi32, #tpu.memory_space<smem>>
      %dma_start3A = arith.constant 0 : i32
      %dma_start3A_261 = arith.constant 0 : i32
      %dma_start3A_262 = tpu.memref_slice %arg14[%dma_start3A, %dma_start3A_261] : memref<16x128xf32, #tpu.memory_space<vmem>> -> memref<1x128xf32, #tpu.memory_space<vmem>>
      %dma_start3A_263 = arith.constant 0 : i32
      %dma_start3A_264 = tpu.memref_slice %arg6[%get3A_260, %dma_start3A_263] : memref<100000x128xf32, #tpu.memory_space<hbm>> -> memref<1x128xf32, #tpu.memory_space<hbm>>
      tpu.enqueue_dma source(%dma_start3A_264 : memref<1x128xf32, #tpu.memory_space<hbm>>) target(%dma_start3A_262 : memref<1x128xf32, #tpu.memory_space<vmem>>) target_semaphore(%arg16 : memref<!tpu.dma_semaphore, #tpu.memory_space<semaphore_mem>>)
      %get3A_265 = arith.constant 0 : index
      %get3A_266 = memref.load %arg3[%get3A_265] : memref<16xi32, #tpu.memory_space<smem>>
      %dma_start3A_267 = arith.constant 0 : i32
      %dma_start3A_268 = arith.constant 0 : i32
      %dma_start3A_269 = tpu.memref_slice %arg15[%dma_start3A_267, %dma_start3A_268] : memref<16x128xf32, #tpu.memory_space<vmem>> -> memref<1x128xf32, #tpu.memory_space<vmem>>
      %dma_start3A_270 = arith.constant 0 : i32
      %dma_start3A_271 = tpu.memref_slice %arg7[%get3A_266, %dma_start3A_270] : memref<100000x128xf32, #tpu.memory_space<hbm>> -> memref<1x128xf32, #tpu.memory_space<hbm>>
      tpu.enqueue_dma source(%dma_start3A_271 : memref<1x128xf32, #tpu.memory_space<hbm>>) target(%dma_start3A_269 : memref<1x128xf32, #tpu.memory_space<vmem>>) target_semaphore(%arg16 : memref<!tpu.dma_semaphore, #tpu.memory_space<semaphore_mem>>)
      %get3A_272 = arith.constant 1 : index
      %get3A_273 = memref.load %arg3[%get3A_272] : memref<16xi32, #tpu.memory_space<smem>>
      %dma_start3A_274 = arith.constant 1 : i32
      %dma_start3A_275 = arith.constant 0 : i32
      %dma_start3A_276 = tpu.memref_slice %arg14[%dma_start3A_274, %dma_start3A_275] : memref<16x128xf32, #tpu.memory_space<vmem>> -> memref<1x128xf32, #tpu.memory_space<vmem>>
      %dma_start3A_277 = arith.constant 0 : i32
      %dma_start3A_278 = tpu.memref_slice %arg6[%get3A_273, %dma_start3A_277] : memref<100000x128xf32, #tpu.memory_space<hbm>> -> memref<1x128xf32, #tpu.memory_space<hbm>>
      tpu.enqueue_dma source(%dma_start3A_278 : memref<1x128xf32, #tpu.memory_space<hbm>>) target(%dma_start3A_276 : memref<1x128xf32, #tpu.memory_space<vmem>>) target_semaphore(%arg16 : memref<!tpu.dma_semaphore, #tpu.memory_space<semaphore_mem>>)
      %get3A_279 = arith.constant 1 : index
      %get3A_280 = memref.load %arg3[%get3A_279] : memref<16xi32, #tpu.memory_space<smem>>
      %dma_start3A_281 = arith.constant 1 : i32
      %dma_start3A_282 = arith.constant 0 : i32
      %dma_start3A_283 = tpu.memref_slice %arg15[%dma_start3A_281, %dma_start3A_282] : memref<16x128xf32, #tpu.memory_space<vmem>> -> memref<1x128xf32, #tpu.memory_space<vmem>>
      %dma_start3A_284 = arith.constant 0 : i32
      %dma_start3A_285 = tpu.memref_slice %arg7[%get3A_280, %dma_start3A_284] : memref<100000x128xf32, #tpu.memory_space<hbm>> -> memref<1x128xf32, #tpu.memory_space<hbm>>
      tpu.enqueue_dma source(%dma_start3A_285 : memref<1x128xf32, #tpu.memory_space<hbm>>) target(%dma_start3A_283 : memref<1x128xf32, #tpu.memory_space<vmem>>) target_semaphore(%arg16 : memref<!tpu.dma_semaphore, #tpu.memory_space<semaphore_mem>>)
      %get3A_286 = arith.constant 2 : index
      %get3A_287 = memref.load %arg3[%get3A_286] : memref<16xi32, #tpu.memory_space<smem>>
      %dma_start3A_288 = arith.constant 2 : i32
      %dma_start3A_289 = arith.constant 0 : i32
      %dma_start3A_290 = tpu.memref_slice %arg14[%dma_start3A_288, %dma_start3A_289] : memref<16x128xf32, #tpu.memory_space<vmem>> -> memref<1x128xf32, #tpu.memory_space<vmem>>
      %dma_start3A_291 = arith.constant 0 : i32
      %dma_start3A_292 = tpu.memref_slice %arg6[%get3A_287, %dma_start3A_291] : memref<100000x128xf32, #tpu.memory_space<hbm>> -> memref<1x128xf32, #tpu.memory_space<hbm>>
      tpu.enqueue_dma source(%dma_start3A_292 : memref<1x128xf32, #tpu.memory_space<hbm>>) target(%dma_start3A_290 : memref<1x128xf32, #tpu.memory_space<vmem>>) target_semaphore(%arg16 : memref<!tpu.dma_semaphore, #tpu.memory_space<semaphore_mem>>)
      %get3A_293 = arith.constant 2 : index
      %get3A_294 = memref.load %arg3[%get3A_293] : memref<16xi32, #tpu.memory_space<smem>>
      %dma_start3A_295 = arith.constant 2 : i32
      %dma_start3A_296 = arith.constant 0 : i32
      %dma_start3A_297 = tpu.memref_slice %arg15[%dma_start3A_295, %dma_start3A_296] : memref<16x128xf32, #tpu.memory_space<vmem>> -> memref<1x128xf32, #tpu.memory_space<vmem>>
      %dma_start3A_298 = arith.constant 0 : i32
      %dma_start3A_299 = tpu.memref_slice %arg7[%get3A_294, %dma_start3A_298] : memref<100000x128xf32, #tpu.memory_space<hbm>> -> memref<1x128xf32, #tpu.memory_space<hbm>>
      tpu.enqueue_dma source(%dma_start3A_299 : memref<1x128xf32, #tpu.memory_space<hbm>>) target(%dma_start3A_297 : memref<1x128xf32, #tpu.memory_space<vmem>>) target_semaphore(%arg16 : memref<!tpu.dma_semaphore, #tpu.memory_space<semaphore_mem>>)
      %get3A_300 = arith.constant 3 : index
      %get3A_301 = memref.load %arg3[%get3A_300] : memref<16xi32, #tpu.memory_space<smem>>
      %dma_start3A_302 = arith.constant 3 : i32
      %dma_start3A_303 = arith.constant 0 : i32
      %dma_start3A_304 = tpu.memref_slice %arg14[%dma_start3A_302, %dma_start3A_303] : memref<16x128xf32, #tpu.memory_space<vmem>> -> memref<1x128xf32, #tpu.memory_space<vmem>>
      %dma_start3A_305 = arith.constant 0 : i32
      %dma_start3A_306 = tpu.memref_slice %arg6[%get3A_301, %dma_start3A_305] : memref<100000x128xf32, #tpu.memory_space<hbm>> -> memref<1x128xf32, #tpu.memory_space<hbm>>
      tpu.enqueue_dma source(%dma_start3A_306 : memref<1x128xf32, #tpu.memory_space<hbm>>) target(%dma_start3A_304 : memref<1x128xf32, #tpu.memory_space<vmem>>) target_semaphore(%arg16 : memref<!tpu.dma_semaphore, #tpu.memory_space<semaphore_mem>>)
      %get3A_307 = arith.constant 3 : index
      %get3A_308 = memref.load %arg3[%get3A_307] : memref<16xi32, #tpu.memory_space<smem>>
      %dma_start3A_309 = arith.constant 3 : i32
      %dma_start3A_310 = arith.constant 0 : i32
      %dma_start3A_311 = tpu.memref_slice %arg15[%dma_start3A_309, %dma_start3A_310] : memref<16x128xf32, #tpu.memory_space<vmem>> -> memref<1x128xf32, #tpu.memory_space<vmem>>
      %dma_start3A_312 = arith.constant 0 : i32
      %dma_start3A_313 = tpu.memref_slice %arg7[%get3A_308, %dma_start3A_312] : memref<100000x128xf32, #tpu.memory_space<hbm>> -> memref<1x128xf32, #tpu.memory_space<hbm>>
      tpu.enqueue_dma source(%dma_start3A_313 : memref<1x128xf32, #tpu.memory_space<hbm>>) target(%dma_start3A_311 : memref<1x128xf32, #tpu.memory_space<vmem>>) target_semaphore(%arg16 : memref<!tpu.dma_semaphore, #tpu.memory_space<semaphore_mem>>)
      %get3A_314 = arith.constant 4 : index
      %get3A_315 = memref.load %arg3[%get3A_314] : memref<16xi32, #tpu.memory_space<smem>>
      %dma_start3A_316 = arith.constant 4 : i32
      %dma_start3A_317 = arith.constant 0 : i32
      %dma_start3A_318 = tpu.memref_slice %arg14[%dma_start3A_316, %dma_start3A_317] : memref<16x128xf32, #tpu.memory_space<vmem>> -> memref<1x128xf32, #tpu.memory_space<vmem>>
      %dma_start3A_319 = arith.constant 0 : i32
      %dma_start3A_320 = tpu.memref_slice %arg6[%get3A_315, %dma_start3A_319] : memref<100000x128xf32, #tpu.memory_space<hbm>> -> memref<1x128xf32, #tpu.memory_space<hbm>>
      tpu.enqueue_dma source(%dma_start3A_320 : memref<1x128xf32, #tpu.memory_space<hbm>>) target(%dma_start3A_318 : memref<1x128xf32, #tpu.memory_space<vmem>>) target_semaphore(%arg16 : memref<!tpu.dma_semaphore, #tpu.memory_space<semaphore_mem>>)
      %get3A_321 = arith.constant 4 : index
      %get3A_322 = memref.load %arg3[%get3A_321] : memref<16xi32, #tpu.memory_space<smem>>
      %dma_start3A_323 = arith.constant 4 : i32
      %dma_start3A_324 = arith.constant 0 : i32
      %dma_start3A_325 = tpu.memref_slice %arg15[%dma_start3A_323, %dma_start3A_324] : memref<16x128xf32, #tpu.memory_space<vmem>> -> memref<1x128xf32, #tpu.memory_space<vmem>>
      %dma_start3A_326 = arith.constant 0 : i32
      %dma_start3A_327 = tpu.memref_slice %arg7[%get3A_322, %dma_start3A_326] : memref<100000x128xf32, #tpu.memory_space<hbm>> -> memref<1x128xf32, #tpu.memory_space<hbm>>
      tpu.enqueue_dma source(%dma_start3A_327 : memref<1x128xf32, #tpu.memory_space<hbm>>) target(%dma_start3A_325 : memref<1x128xf32, #tpu.memory_space<vmem>>) target_semaphore(%arg16 : memref<!tpu.dma_semaphore, #tpu.memory_space<semaphore_mem>>)
      %get3A_328 = arith.constant 5 : index
      %get3A_329 = memref.load %arg3[%get3A_328] : memref<16xi32, #tpu.memory_space<smem>>
      %dma_start3A_330 = arith.constant 5 : i32
      %dma_start3A_331 = arith.constant 0 : i32
      %dma_start3A_332 = tpu.memref_slice %arg14[%dma_start3A_330, %dma_start3A_331] : memref<16x128xf32, #tpu.memory_space<vmem>> -> memref<1x128xf32, #tpu.memory_space<vmem>>
      %dma_start3A_333 = arith.constant 0 : i32
      %dma_start3A_334 = tpu.memref_slice %arg6[%get3A_329, %dma_start3A_333] : memref<100000x128xf32, #tpu.memory_space<hbm>> -> memref<1x128xf32, #tpu.memory_space<hbm>>
      tpu.enqueue_dma source(%dma_start3A_334 : memref<1x128xf32, #tpu.memory_space<hbm>>) target(%dma_start3A_332 : memref<1x128xf32, #tpu.memory_space<vmem>>) target_semaphore(%arg16 : memref<!tpu.dma_semaphore, #tpu.memory_space<semaphore_mem>>)
      %get3A_335 = arith.constant 5 : index
      %get3A_336 = memref.load %arg3[%get3A_335] : memref<16xi32, #tpu.memory_space<smem>>
      %dma_start3A_337 = arith.constant 5 : i32
      %dma_start3A_338 = arith.constant 0 : i32
      %dma_start3A_339 = tpu.memref_slice %arg15[%dma_start3A_337, %dma_start3A_338] : memref<16x128xf32, #tpu.memory_space<vmem>> -> memref<1x128xf32, #tpu.memory_space<vmem>>
      %dma_start3A_340 = arith.constant 0 : i32
      %dma_start3A_341 = tpu.memref_slice %arg7[%get3A_336, %dma_start3A_340] : memref<100000x128xf32, #tpu.memory_space<hbm>> -> memref<1x128xf32, #tpu.memory_space<hbm>>
      tpu.enqueue_dma source(%dma_start3A_341 : memref<1x128xf32, #tpu.memory_space<hbm>>) target(%dma_start3A_339 : memref<1x128xf32, #tpu.memory_space<vmem>>) target_semaphore(%arg16 : memref<!tpu.dma_semaphore, #tpu.memory_space<semaphore_mem>>)
      %get3A_342 = arith.constant 6 : index
      %get3A_343 = memref.load %arg3[%get3A_342] : memref<16xi32, #tpu.memory_space<smem>>
      %dma_start3A_344 = arith.constant 6 : i32
      %dma_start3A_345 = arith.constant 0 : i32
      %dma_start3A_346 = tpu.memref_slice %arg14[%dma_start3A_344, %dma_start3A_345] : memref<16x128xf32, #tpu.memory_space<vmem>> -> memref<1x128xf32, #tpu.memory_space<vmem>>
      %dma_start3A_347 = arith.constant 0 : i32
      %dma_start3A_348 = tpu.memref_slice %arg6[%get3A_343, %dma_start3A_347] : memref<100000x128xf32, #tpu.memory_space<hbm>> -> memref<1x128xf32, #tpu.memory_space<hbm>>
      tpu.enqueue_dma source(%dma_start3A_348 : memref<1x128xf32, #tpu.memory_space<hbm>>) target(%dma_start3A_346 : memref<1x128xf32, #tpu.memory_space<vmem>>) target_semaphore(%arg16 : memref<!tpu.dma_semaphore, #tpu.memory_space<semaphore_mem>>)
      %get3A_349 = arith.constant 6 : index
      %get3A_350 = memref.load %arg3[%get3A_349] : memref<16xi32, #tpu.memory_space<smem>>
      %dma_start3A_351 = arith.constant 6 : i32
      %dma_start3A_352 = arith.constant 0 : i32
      %dma_start3A_353 = tpu.memref_slice %arg15[%dma_start3A_351, %dma_start3A_352] : memref<16x128xf32, #tpu.memory_space<vmem>> -> memref<1x128xf32, #tpu.memory_space<vmem>>
      %dma_start3A_354 = arith.constant 0 : i32
      %dma_start3A_355 = tpu.memref_slice %arg7[%get3A_350, %dma_start3A_354] : memref<100000x128xf32, #tpu.memory_space<hbm>> -> memref<1x128xf32, #tpu.memory_space<hbm>>
      tpu.enqueue_dma source(%dma_start3A_355 : memref<1x128xf32, #tpu.memory_space<hbm>>) target(%dma_start3A_353 : memref<1x128xf32, #tpu.memory_space<vmem>>) target_semaphore(%arg16 : memref<!tpu.dma_semaphore, #tpu.memory_space<semaphore_mem>>)
      %get3A_356 = arith.constant 7 : index
      %get3A_357 = memref.load %arg3[%get3A_356] : memref<16xi32, #tpu.memory_space<smem>>
      %dma_start3A_358 = arith.constant 7 : i32
      %dma_start3A_359 = arith.constant 0 : i32
      %dma_start3A_360 = tpu.memref_slice %arg14[%dma_start3A_358, %dma_start3A_359] : memref<16x128xf32, #tpu.memory_space<vmem>> -> memref<1x128xf32, #tpu.memory_space<vmem>>
      %dma_start3A_361 = arith.constant 0 : i32
      %dma_start3A_362 = tpu.memref_slice %arg6[%get3A_357, %dma_start3A_361] : memref<100000x128xf32, #tpu.memory_space<hbm>> -> memref<1x128xf32, #tpu.memory_space<hbm>>
      tpu.enqueue_dma source(%dma_start3A_362 : memref<1x128xf32, #tpu.memory_space<hbm>>) target(%dma_start3A_360 : memref<1x128xf32, #tpu.memory_space<vmem>>) target_semaphore(%arg16 : memref<!tpu.dma_semaphore, #tpu.memory_space<semaphore_mem>>)
      %get3A_363 = arith.constant 7 : index
      %get3A_364 = memref.load %arg3[%get3A_363] : memref<16xi32, #tpu.memory_space<smem>>
      %dma_start3A_365 = arith.constant 7 : i32
      %dma_start3A_366 = arith.constant 0 : i32
      %dma_start3A_367 = tpu.memref_slice %arg15[%dma_start3A_365, %dma_start3A_366] : memref<16x128xf32, #tpu.memory_space<vmem>> -> memref<1x128xf32, #tpu.memory_space<vmem>>
      %dma_start3A_368 = arith.constant 0 : i32
      %dma_start3A_369 = tpu.memref_slice %arg7[%get3A_364, %dma_start3A_368] : memref<100000x128xf32, #tpu.memory_space<hbm>> -> memref<1x128xf32, #tpu.memory_space<hbm>>
      tpu.enqueue_dma source(%dma_start3A_369 : memref<1x128xf32, #tpu.memory_space<hbm>>) target(%dma_start3A_367 : memref<1x128xf32, #tpu.memory_space<vmem>>) target_semaphore(%arg16 : memref<!tpu.dma_semaphore, #tpu.memory_space<semaphore_mem>>)
      %get3A_370 = arith.constant 8 : index
      %get3A_371 = memref.load %arg3[%get3A_370] : memref<16xi32, #tpu.memory_space<smem>>
      %dma_start3A_372 = arith.constant 8 : i32
      %dma_start3A_373 = arith.constant 0 : i32
      %dma_start3A_374 = tpu.memref_slice %arg14[%dma_start3A_372, %dma_start3A_373] : memref<16x128xf32, #tpu.memory_space<vmem>> -> memref<1x128xf32, #tpu.memory_space<vmem>>
      %dma_start3A_375 = arith.constant 0 : i32
      %dma_start3A_376 = tpu.memref_slice %arg6[%get3A_371, %dma_start3A_375] : memref<100000x128xf32, #tpu.memory_space<hbm>> -> memref<1x128xf32, #tpu.memory_space<hbm>>
      tpu.enqueue_dma source(%dma_start3A_376 : memref<1x128xf32, #tpu.memory_space<hbm>>) target(%dma_start3A_374 : memref<1x128xf32, #tpu.memory_space<vmem>>) target_semaphore(%arg16 : memref<!tpu.dma_semaphore, #tpu.memory_space<semaphore_mem>>)
      %get3A_377 = arith.constant 8 : index
      %get3A_378 = memref.load %arg3[%get3A_377] : memref<16xi32, #tpu.memory_space<smem>>
      %dma_start3A_379 = arith.constant 8 : i32
      %dma_start3A_380 = arith.constant 0 : i32
      %dma_start3A_381 = tpu.memref_slice %arg15[%dma_start3A_379, %dma_start3A_380] : memref<16x128xf32, #tpu.memory_space<vmem>> -> memref<1x128xf32, #tpu.memory_space<vmem>>
      %dma_start3A_382 = arith.constant 0 : i32
      %dma_start3A_383 = tpu.memref_slice %arg7[%get3A_378, %dma_start3A_382] : memref<100000x128xf32, #tpu.memory_space<hbm>> -> memref<1x128xf32, #tpu.memory_space<hbm>>
      tpu.enqueue_dma source(%dma_start3A_383 : memref<1x128xf32, #tpu.memory_space<hbm>>) target(%dma_start3A_381 : memref<1x128xf32, #tpu.memory_space<vmem>>) target_semaphore(%arg16 : memref<!tpu.dma_semaphore, #tpu.memory_space<semaphore_mem>>)
      %get3A_384 = arith.constant 9 : index
      %get3A_385 = memref.load %arg3[%get3A_384] : memref<16xi32, #tpu.memory_space<smem>>
      %dma_start3A_386 = arith.constant 9 : i32
      %dma_start3A_387 = arith.constant 0 : i32
      %dma_start3A_388 = tpu.memref_slice %arg14[%dma_start3A_386, %dma_start3A_387] : memref<16x128xf32, #tpu.memory_space<vmem>> -> memref<1x128xf32, #tpu.memory_space<vmem>>
      %dma_start3A_389 = arith.constant 0 : i32
      %dma_start3A_390 = tpu.memref_slice %arg6[%get3A_385, %dma_start3A_389] : memref<100000x128xf32, #tpu.memory_space<hbm>> -> memref<1x128xf32, #tpu.memory_space<hbm>>
      tpu.enqueue_dma source(%dma_start3A_390 : memref<1x128xf32, #tpu.memory_space<hbm>>) target(%dma_start3A_388 : memref<1x128xf32, #tpu.memory_space<vmem>>) target_semaphore(%arg16 : memref<!tpu.dma_semaphore, #tpu.memory_space<semaphore_mem>>)
      %get3A_391 = arith.constant 9 : index
      %get3A_392 = memref.load %arg3[%get3A_391] : memref<16xi32, #tpu.memory_space<smem>>
      %dma_start3A_393 = arith.constant 9 : i32
      %dma_start3A_394 = arith.constant 0 : i32
      %dma_start3A_395 = tpu.memref_slice %arg15[%dma_start3A_393, %dma_start3A_394] : memref<16x128xf32, #tpu.memory_space<vmem>> -> memref<1x128xf32, #tpu.memory_space<vmem>>
      %dma_start3A_396 = arith.constant 0 : i32
      %dma_start3A_397 = tpu.memref_slice %arg7[%get3A_392, %dma_start3A_396] : memref<100000x128xf32, #tpu.memory_space<hbm>> -> memref<1x128xf32, #tpu.memory_space<hbm>>
      tpu.enqueue_dma source(%dma_start3A_397 : memref<1x128xf32, #tpu.memory_space<hbm>>) target(%dma_start3A_395 : memref<1x128xf32, #tpu.memory_space<vmem>>) target_semaphore(%arg16 : memref<!tpu.dma_semaphore, #tpu.memory_space<semaphore_mem>>)
      %get3A_398 = arith.constant 10 : index
      %get3A_399 = memref.load %arg3[%get3A_398] : memref<16xi32, #tpu.memory_space<smem>>
      %dma_start3A_400 = arith.constant 10 : i32
      %dma_start3A_401 = arith.constant 0 : i32
      %dma_start3A_402 = tpu.memref_slice %arg14[%dma_start3A_400, %dma_start3A_401] : memref<16x128xf32, #tpu.memory_space<vmem>> -> memref<1x128xf32, #tpu.memory_space<vmem>>
      %dma_start3A_403 = arith.constant 0 : i32
      %dma_start3A_404 = tpu.memref_slice %arg6[%get3A_399, %dma_start3A_403] : memref<100000x128xf32, #tpu.memory_space<hbm>> -> memref<1x128xf32, #tpu.memory_space<hbm>>
      tpu.enqueue_dma source(%dma_start3A_404 : memref<1x128xf32, #tpu.memory_space<hbm>>) target(%dma_start3A_402 : memref<1x128xf32, #tpu.memory_space<vmem>>) target_semaphore(%arg16 : memref<!tpu.dma_semaphore, #tpu.memory_space<semaphore_mem>>)
      %get3A_405 = arith.constant 10 : index
      %get3A_406 = memref.load %arg3[%get3A_405] : memref<16xi32, #tpu.memory_space<smem>>
      %dma_start3A_407 = arith.constant 10 : i32
      %dma_start3A_408 = arith.constant 0 : i32
      %dma_start3A_409 = tpu.memref_slice %arg15[%dma_start3A_407, %dma_start3A_408] : memref<16x128xf32, #tpu.memory_space<vmem>> -> memref<1x128xf32, #tpu.memory_space<vmem>>
      %dma_start3A_410 = arith.constant 0 : i32
      %dma_start3A_411 = tpu.memref_slice %arg7[%get3A_406, %dma_start3A_410] : memref<100000x128xf32, #tpu.memory_space<hbm>> -> memref<1x128xf32, #tpu.memory_space<hbm>>
      tpu.enqueue_dma source(%dma_start3A_411 : memref<1x128xf32, #tpu.memory_space<hbm>>) target(%dma_start3A_409 : memref<1x128xf32, #tpu.memory_space<vmem>>) target_semaphore(%arg16 : memref<!tpu.dma_semaphore, #tpu.memory_space<semaphore_mem>>)
      %get3A_412 = arith.constant 11 : index
      %get3A_413 = memref.load %arg3[%get3A_412] : memref<16xi32, #tpu.memory_space<smem>>
      %dma_start3A_414 = arith.constant 11 : i32
      %dma_start3A_415 = arith.constant 0 : i32
      %dma_start3A_416 = tpu.memref_slice %arg14[%dma_start3A_414, %dma_start3A_415] : memref<16x128xf32, #tpu.memory_space<vmem>> -> memref<1x128xf32, #tpu.memory_space<vmem>>
      %dma_start3A_417 = arith.constant 0 : i32
      %dma_start3A_418 = tpu.memref_slice %arg6[%get3A_413, %dma_start3A_417] : memref<100000x128xf32, #tpu.memory_space<hbm>> -> memref<1x128xf32, #tpu.memory_space<hbm>>
      tpu.enqueue_dma source(%dma_start3A_418 : memref<1x128xf32, #tpu.memory_space<hbm>>) target(%dma_start3A_416 : memref<1x128xf32, #tpu.memory_space<vmem>>) target_semaphore(%arg16 : memref<!tpu.dma_semaphore, #tpu.memory_space<semaphore_mem>>)
      %get3A_419 = arith.constant 11 : index
      %get3A_420 = memref.load %arg3[%get3A_419] : memref<16xi32, #tpu.memory_space<smem>>
      %dma_start3A_421 = arith.constant 11 : i32
      %dma_start3A_422 = arith.constant 0 : i32
      %dma_start3A_423 = tpu.memref_slice %arg15[%dma_start3A_421, %dma_start3A_422] : memref<16x128xf32, #tpu.memory_space<vmem>> -> memref<1x128xf32, #tpu.memory_space<vmem>>
      %dma_start3A_424 = arith.constant 0 : i32
      %dma_start3A_425 = tpu.memref_slice %arg7[%get3A_420, %dma_start3A_424] : memref<100000x128xf32, #tpu.memory_space<hbm>> -> memref<1x128xf32, #tpu.memory_space<hbm>>
      tpu.enqueue_dma source(%dma_start3A_425 : memref<1x128xf32, #tpu.memory_space<hbm>>) target(%dma_start3A_423 : memref<1x128xf32, #tpu.memory_space<vmem>>) target_semaphore(%arg16 : memref<!tpu.dma_semaphore, #tpu.memory_space<semaphore_mem>>)
      %get3A_426 = arith.constant 12 : index
      %get3A_427 = memref.load %arg3[%get3A_426] : memref<16xi32, #tpu.memory_space<smem>>
      %dma_start3A_428 = arith.constant 12 : i32
      %dma_start3A_429 = arith.constant 0 : i32
      %dma_start3A_430 = tpu.memref_slice %arg14[%dma_start3A_428, %dma_start3A_429] : memref<16x128xf32, #tpu.memory_space<vmem>> -> memref<1x128xf32, #tpu.memory_space<vmem>>
      %dma_start3A_431 = arith.constant 0 : i32
      %dma_start3A_432 = tpu.memref_slice %arg6[%get3A_427, %dma_start3A_431] : memref<100000x128xf32, #tpu.memory_space<hbm>> -> memref<1x128xf32, #tpu.memory_space<hbm>>
      tpu.enqueue_dma source(%dma_start3A_432 : memref<1x128xf32, #tpu.memory_space<hbm>>) target(%dma_start3A_430 : memref<1x128xf32, #tpu.memory_space<vmem>>) target_semaphore(%arg16 : memref<!tpu.dma_semaphore, #tpu.memory_space<semaphore_mem>>)
      %get3A_433 = arith.constant 12 : index
      %get3A_434 = memref.load %arg3[%get3A_433] : memref<16xi32, #tpu.memory_space<smem>>
      %dma_start3A_435 = arith.constant 12 : i32
      %dma_start3A_436 = arith.constant 0 : i32
      %dma_start3A_437 = tpu.memref_slice %arg15[%dma_start3A_435, %dma_start3A_436] : memref<16x128xf32, #tpu.memory_space<vmem>> -> memref<1x128xf32, #tpu.memory_space<vmem>>
      %dma_start3A_438 = arith.constant 0 : i32
      %dma_start3A_439 = tpu.memref_slice %arg7[%get3A_434, %dma_start3A_438] : memref<100000x128xf32, #tpu.memory_space<hbm>> -> memref<1x128xf32, #tpu.memory_space<hbm>>
      tpu.enqueue_dma source(%dma_start3A_439 : memref<1x128xf32, #tpu.memory_space<hbm>>) target(%dma_start3A_437 : memref<1x128xf32, #tpu.memory_space<vmem>>) target_semaphore(%arg16 : memref<!tpu.dma_semaphore, #tpu.memory_space<semaphore_mem>>)
      %get3A_440 = arith.constant 13 : index
      %get3A_441 = memref.load %arg3[%get3A_440] : memref<16xi32, #tpu.memory_space<smem>>
      %dma_start3A_442 = arith.constant 13 : i32
      %dma_start3A_443 = arith.constant 0 : i32
      %dma_start3A_444 = tpu.memref_slice %arg14[%dma_start3A_442, %dma_start3A_443] : memref<16x128xf32, #tpu.memory_space<vmem>> -> memref<1x128xf32, #tpu.memory_space<vmem>>
      %dma_start3A_445 = arith.constant 0 : i32
      %dma_start3A_446 = tpu.memref_slice %arg6[%get3A_441, %dma_start3A_445] : memref<100000x128xf32, #tpu.memory_space<hbm>> -> memref<1x128xf32, #tpu.memory_space<hbm>>
      tpu.enqueue_dma source(%dma_start3A_446 : memref<1x128xf32, #tpu.memory_space<hbm>>) target(%dma_start3A_444 : memref<1x128xf32, #tpu.memory_space<vmem>>) target_semaphore(%arg16 : memref<!tpu.dma_semaphore, #tpu.memory_space<semaphore_mem>>)
      %get3A_447 = arith.constant 13 : index
      %get3A_448 = memref.load %arg3[%get3A_447] : memref<16xi32, #tpu.memory_space<smem>>
      %dma_start3A_449 = arith.constant 13 : i32
      %dma_start3A_450 = arith.constant 0 : i32
      %dma_start3A_451 = tpu.memref_slice %arg15[%dma_start3A_449, %dma_start3A_450] : memref<16x128xf32, #tpu.memory_space<vmem>> -> memref<1x128xf32, #tpu.memory_space<vmem>>
      %dma_start3A_452 = arith.constant 0 : i32
      %dma_start3A_453 = tpu.memref_slice %arg7[%get3A_448, %dma_start3A_452] : memref<100000x128xf32, #tpu.memory_space<hbm>> -> memref<1x128xf32, #tpu.memory_space<hbm>>
      tpu.enqueue_dma source(%dma_start3A_453 : memref<1x128xf32, #tpu.memory_space<hbm>>) target(%dma_start3A_451 : memref<1x128xf32, #tpu.memory_space<vmem>>) target_semaphore(%arg16 : memref<!tpu.dma_semaphore, #tpu.memory_space<semaphore_mem>>)
      %get3A_454 = arith.constant 14 : index
      %get3A_455 = memref.load %arg3[%get3A_454] : memref<16xi32, #tpu.memory_space<smem>>
      %dma_start3A_456 = arith.constant 14 : i32
      %dma_start3A_457 = arith.constant 0 : i32
      %dma_start3A_458 = tpu.memref_slice %arg14[%dma_start3A_456, %dma_start3A_457] : memref<16x128xf32, #tpu.memory_space<vmem>> -> memref<1x128xf32, #tpu.memory_space<vmem>>
      %dma_start3A_459 = arith.constant 0 : i32
      %dma_start3A_460 = tpu.memref_slice %arg6[%get3A_455, %dma_start3A_459] : memref<100000x128xf32, #tpu.memory_space<hbm>> -> memref<1x128xf32, #tpu.memory_space<hbm>>
      tpu.enqueue_dma source(%dma_start3A_460 : memref<1x128xf32, #tpu.memory_space<hbm>>) target(%dma_start3A_458 : memref<1x128xf32, #tpu.memory_space<vmem>>) target_semaphore(%arg16 : memref<!tpu.dma_semaphore, #tpu.memory_space<semaphore_mem>>)
      %get3A_461 = arith.constant 14 : index
      %get3A_462 = memref.load %arg3[%get3A_461] : memref<16xi32, #tpu.memory_space<smem>>
      %dma_start3A_463 = arith.constant 14 : i32
      %dma_start3A_464 = arith.constant 0 : i32
      %dma_start3A_465 = tpu.memref_slice %arg15[%dma_start3A_463, %dma_start3A_464] : memref<16x128xf32, #tpu.memory_space<vmem>> -> memref<1x128xf32, #tpu.memory_space<vmem>>
      %dma_start3A_466 = arith.constant 0 : i32
      %dma_start3A_467 = tpu.memref_slice %arg7[%get3A_462, %dma_start3A_466] : memref<100000x128xf32, #tpu.memory_space<hbm>> -> memref<1x128xf32, #tpu.memory_space<hbm>>
      tpu.enqueue_dma source(%dma_start3A_467 : memref<1x128xf32, #tpu.memory_space<hbm>>) target(%dma_start3A_465 : memref<1x128xf32, #tpu.memory_space<vmem>>) target_semaphore(%arg16 : memref<!tpu.dma_semaphore, #tpu.memory_space<semaphore_mem>>)
      %get3A_468 = arith.constant 15 : index
      %get3A_469 = memref.load %arg3[%get3A_468] : memref<16xi32, #tpu.memory_space<smem>>
      %dma_start3A_470 = arith.constant 15 : i32
      %dma_start3A_471 = arith.constant 0 : i32
      %dma_start3A_472 = tpu.memref_slice %arg14[%dma_start3A_470, %dma_start3A_471] : memref<16x128xf32, #tpu.memory_space<vmem>> -> memref<1x128xf32, #tpu.memory_space<vmem>>
      %dma_start3A_473 = arith.constant 0 : i32
      %dma_start3A_474 = tpu.memref_slice %arg6[%get3A_469, %dma_start3A_473] : memref<100000x128xf32, #tpu.memory_space<hbm>> -> memref<1x128xf32, #tpu.memory_space<hbm>>
      tpu.enqueue_dma source(%dma_start3A_474 : memref<1x128xf32, #tpu.memory_space<hbm>>) target(%dma_start3A_472 : memref<1x128xf32, #tpu.memory_space<vmem>>) target_semaphore(%arg16 : memref<!tpu.dma_semaphore, #tpu.memory_space<semaphore_mem>>)
      %get3A_475 = arith.constant 15 : index
      %get3A_476 = memref.load %arg3[%get3A_475] : memref<16xi32, #tpu.memory_space<smem>>
      %dma_start3A_477 = arith.constant 15 : i32
      %dma_start3A_478 = arith.constant 0 : i32
      %dma_start3A_479 = tpu.memref_slice %arg15[%dma_start3A_477, %dma_start3A_478] : memref<16x128xf32, #tpu.memory_space<vmem>> -> memref<1x128xf32, #tpu.memory_space<vmem>>
      %dma_start3A_480 = arith.constant 0 : i32
      %dma_start3A_481 = tpu.memref_slice %arg7[%get3A_476, %dma_start3A_480] : memref<100000x128xf32, #tpu.memory_space<hbm>> -> memref<1x128xf32, #tpu.memory_space<hbm>>
      tpu.enqueue_dma source(%dma_start3A_481 : memref<1x128xf32, #tpu.memory_space<hbm>>) target(%dma_start3A_479 : memref<1x128xf32, #tpu.memory_space<vmem>>) target_semaphore(%arg16 : memref<!tpu.dma_semaphore, #tpu.memory_space<semaphore_mem>>)
      %dma_wait3A = arith.constant 0 : i32
      %dma_wait3A_482 = arith.constant 0 : i32
      %dma_wait3A_483 = tpu.memref_slice %arg14[%dma_wait3A, %dma_wait3A_482] : memref<16x128xf32, #tpu.memory_space<vmem>> -> memref<1x128xf32, #tpu.memory_space<vmem>>
      %dma_wait3A_484 = arith.constant 0 : i32
      %dma_wait3A_485 = arith.constant 0 : i32
      %dma_wait3A_486 = tpu.memref_slice %arg6[%dma_wait3A_484, %dma_wait3A_485] : memref<100000x128xf32, #tpu.memory_space<hbm>> -> memref<1x128xf32, #tpu.memory_space<hbm>>
      tpu.wait_dma2 semaphore(%arg16 : memref<!tpu.dma_semaphore, #tpu.memory_space<semaphore_mem>>) src(%dma_wait3A_486 : memref<1x128xf32, #tpu.memory_space<hbm>>) dst(%dma_wait3A_483 : memref<1x128xf32, #tpu.memory_space<vmem>>)
      %dma_wait3A_487 = arith.constant 0 : i32
      %dma_wait3A_488 = arith.constant 0 : i32
      %dma_wait3A_489 = tpu.memref_slice %arg14[%dma_wait3A_487, %dma_wait3A_488] : memref<16x128xf32, #tpu.memory_space<vmem>> -> memref<1x128xf32, #tpu.memory_space<vmem>>
      %dma_wait3A_490 = arith.constant 0 : i32
      %dma_wait3A_491 = arith.constant 0 : i32
      %dma_wait3A_492 = tpu.memref_slice %arg6[%dma_wait3A_490, %dma_wait3A_491] : memref<100000x128xf32, #tpu.memory_space<hbm>> -> memref<1x128xf32, #tpu.memory_space<hbm>>
      tpu.wait_dma2 semaphore(%arg16 : memref<!tpu.dma_semaphore, #tpu.memory_space<semaphore_mem>>) src(%dma_wait3A_492 : memref<1x128xf32, #tpu.memory_space<hbm>>) dst(%dma_wait3A_489 : memref<1x128xf32, #tpu.memory_space<vmem>>)
      %dma_wait3A_493 = arith.constant 0 : i32
      %dma_wait3A_494 = arith.constant 0 : i32
      %dma_wait3A_495 = tpu.memref_slice %arg14[%dma_wait3A_493, %dma_wait3A_494] : memref<16x128xf32, #tpu.memory_space<vmem>> -> memref<1x128xf32, #tpu.memory_space<vmem>>
      %dma_wait3A_496 = arith.constant 0 : i32
      %dma_wait3A_497 = arith.constant 0 : i32
      %dma_wait3A_498 = tpu.memref_slice %arg6[%dma_wait3A_496, %dma_wait3A_497] : memref<100000x128xf32, #tpu.memory_space<hbm>> -> memref<1x128xf32, #tpu.memory_space<hbm>>
      tpu.wait_dma2 semaphore(%arg16 : memref<!tpu.dma_semaphore, #tpu.memory_space<semaphore_mem>>) src(%dma_wait3A_498 : memref<1x128xf32, #tpu.memory_space<hbm>>) dst(%dma_wait3A_495 : memref<1x128xf32, #tpu.memory_space<vmem>>)
      %dma_wait3A_499 = arith.constant 0 : i32
      %dma_wait3A_500 = arith.constant 0 : i32
      %dma_wait3A_501 = tpu.memref_slice %arg14[%dma_wait3A_499, %dma_wait3A_500] : memref<16x128xf32, #tpu.memory_space<vmem>> -> memref<1x128xf32, #tpu.memory_space<vmem>>
      %dma_wait3A_502 = arith.constant 0 : i32
      %dma_wait3A_503 = arith.constant 0 : i32
      %dma_wait3A_504 = tpu.memref_slice %arg6[%dma_wait3A_502, %dma_wait3A_503] : memref<100000x128xf32, #tpu.memory_space<hbm>> -> memref<1x128xf32, #tpu.memory_space<hbm>>
      tpu.wait_dma2 semaphore(%arg16 : memref<!tpu.dma_semaphore, #tpu.memory_space<semaphore_mem>>) src(%dma_wait3A_504 : memref<1x128xf32, #tpu.memory_space<hbm>>) dst(%dma_wait3A_501 : memref<1x128xf32, #tpu.memory_space<vmem>>)
      %dma_wait3A_505 = arith.constant 0 : i32
      %dma_wait3A_506 = arith.constant 0 : i32
      %dma_wait3A_507 = tpu.memref_slice %arg14[%dma_wait3A_505, %dma_wait3A_506] : memref<16x128xf32, #tpu.memory_space<vmem>> -> memref<1x128xf32, #tpu.memory_space<vmem>>
      %dma_wait3A_508 = arith.constant 0 : i32
      %dma_wait3A_509 = arith.constant 0 : i32
      %dma_wait3A_510 = tpu.memref_slice %arg6[%dma_wait3A_508, %dma_wait3A_509] : memref<100000x128xf32, #tpu.memory_space<hbm>> -> memref<1x128xf32, #tpu.memory_space<hbm>>
      tpu.wait_dma2 semaphore(%arg16 : memref<!tpu.dma_semaphore, #tpu.memory_space<semaphore_mem>>) src(%dma_wait3A_510 : memref<1x128xf32, #tpu.memory_space<hbm>>) dst(%dma_wait3A_507 : memref<1x128xf32, #tpu.memory_space<vmem>>)
      %dma_wait3A_511 = arith.constant 0 : i32
      %dma_wait3A_512 = arith.constant 0 : i32
      %dma_wait3A_513 = tpu.memref_slice %arg14[%dma_wait3A_511, %dma_wait3A_512] : memref<16x128xf32, #tpu.memory_space<vmem>> -> memref<1x128xf32, #tpu.memory_space<vmem>>
      %dma_wait3A_514 = arith.constant 0 : i32
      %dma_wait3A_515 = arith.constant 0 : i32
      %dma_wait3A_516 = tpu.memref_slice %arg6[%dma_wait3A_514, %dma_wait3A_515] : memref<100000x128xf32, #tpu.memory_space<hbm>> -> memref<1x128xf32, #tpu.memory_space<hbm>>
      tpu.wait_dma2 semaphore(%arg16 : memref<!tpu.dma_semaphore, #tpu.memory_space<semaphore_mem>>) src(%dma_wait3A_516 : memref<1x128xf32, #tpu.memory_space<hbm>>) dst(%dma_wait3A_513 : memref<1x128xf32, #tpu.memory_space<vmem>>)
      %dma_wait3A_517 = arith.constant 0 : i32
      %dma_wait3A_518 = arith.constant 0 : i32
      %dma_wait3A_519 = tpu.memref_slice %arg14[%dma_wait3A_517, %dma_wait3A_518] : memref<16x128xf32, #tpu.memory_space<vmem>> -> memref<1x128xf32, #tpu.memory_space<vmem>>
      %dma_wait3A_520 = arith.constant 0 : i32
      %dma_wait3A_521 = arith.constant 0 : i32
      %dma_wait3A_522 = tpu.memref_slice %arg6[%dma_wait3A_520, %dma_wait3A_521] : memref<100000x128xf32, #tpu.memory_space<hbm>> -> memref<1x128xf32, #tpu.memory_space<hbm>>
      tpu.wait_dma2 semaphore(%arg16 : memref<!tpu.dma_semaphore, #tpu.memory_space<semaphore_mem>>) src(%dma_wait3A_522 : memref<1x128xf32, #tpu.memory_space<hbm>>) dst(%dma_wait3A_519 : memref<1x128xf32, #tpu.memory_space<vmem>>)
      %dma_wait3A_523 = arith.constant 0 : i32
      %dma_wait3A_524 = arith.constant 0 : i32
      %dma_wait3A_525 = tpu.memref_slice %arg14[%dma_wait3A_523, %dma_wait3A_524] : memref<16x128xf32, #tpu.memory_space<vmem>> -> memref<1x128xf32, #tpu.memory_space<vmem>>
      %dma_wait3A_526 = arith.constant 0 : i32
      %dma_wait3A_527 = arith.constant 0 : i32
      %dma_wait3A_528 = tpu.memref_slice %arg6[%dma_wait3A_526, %dma_wait3A_527] : memref<100000x128xf32, #tpu.memory_space<hbm>> -> memref<1x128xf32, #tpu.memory_space<hbm>>
      tpu.wait_dma2 semaphore(%arg16 : memref<!tpu.dma_semaphore, #tpu.memory_space<semaphore_mem>>) src(%dma_wait3A_528 : memref<1x128xf32, #tpu.memory_space<hbm>>) dst(%dma_wait3A_525 : memref<1x128xf32, #tpu.memory_space<vmem>>)
      %dma_wait3A_529 = arith.constant 0 : i32
      %dma_wait3A_530 = arith.constant 0 : i32
      %dma_wait3A_531 = tpu.memref_slice %arg14[%dma_wait3A_529, %dma_wait3A_530] : memref<16x128xf32, #tpu.memory_space<vmem>> -> memref<1x128xf32, #tpu.memory_space<vmem>>
      %dma_wait3A_532 = arith.constant 0 : i32
      %dma_wait3A_533 = arith.constant 0 : i32
      %dma_wait3A_534 = tpu.memref_slice %arg6[%dma_wait3A_532, %dma_wait3A_533] : memref<100000x128xf32, #tpu.memory_space<hbm>> -> memref<1x128xf32, #tpu.memory_space<hbm>>
      tpu.wait_dma2 semaphore(%arg16 : memref<!tpu.dma_semaphore, #tpu.memory_space<semaphore_mem>>) src(%dma_wait3A_534 : memref<1x128xf32, #tpu.memory_space<hbm>>) dst(%dma_wait3A_531 : memref<1x128xf32, #tpu.memory_space<vmem>>)
      %dma_wait3A_535 = arith.constant 0 : i32
      %dma_wait3A_536 = arith.constant 0 : i32
      %dma_wait3A_537 = tpu.memref_slice %arg14[%dma_wait3A_535, %dma_wait3A_536] : memref<16x128xf32, #tpu.memory_space<vmem>> -> memref<1x128xf32, #tpu.memory_space<vmem>>
      %dma_wait3A_538 = arith.constant 0 : i32
      %dma_wait3A_539 = arith.constant 0 : i32
      %dma_wait3A_540 = tpu.memref_slice %arg6[%dma_wait3A_538, %dma_wait3A_539] : memref<100000x128xf32, #tpu.memory_space<hbm>> -> memref<1x128xf32, #tpu.memory_space<hbm>>
      tpu.wait_dma2 semaphore(%arg16 : memref<!tpu.dma_semaphore, #tpu.memory_space<semaphore_mem>>) src(%dma_wait3A_540 : memref<1x128xf32, #tpu.memory_space<hbm>>) dst(%dma_wait3A_537 : memref<1x128xf32, #tpu.memory_space<vmem>>)
      %dma_wait3A_541 = arith.constant 0 : i32
      %dma_wait3A_542 = arith.constant 0 : i32
      %dma_wait3A_543 = tpu.memref_slice %arg14[%dma_wait3A_541, %dma_wait3A_542] : memref<16x128xf32, #tpu.memory_space<vmem>> -> memref<1x128xf32, #tpu.memory_space<vmem>>
      %dma_wait3A_544 = arith.constant 0 : i32
      %dma_wait3A_545 = arith.constant 0 : i32
      %dma_wait3A_546 = tpu.memref_slice %arg6[%dma_wait3A_544, %dma_wait3A_545] : memref<100000x128xf32, #tpu.memory_space<hbm>> -> memref<1x128xf32, #tpu.memory_space<hbm>>
      tpu.wait_dma2 semaphore(%arg16 : memref<!tpu.dma_semaphore, #tpu.memory_space<semaphore_mem>>) src(%dma_wait3A_546 : memref<1x128xf32, #tpu.memory_space<hbm>>) dst(%dma_wait3A_543 : memref<1x128xf32, #tpu.memory_space<vmem>>)
      %dma_wait3A_547 = arith.constant 0 : i32
      %dma_wait3A_548 = arith.constant 0 : i32
      %dma_wait3A_549 = tpu.memref_slice %arg14[%dma_wait3A_547, %dma_wait3A_548] : memref<16x128xf32, #tpu.memory_space<vmem>> -> memref<1x128xf32, #tpu.memory_space<vmem>>
      %dma_wait3A_550 = arith.constant 0 : i32
      %dma_wait3A_551 = arith.constant 0 : i32
      %dma_wait3A_552 = tpu.memref_slice %arg6[%dma_wait3A_550, %dma_wait3A_551] : memref<100000x128xf32, #tpu.memory_space<hbm>> -> memref<1x128xf32, #tpu.memory_space<hbm>>
      tpu.wait_dma2 semaphore(%arg16 : memref<!tpu.dma_semaphore, #tpu.memory_space<semaphore_mem>>) src(%dma_wait3A_552 : memref<1x128xf32, #tpu.memory_space<hbm>>) dst(%dma_wait3A_549 : memref<1x128xf32, #tpu.memory_space<vmem>>)
      %dma_wait3A_553 = arith.constant 0 : i32
      %dma_wait3A_554 = arith.constant 0 : i32
      %dma_wait3A_555 = tpu.memref_slice %arg14[%dma_wait3A_553, %dma_wait3A_554] : memref<16x128xf32, #tpu.memory_space<vmem>> -> memref<1x128xf32, #tpu.memory_space<vmem>>
      %dma_wait3A_556 = arith.constant 0 : i32
      %dma_wait3A_557 = arith.constant 0 : i32
      %dma_wait3A_558 = tpu.memref_slice %arg6[%dma_wait3A_556, %dma_wait3A_557] : memref<100000x128xf32, #tpu.memory_space<hbm>> -> memref<1x128xf32, #tpu.memory_space<hbm>>
      tpu.wait_dma2 semaphore(%arg16 : memref<!tpu.dma_semaphore, #tpu.memory_space<semaphore_mem>>) src(%dma_wait3A_558 : memref<1x128xf32, #tpu.memory_space<hbm>>) dst(%dma_wait3A_555 : memref<1x128xf32, #tpu.memory_space<vmem>>)
      %dma_wait3A_559 = arith.constant 0 : i32
      %dma_wait3A_560 = arith.constant 0 : i32
      %dma_wait3A_561 = tpu.memref_slice %arg14[%dma_wait3A_559, %dma_wait3A_560] : memref<16x128xf32, #tpu.memory_space<vmem>> -> memref<1x128xf32, #tpu.memory_space<vmem>>
      %dma_wait3A_562 = arith.constant 0 : i32
      %dma_wait3A_563 = arith.constant 0 : i32
      %dma_wait3A_564 = tpu.memref_slice %arg6[%dma_wait3A_562, %dma_wait3A_563] : memref<100000x128xf32, #tpu.memory_space<hbm>> -> memref<1x128xf32, #tpu.memory_space<hbm>>
      tpu.wait_dma2 semaphore(%arg16 : memref<!tpu.dma_semaphore, #tpu.memory_space<semaphore_mem>>) src(%dma_wait3A_564 : memref<1x128xf32, #tpu.memory_space<hbm>>) dst(%dma_wait3A_561 : memref<1x128xf32, #tpu.memory_space<vmem>>)
      %dma_wait3A_565 = arith.constant 0 : i32
      %dma_wait3A_566 = arith.constant 0 : i32
      %dma_wait3A_567 = tpu.memref_slice %arg14[%dma_wait3A_565, %dma_wait3A_566] : memref<16x128xf32, #tpu.memory_space<vmem>> -> memref<1x128xf32, #tpu.memory_space<vmem>>
      %dma_wait3A_568 = arith.constant 0 : i32
      %dma_wait3A_569 = arith.constant 0 : i32
      %dma_wait3A_570 = tpu.memref_slice %arg6[%dma_wait3A_568, %dma_wait3A_569] : memref<100000x128xf32, #tpu.memory_space<hbm>> -> memref<1x128xf32, #tpu.memory_space<hbm>>
      tpu.wait_dma2 semaphore(%arg16 : memref<!tpu.dma_semaphore, #tpu.memory_space<semaphore_mem>>) src(%dma_wait3A_570 : memref<1x128xf32, #tpu.memory_space<hbm>>) dst(%dma_wait3A_567 : memref<1x128xf32, #tpu.memory_space<vmem>>)
      %dma_wait3A_571 = arith.constant 0 : i32
      %dma_wait3A_572 = arith.constant 0 : i32
      %dma_wait3A_573 = tpu.memref_slice %arg14[%dma_wait3A_571, %dma_wait3A_572] : memref<16x128xf32, #tpu.memory_space<vmem>> -> memref<1x128xf32, #tpu.memory_space<vmem>>
      %dma_wait3A_574 = arith.constant 0 : i32
      %dma_wait3A_575 = arith.constant 0 : i32
      %dma_wait3A_576 = tpu.memref_slice %arg6[%dma_wait3A_574, %dma_wait3A_575] : memref<100000x128xf32, #tpu.memory_space<hbm>> -> memref<1x128xf32, #tpu.memory_space<hbm>>
      tpu.wait_dma2 semaphore(%arg16 : memref<!tpu.dma_semaphore, #tpu.memory_space<semaphore_mem>>) src(%dma_wait3A_576 : memref<1x128xf32, #tpu.memory_space<hbm>>) dst(%dma_wait3A_573 : memref<1x128xf32, #tpu.memory_space<vmem>>)
      %dma_wait3A_577 = arith.constant 0 : i32
      %dma_wait3A_578 = arith.constant 0 : i32
      %dma_wait3A_579 = tpu.memref_slice %arg14[%dma_wait3A_577, %dma_wait3A_578] : memref<16x128xf32, #tpu.memory_space<vmem>> -> memref<1x128xf32, #tpu.memory_space<vmem>>
      %dma_wait3A_580 = arith.constant 0 : i32
      %dma_wait3A_581 = arith.constant 0 : i32
      %dma_wait3A_582 = tpu.memref_slice %arg6[%dma_wait3A_580, %dma_wait3A_581] : memref<100000x128xf32, #tpu.memory_space<hbm>> -> memref<1x128xf32, #tpu.memory_space<hbm>>
      tpu.wait_dma2 semaphore(%arg16 : memref<!tpu.dma_semaphore, #tpu.memory_space<semaphore_mem>>) src(%dma_wait3A_582 : memref<1x128xf32, #tpu.memory_space<hbm>>) dst(%dma_wait3A_579 : memref<1x128xf32, #tpu.memory_space<vmem>>)
      %dma_wait3A_583 = arith.constant 0 : i32
      %dma_wait3A_584 = arith.constant 0 : i32
      %dma_wait3A_585 = tpu.memref_slice %arg14[%dma_wait3A_583, %dma_wait3A_584] : memref<16x128xf32, #tpu.memory_space<vmem>> -> memref<1x128xf32, #tpu.memory_space<vmem>>
      %dma_wait3A_586 = arith.constant 0 : i32
      %dma_wait3A_587 = arith.constant 0 : i32
      %dma_wait3A_588 = tpu.memref_slice %arg6[%dma_wait3A_586, %dma_wait3A_587] : memref<100000x128xf32, #tpu.memory_space<hbm>> -> memref<1x128xf32, #tpu.memory_space<hbm>>
      tpu.wait_dma2 semaphore(%arg16 : memref<!tpu.dma_semaphore, #tpu.memory_space<semaphore_mem>>) src(%dma_wait3A_588 : memref<1x128xf32, #tpu.memory_space<hbm>>) dst(%dma_wait3A_585 : memref<1x128xf32, #tpu.memory_space<vmem>>)
      %dma_wait3A_589 = arith.constant 0 : i32
      %dma_wait3A_590 = arith.constant 0 : i32
      %dma_wait3A_591 = tpu.memref_slice %arg14[%dma_wait3A_589, %dma_wait3A_590] : memref<16x128xf32, #tpu.memory_space<vmem>> -> memref<1x128xf32, #tpu.memory_space<vmem>>
      %dma_wait3A_592 = arith.constant 0 : i32
      %dma_wait3A_593 = arith.constant 0 : i32
      %dma_wait3A_594 = tpu.memref_slice %arg6[%dma_wait3A_592, %dma_wait3A_593] : memref<100000x128xf32, #tpu.memory_space<hbm>> -> memref<1x128xf32, #tpu.memory_space<hbm>>
      tpu.wait_dma2 semaphore(%arg16 : memref<!tpu.dma_semaphore, #tpu.memory_space<semaphore_mem>>) src(%dma_wait3A_594 : memref<1x128xf32, #tpu.memory_space<hbm>>) dst(%dma_wait3A_591 : memref<1x128xf32, #tpu.memory_space<vmem>>)
      %dma_wait3A_595 = arith.constant 0 : i32
      %dma_wait3A_596 = arith.constant 0 : i32
      %dma_wait3A_597 = tpu.memref_slice %arg14[%dma_wait3A_595, %dma_wait3A_596] : memref<16x128xf32, #tpu.memory_space<vmem>> -> memref<1x128xf32, #tpu.memory_space<vmem>>
      %dma_wait3A_598 = arith.constant 0 : i32
      %dma_wait3A_599 = arith.constant 0 : i32
      %dma_wait3A_600 = tpu.memref_slice %arg6[%dma_wait3A_598, %dma_wait3A_599] : memref<100000x128xf32, #tpu.memory_space<hbm>> -> memref<1x128xf32, #tpu.memory_space<hbm>>
      tpu.wait_dma2 semaphore(%arg16 : memref<!tpu.dma_semaphore, #tpu.memory_space<semaphore_mem>>) src(%dma_wait3A_600 : memref<1x128xf32, #tpu.memory_space<hbm>>) dst(%dma_wait3A_597 : memref<1x128xf32, #tpu.memory_space<vmem>>)
      %dma_wait3A_601 = arith.constant 0 : i32
      %dma_wait3A_602 = arith.constant 0 : i32
      %dma_wait3A_603 = tpu.memref_slice %arg14[%dma_wait3A_601, %dma_wait3A_602] : memref<16x128xf32, #tpu.memory_space<vmem>> -> memref<1x128xf32, #tpu.memory_space<vmem>>
      %dma_wait3A_604 = arith.constant 0 : i32
      %dma_wait3A_605 = arith.constant 0 : i32
      %dma_wait3A_606 = tpu.memref_slice %arg6[%dma_wait3A_604, %dma_wait3A_605] : memref<100000x128xf32, #tpu.memory_space<hbm>> -> memref<1x128xf32, #tpu.memory_space<hbm>>
      tpu.wait_dma2 semaphore(%arg16 : memref<!tpu.dma_semaphore, #tpu.memory_space<semaphore_mem>>) src(%dma_wait3A_606 : memref<1x128xf32, #tpu.memory_space<hbm>>) dst(%dma_wait3A_603 : memref<1x128xf32, #tpu.memory_space<vmem>>)
      %dma_wait3A_607 = arith.constant 0 : i32
      %dma_wait3A_608 = arith.constant 0 : i32
      %dma_wait3A_609 = tpu.memref_slice %arg14[%dma_wait3A_607, %dma_wait3A_608] : memref<16x128xf32, #tpu.memory_space<vmem>> -> memref<1x128xf32, #tpu.memory_space<vmem>>
      %dma_wait3A_610 = arith.constant 0 : i32
      %dma_wait3A_611 = arith.constant 0 : i32
      %dma_wait3A_612 = tpu.memref_slice %arg6[%dma_wait3A_610, %dma_wait3A_611] : memref<100000x128xf32, #tpu.memory_space<hbm>> -> memref<1x128xf32, #tpu.memory_space<hbm>>
      tpu.wait_dma2 semaphore(%arg16 : memref<!tpu.dma_semaphore, #tpu.memory_space<semaphore_mem>>) src(%dma_wait3A_612 : memref<1x128xf32, #tpu.memory_space<hbm>>) dst(%dma_wait3A_609 : memref<1x128xf32, #tpu.memory_space<vmem>>)
      %dma_wait3A_613 = arith.constant 0 : i32
      %dma_wait3A_614 = arith.constant 0 : i32
      %dma_wait3A_615 = tpu.memref_slice %arg14[%dma_wait3A_613, %dma_wait3A_614] : memref<16x128xf32, #tpu.memory_space<vmem>> -> memref<1x128xf32, #tpu.memory_space<vmem>>
      %dma_wait3A_616 = arith.constant 0 : i32
      %dma_wait3A_617 = arith.constant 0 : i32
      %dma_wait3A_618 = tpu.memref_slice %arg6[%dma_wait3A_616, %dma_wait3A_617] : memref<100000x128xf32, #tpu.memory_space<hbm>> -> memref<1x128xf32, #tpu.memory_space<hbm>>
      tpu.wait_dma2 semaphore(%arg16 : memref<!tpu.dma_semaphore, #tpu.memory_space<semaphore_mem>>) src(%dma_wait3A_618 : memref<1x128xf32, #tpu.memory_space<hbm>>) dst(%dma_wait3A_615 : memref<1x128xf32, #tpu.memory_space<vmem>>)
      %dma_wait3A_619 = arith.constant 0 : i32
      %dma_wait3A_620 = arith.constant 0 : i32
      %dma_wait3A_621 = tpu.memref_slice %arg14[%dma_wait3A_619, %dma_wait3A_620] : memref<16x128xf32, #tpu.memory_space<vmem>> -> memref<1x128xf32, #tpu.memory_space<vmem>>
      %dma_wait3A_622 = arith.constant 0 : i32
      %dma_wait3A_623 = arith.constant 0 : i32
      %dma_wait3A_624 = tpu.memref_slice %arg6[%dma_wait3A_622, %dma_wait3A_623] : memref<100000x128xf32, #tpu.memory_space<hbm>> -> memref<1x128xf32, #tpu.memory_space<hbm>>
      tpu.wait_dma2 semaphore(%arg16 : memref<!tpu.dma_semaphore, #tpu.memory_space<semaphore_mem>>) src(%dma_wait3A_624 : memref<1x128xf32, #tpu.memory_space<hbm>>) dst(%dma_wait3A_621 : memref<1x128xf32, #tpu.memory_space<vmem>>)
      %dma_wait3A_625 = arith.constant 0 : i32
      %dma_wait3A_626 = arith.constant 0 : i32
      %dma_wait3A_627 = tpu.memref_slice %arg14[%dma_wait3A_625, %dma_wait3A_626] : memref<16x128xf32, #tpu.memory_space<vmem>> -> memref<1x128xf32, #tpu.memory_space<vmem>>
      %dma_wait3A_628 = arith.constant 0 : i32
      %dma_wait3A_629 = arith.constant 0 : i32
      %dma_wait3A_630 = tpu.memref_slice %arg6[%dma_wait3A_628, %dma_wait3A_629] : memref<100000x128xf32, #tpu.memory_space<hbm>> -> memref<1x128xf32, #tpu.memory_space<hbm>>
      tpu.wait_dma2 semaphore(%arg16 : memref<!tpu.dma_semaphore, #tpu.memory_space<semaphore_mem>>) src(%dma_wait3A_630 : memref<1x128xf32, #tpu.memory_space<hbm>>) dst(%dma_wait3A_627 : memref<1x128xf32, #tpu.memory_space<vmem>>)
      %dma_wait3A_631 = arith.constant 0 : i32
      %dma_wait3A_632 = arith.constant 0 : i32
      %dma_wait3A_633 = tpu.memref_slice %arg14[%dma_wait3A_631, %dma_wait3A_632] : memref<16x128xf32, #tpu.memory_space<vmem>> -> memref<1x128xf32, #tpu.memory_space<vmem>>
      %dma_wait3A_634 = arith.constant 0 : i32
      %dma_wait3A_635 = arith.constant 0 : i32
      %dma_wait3A_636 = tpu.memref_slice %arg6[%dma_wait3A_634, %dma_wait3A_635] : memref<100000x128xf32, #tpu.memory_space<hbm>> -> memref<1x128xf32, #tpu.memory_space<hbm>>
      tpu.wait_dma2 semaphore(%arg16 : memref<!tpu.dma_semaphore, #tpu.memory_space<semaphore_mem>>) src(%dma_wait3A_636 : memref<1x128xf32, #tpu.memory_space<hbm>>) dst(%dma_wait3A_633 : memref<1x128xf32, #tpu.memory_space<vmem>>)
      %dma_wait3A_637 = arith.constant 0 : i32
      %dma_wait3A_638 = arith.constant 0 : i32
      %dma_wait3A_639 = tpu.memref_slice %arg14[%dma_wait3A_637, %dma_wait3A_638] : memref<16x128xf32, #tpu.memory_space<vmem>> -> memref<1x128xf32, #tpu.memory_space<vmem>>
      %dma_wait3A_640 = arith.constant 0 : i32
      %dma_wait3A_641 = arith.constant 0 : i32
      %dma_wait3A_642 = tpu.memref_slice %arg6[%dma_wait3A_640, %dma_wait3A_641] : memref<100000x128xf32, #tpu.memory_space<hbm>> -> memref<1x128xf32, #tpu.memory_space<hbm>>
      tpu.wait_dma2 semaphore(%arg16 : memref<!tpu.dma_semaphore, #tpu.memory_space<semaphore_mem>>) src(%dma_wait3A_642 : memref<1x128xf32, #tpu.memory_space<hbm>>) dst(%dma_wait3A_639 : memref<1x128xf32, #tpu.memory_space<vmem>>)
      %dma_wait3A_643 = arith.constant 0 : i32
      %dma_wait3A_644 = arith.constant 0 : i32
      %dma_wait3A_645 = tpu.memref_slice %arg14[%dma_wait3A_643, %dma_wait3A_644] : memref<16x128xf32, #tpu.memory_space<vmem>> -> memref<1x128xf32, #tpu.memory_space<vmem>>
      %dma_wait3A_646 = arith.constant 0 : i32
      %dma_wait3A_647 = arith.constant 0 : i32
      %dma_wait3A_648 = tpu.memref_slice %arg6[%dma_wait3A_646, %dma_wait3A_647] : memref<100000x128xf32, #tpu.memory_space<hbm>> -> memref<1x128xf32, #tpu.memory_space<hbm>>
      tpu.wait_dma2 semaphore(%arg16 : memref<!tpu.dma_semaphore, #tpu.memory_space<semaphore_mem>>) src(%dma_wait3A_648 : memref<1x128xf32, #tpu.memory_space<hbm>>) dst(%dma_wait3A_645 : memref<1x128xf32, #tpu.memory_space<vmem>>)
      %dma_wait3A_649 = arith.constant 0 : i32
      %dma_wait3A_650 = arith.constant 0 : i32
      %dma_wait3A_651 = tpu.memref_slice %arg14[%dma_wait3A_649, %dma_wait3A_650] : memref<16x128xf32, #tpu.memory_space<vmem>> -> memref<1x128xf32, #tpu.memory_space<vmem>>
      %dma_wait3A_652 = arith.constant 0 : i32
      %dma_wait3A_653 = arith.constant 0 : i32
      %dma_wait3A_654 = tpu.memref_slice %arg6[%dma_wait3A_652, %dma_wait3A_653] : memref<100000x128xf32, #tpu.memory_space<hbm>> -> memref<1x128xf32, #tpu.memory_space<hbm>>
      tpu.wait_dma2 semaphore(%arg16 : memref<!tpu.dma_semaphore, #tpu.memory_space<semaphore_mem>>) src(%dma_wait3A_654 : memref<1x128xf32, #tpu.memory_space<hbm>>) dst(%dma_wait3A_651 : memref<1x128xf32, #tpu.memory_space<vmem>>)
      %dma_wait3A_655 = arith.constant 0 : i32
      %dma_wait3A_656 = arith.constant 0 : i32
      %dma_wait3A_657 = tpu.memref_slice %arg14[%dma_wait3A_655, %dma_wait3A_656] : memref<16x128xf32, #tpu.memory_space<vmem>> -> memref<1x128xf32, #tpu.memory_space<vmem>>
      %dma_wait3A_658 = arith.constant 0 : i32
      %dma_wait3A_659 = arith.constant 0 : i32
      %dma_wait3A_660 = tpu.memref_slice %arg6[%dma_wait3A_658, %dma_wait3A_659] : memref<100000x128xf32, #tpu.memory_space<hbm>> -> memref<1x128xf32, #tpu.memory_space<hbm>>
      tpu.wait_dma2 semaphore(%arg16 : memref<!tpu.dma_semaphore, #tpu.memory_space<semaphore_mem>>) src(%dma_wait3A_660 : memref<1x128xf32, #tpu.memory_space<hbm>>) dst(%dma_wait3A_657 : memref<1x128xf32, #tpu.memory_space<vmem>>)
      %dma_wait3A_661 = arith.constant 0 : i32
      %dma_wait3A_662 = arith.constant 0 : i32
      %dma_wait3A_663 = tpu.memref_slice %arg14[%dma_wait3A_661, %dma_wait3A_662] : memref<16x128xf32, #tpu.memory_space<vmem>> -> memref<1x128xf32, #tpu.memory_space<vmem>>
      %dma_wait3A_664 = arith.constant 0 : i32
      %dma_wait3A_665 = arith.constant 0 : i32
      %dma_wait3A_666 = tpu.memref_slice %arg6[%dma_wait3A_664, %dma_wait3A_665] : memref<100000x128xf32, #tpu.memory_space<hbm>> -> memref<1x128xf32, #tpu.memory_space<hbm>>
      tpu.wait_dma2 semaphore(%arg16 : memref<!tpu.dma_semaphore, #tpu.memory_space<semaphore_mem>>) src(%dma_wait3A_666 : memref<1x128xf32, #tpu.memory_space<hbm>>) dst(%dma_wait3A_663 : memref<1x128xf32, #tpu.memory_space<vmem>>)
      %dma_wait3A_667 = arith.constant 0 : i32
      %dma_wait3A_668 = arith.constant 0 : i32
      %dma_wait3A_669 = tpu.memref_slice %arg14[%dma_wait3A_667, %dma_wait3A_668] : memref<16x128xf32, #tpu.memory_space<vmem>> -> memref<1x128xf32, #tpu.memory_space<vmem>>
      %dma_wait3A_670 = arith.constant 0 : i32
      %dma_wait3A_671 = arith.constant 0 : i32
      %dma_wait3A_672 = tpu.memref_slice %arg6[%dma_wait3A_670, %dma_wait3A_671] : memref<100000x128xf32, #tpu.memory_space<hbm>> -> memref<1x128xf32, #tpu.memory_space<hbm>>
      tpu.wait_dma2 semaphore(%arg16 : memref<!tpu.dma_semaphore, #tpu.memory_space<semaphore_mem>>) src(%dma_wait3A_672 : memref<1x128xf32, #tpu.memory_space<hbm>>) dst(%dma_wait3A_669 : memref<1x128xf32, #tpu.memory_space<vmem>>)
      %get3A_673 = arith.constant 0 : index
      %get3A_674 = arith.constant 0 : index
      %get3A_675 = vector.load %arg14[%get3A_673, %get3A_674] : memref<16x128xf32, #tpu.memory_space<vmem>>, vector<16x128xf32>
      %get3A_676 = arith.constant 0 : index
      %get3A_677 = arith.constant 0 : index
      %get3A_678 = vector.load %arg15[%get3A_676, %get3A_677] : memref<16x128xf32, #tpu.memory_space<vmem>>, vector<16x128xf32>
      %swap3A_679 = arith.constant 0 : index
      %swap3A_680 = arith.constant 0 : index
      %swap3A_681 = arith.constant 0 : index
      %swap3A_682 = vector.load %arg13[%swap3A_679, %swap3A_680, %swap3A_681] : memref<2x16x128xf32, #tpu.memory_space<vmem>>, vector<1x16x128xf32>
      %swap3A_683 = vector.shape_cast %swap3A_682 : vector<1x16x128xf32> to vector<16x128xf32>
      %swap3A_684 = vector.shape_cast %get3A_678 : vector<16x128xf32> to vector<1x16x128xf32>
      tpu.vector_store %arg13[%swap3A_679, %swap3A_680, %swap3A_681], %swap3A_684 {strides = array<i32>} : memref<2x16x128xf32, #tpu.memory_space<vmem>>, vector<1x16x128xf32>,
      %swap3A_685 = arith.constant 1 : index
      %swap3A_686 = arith.constant 0 : index
      %swap3A_687 = arith.constant 0 : index
      %swap3A_688 = vector.load %arg13[%swap3A_685, %swap3A_686, %swap3A_687] : memref<2x16x128xf32, #tpu.memory_space<vmem>>, vector<1x16x128xf32>
      %swap3A_689 = vector.shape_cast %swap3A_688 : vector<1x16x128xf32> to vector<16x128xf32>
      %swap3A_690 = vector.shape_cast %get3A_675 : vector<16x128xf32> to vector<1x16x128xf32>
      tpu.vector_store %arg13[%swap3A_685, %swap3A_686, %swap3A_687], %swap3A_690 {strides = array<i32>} : memref<2x16x128xf32, #tpu.memory_space<vmem>>, vector<1x16x128xf32>,
      %mul3A_691 = arith.constant 5.000000e-01 : f32
      %mul3A_692 = vector.broadcast %mul3A_691 : f32 to vector<16x128xf32>
      %mul3A_693 = arith.mulf %get3A_675, %mul3A_692 : vector<16x128xf32>
      %get3A_694 = arith.constant 0 : index
      %get3A_695 = arith.constant 0 : index
      %get3A_696 = vector.load %arg4[%get3A_694, %get3A_695] : memref<16x128xf32, #tpu.memory_space<vmem>>, vector<16x128xf32>
      %mul3A_697 = arith.constant 5.000000e-01 : f32
      %mul3A_698 = vector.broadcast %mul3A_697 : f32 to vector<16x128xf32>
      %mul3A_699 = arith.mulf %get3A_696, %mul3A_698 : vector<16x128xf32>
      %add3A_700 = arith.addf %mul3A_693, %mul3A_699 : vector<16x128xf32>
      %mul3A_701 = arith.constant 5.000000e-01 : f32
      %mul3A_702 = vector.broadcast %mul3A_701 : f32 to vector<16x128xf32>
      %mul3A_703 = arith.mulf %get3A_678, %mul3A_702 : vector<16x128xf32>
      %get3A_704 = arith.constant 0 : index
      %get3A_705 = arith.constant 0 : index
      %get3A_706 = vector.load %arg5[%get3A_704, %get3A_705] : memref<16x128xf32, #tpu.memory_space<vmem>>, vector<16x128xf32>
      %mul3A_707 = arith.constant 5.000000e-01 : f32
      %mul3A_708 = vector.broadcast %mul3A_707 : f32 to vector<16x128xf32>
      %mul3A_709 = arith.mulf %get3A_706, %mul3A_708 : vector<16x128xf32>
      %add3A_710 = arith.addf %mul3A_703, %mul3A_709 : vector<16x128xf32>
      %mul3A_711 = arith.mulf %add3A_700, %add3A_700 : vector<16x128xf32>
      %reduce_sum3A_712 = arith.constant dense<0.000000e+00> : vector<16xf32>
      %reduce_sum3A_713 = vector.multi_reduction <add>, %mul3A_711, %reduce_sum3A_712 [1] : vector<16x128xf32> to vector<16xf32>
      %broadcast_in_dim3A_714 = vector.shape_cast %reduce_sum3A_713 : vector<16xf32> to vector<16x1xf32>
      %sqrt3A_715 = math.sqrt %broadcast_in_dim3A_714 : vector<16x1xf32>
      %mul3A_716 = arith.mulf %add3A_710, %add3A_710 : vector<16x128xf32>
      %reduce_sum3A_717 = arith.constant dense<0.000000e+00> : vector<16xf32>
      %reduce_sum3A_718 = vector.multi_reduction <add>, %mul3A_716, %reduce_sum3A_717 [1] : vector<16x128xf32> to vector<16xf32>
      %broadcast_in_dim3A_719 = vector.shape_cast %reduce_sum3A_718 : vector<16xf32> to vector<16x1xf32>
      %sqrt3A_720 = math.sqrt %broadcast_in_dim3A_719 : vector<16x1xf32>
      %div3A_721 = vector.broadcast %sqrt3A_715 : vector<16x1xf32> to vector<16x128xf32>
      %div3A_722 = arith.divf %add3A_700, %div3A_721 : vector<16x128xf32>
      %swap3A_723 = arith.constant 0 : index
      %swap3A_724 = arith.constant 0 : index
      %swap3A_725 = vector.load %arg14[%swap3A_723, %swap3A_724] : memref<16x128xf32, #tpu.memory_space<vmem>>, vector<16x128xf32>
      tpu.vector_store %arg14[%swap3A_723, %swap3A_724], %div3A_722 {strides = array<i32>} : memref<16x128xf32, #tpu.memory_space<vmem>>, vector<16x128xf32>,
      %div3A_726 = vector.broadcast %sqrt3A_720 : vector<16x1xf32> to vector<16x128xf32>
      %div3A_727 = arith.divf %add3A_710, %div3A_726 : vector<16x128xf32>
      %swap3A_728 = arith.constant 0 : index
      %swap3A_729 = arith.constant 0 : index
      %swap3A_730 = vector.load %arg15[%swap3A_728, %swap3A_729] : memref<16x128xf32, #tpu.memory_space<vmem>>, vector<16x128xf32>
      tpu.vector_store %arg15[%swap3A_728, %swap3A_729], %div3A_727 {strides = array<i32>} : memref<16x128xf32, #tpu.memory_space<vmem>>, vector<16x128xf32>,
    } else {
    }
    %get3A_13 = arith.constant 0 : index
    %get3A_14 = arith.constant 0 : index
    %get3A_15 = arith.constant 0 : index
    %get3A_16 = arith.constant 0 : index
    %get3A_17 = vector.load %arg2[%get3A_13, %get3A_14, %get3A_15, %get3A_16] : memref<1x1x512x128xf32, #tpu.memory_space<vmem>>, vector<1x1x512x128xf32>
    %get3A_18 = vector.shape_cast %get3A_17 : vector<1x1x512x128xf32> to vector<512x128xf32>
    %add3A_19 = arith.constant 9.99999997E-7 : f32
    %add3A_20 = vector.broadcast %add3A_19 : f32 to vector<512x128xf32>
    %add3A_21 = arith.addf %get3A_18, %add3A_20 : vector<512x128xf32>
    %get3A_22 = arith.constant 0 : index
    %get3A_23 = arith.constant 0 : index
    %get3A_24 = arith.constant 0 : index
    %get3A_25 = vector.load %arg13[%get3A_22, %get3A_23, %get3A_24] : memref<2x16x128xf32, #tpu.memory_space<vmem>>, vector<1x16x128xf32>
    %get3A_26 = vector.shape_cast %get3A_25 : vector<1x16x128xf32> to vector<16x128xf32>
    %get3A_27 = arith.constant 1 : index
    %get3A_28 = arith.constant 0 : index
    %get3A_29 = arith.constant 0 : index
    %get3A_30 = vector.load %arg13[%get3A_27, %get3A_28, %get3A_29] : memref<2x16x128xf32, #tpu.memory_space<vmem>>, vector<1x16x128xf32>
    %get3A_31 = vector.shape_cast %get3A_30 : vector<1x16x128xf32> to vector<16x128xf32>
    %eq3A_32 = arith.constant 0 : i32
    %eq3A_33 = arith.cmpi eq, %arg0, %eq3A_32 : i32
    %select_n3A = arith.select %eq3A_33, %get3A_26, %get3A_31 : vector<16x128xf32>
    %dot_general3A = arith.constant dense<0.000000e+00> : vector<512x16xf32>
    %dot_general3A_34 = tpu.matmul %add3A_21, %select_n3A, %dot_general3A {dimension_numbers = #tpu.dot_dimension_numbers<[1], [1], [0], [0], [0, 0, 1, 0], [], []>, precision = #tpu.contract_precision<fp32>, transpose_lhs_hint = false} : vector<512x128xf32>, vector<16x128xf32>, vector<512x16xf32> -> vector<512x16xf32>
    %mul3A_35 = arith.mulf %add3A_21, %add3A_21 : vector<512x128xf32>
    %reduce_sum3A = arith.constant dense<0.000000e+00> : vector<512xf32>
    %reduce_sum3A_36 = vector.multi_reduction <add>, %mul3A_35, %reduce_sum3A [1] : vector<512x128xf32> to vector<512xf32>
    %broadcast_in_dim3A = vector.shape_cast %reduce_sum3A_36 : vector<512xf32> to vector<512x1xf32>
    %mul3A_37 = arith.mulf %select_n3A, %select_n3A : vector<16x128xf32>
    %reduce_sum3A_38 = arith.constant dense<0.000000e+00> : vector<16xf32>
    %reduce_sum3A_39 = vector.multi_reduction <add>, %mul3A_37, %reduce_sum3A_38 [1] : vector<16x128xf32> to vector<16xf32>
    %mul3A_40 = arith.constant 2.000000e+00 : f32
    %mul3A_41 = vector.broadcast %mul3A_40 : f32 to vector<512x16xf32>
    %mul3A_42 = arith.mulf %mul3A_41, %dot_general3A_34 : vector<512x16xf32>
    %sub3A = vector.broadcast %broadcast_in_dim3A : vector<512x1xf32> to vector<512x16xf32>
    %sub3A_43 = arith.subf %sub3A, %mul3A_42 : vector<512x16xf32>
    %broadcast_in_dim3A_44 = vector.shape_cast %reduce_sum3A_39 : vector<16xf32> to vector<1x16xf32>
    %add3A_45 = vector.broadcast %broadcast_in_dim3A_44 : vector<1x16xf32> to vector<512x16xf32>
    %add3A_46 = arith.addf %sub3A_43, %add3A_45 : vector<512x16xf32>
    %max3A = arith.constant 9.99999997E-7 : f32
    %max3A_47 = vector.broadcast %max3A : f32 to vector<512x16xf32>
    %max3A_48 = arith.maximumf %add3A_46, %max3A_47 : vector<512x16xf32>
    %sqrt3A = math.sqrt %max3A_48 : vector<512x16xf32>
    %div3A = arith.constant 2.885390e+01 : f32
    %div3A_49 = vector.broadcast %div3A : f32 to vector<512x16xf32>
    %div3A_50 = arith.divf %div3A_49, %sqrt3A : vector<512x16xf32>
    %broadcast_in_dim3A_51 = arith.constant 0.000000e+00 : f32
    %broadcast_in_dim3A_52 = vector.broadcast %broadcast_in_dim3A_51 : f32 to vector<128xf32>
    %slice3A = vector.extract_strided_slice %div3A_50 {offsets = [0, 0], sizes = [512, 1], strides = [1, 1]} : vector<512x16xf32> to vector<512x1xf32>
    %slice3A_53 = vector.extract_strided_slice %select_n3A {offsets = [0, 0], sizes = [1, 128], strides = [1, 1]} : vector<16x128xf32> to vector<1x128xf32>
    %squeeze3A = vector.shape_cast %slice3A_53 : vector<1x128xf32> to vector<128xf32>
    %broadcast_in_dim3A_54 = vector.shape_cast %squeeze3A : vector<128xf32> to vector<1x128xf32>
    %sub3A_55 = vector.broadcast %broadcast_in_dim3A_54 : vector<1x128xf32> to vector<512x128xf32>
    %sub3A_56 = arith.subf %add3A_21, %sub3A_55 : vector<512x128xf32>
    %mul3A_57 = vector.broadcast %slice3A : vector<512x1xf32> to vector<512x128xf32>
    %mul3A_58 = arith.mulf %sub3A_56, %mul3A_57 : vector<512x128xf32>
    %exp23A = math.exp2 %mul3A_58 : vector<512x128xf32>
    %reduce_sum3A_59 = arith.constant dense<0.000000e+00> : vector<128xf32>
    %reduce_sum3A_60 = vector.multi_reduction <add>, %exp23A, %reduce_sum3A_59 [0] : vector<512x128xf32> to vector<128xf32>
    %add3A_61 = arith.addf %broadcast_in_dim3A_52, %reduce_sum3A_60 : vector<128xf32>
    %slice3A_62 = vector.extract_strided_slice %div3A_50 {offsets = [0, 1], sizes = [512, 1], strides = [1, 1]} : vector<512x16xf32> to vector<512x1xf32>
    %slice3A_63 = vector.extract_strided_slice %select_n3A {offsets = [1, 0], sizes = [1, 128], strides = [1, 1]} : vector<16x128xf32> to vector<1x128xf32>
    %squeeze3A_64 = vector.shape_cast %slice3A_63 : vector<1x128xf32> to vector<128xf32>
    %broadcast_in_dim3A_65 = vector.shape_cast %squeeze3A_64 : vector<128xf32> to vector<1x128xf32>
    %sub3A_66 = vector.broadcast %broadcast_in_dim3A_65 : vector<1x128xf32> to vector<512x128xf32>
    %sub3A_67 = arith.subf %add3A_21, %sub3A_66 : vector<512x128xf32>
    %mul3A_68 = vector.broadcast %slice3A_62 : vector<512x1xf32> to vector<512x128xf32>
    %mul3A_69 = arith.mulf %sub3A_67, %mul3A_68 : vector<512x128xf32>
    %exp23A_70 = math.exp2 %mul3A_69 : vector<512x128xf32>
    %reduce_sum3A_71 = arith.constant dense<0.000000e+00> : vector<128xf32>
    %reduce_sum3A_72 = vector.multi_reduction <add>, %exp23A_70, %reduce_sum3A_71 [0] : vector<512x128xf32> to vector<128xf32>
    %add3A_73 = arith.addf %add3A_61, %reduce_sum3A_72 : vector<128xf32>
    %slice3A_74 = vector.extract_strided_slice %div3A_50 {offsets = [0, 2], sizes = [512, 1], strides = [1, 1]} : vector<512x16xf32> to vector<512x1xf32>
    %slice3A_75 = vector.extract_strided_slice %select_n3A {offsets = [2, 0], sizes = [1, 128], strides = [1, 1]} : vector<16x128xf32> to vector<1x128xf32>
    %squeeze3A_76 = vector.shape_cast %slice3A_75 : vector<1x128xf32> to vector<128xf32>
    %broadcast_in_dim3A_77 = vector.shape_cast %squeeze3A_76 : vector<128xf32> to vector<1x128xf32>
    %sub3A_78 = vector.broadcast %broadcast_in_dim3A_77 : vector<1x128xf32> to vector<512x128xf32>
    %sub3A_79 = arith.subf %add3A_21, %sub3A_78 : vector<512x128xf32>
    %mul3A_80 = vector.broadcast %slice3A_74 : vector<512x1xf32> to vector<512x128xf32>
    %mul3A_81 = arith.mulf %sub3A_79, %mul3A_80 : vector<512x128xf32>
    %exp23A_82 = math.exp2 %mul3A_81 : vector<512x128xf32>
    %reduce_sum3A_83 = arith.constant dense<0.000000e+00> : vector<128xf32>
    %reduce_sum3A_84 = vector.multi_reduction <add>, %exp23A_82, %reduce_sum3A_83 [0] : vector<512x128xf32> to vector<128xf32>
    %add3A_85 = arith.addf %add3A_73, %reduce_sum3A_84 : vector<128xf32>
    %slice3A_86 = vector.extract_strided_slice %div3A_50 {offsets = [0, 3], sizes = [512, 1], strides = [1, 1]} : vector<512x16xf32> to vector<512x1xf32>
    %slice3A_87 = vector.extract_strided_slice %select_n3A {offsets = [3, 0], sizes = [1, 128], strides = [1, 1]} : vector<16x128xf32> to vector<1x128xf32>
    %squeeze3A_88 = vector.shape_cast %slice3A_87 : vector<1x128xf32> to vector<128xf32>
    %broadcast_in_dim3A_89 = vector.shape_cast %squeeze3A_88 : vector<128xf32> to vector<1x128xf32>
    %sub3A_90 = vector.broadcast %broadcast_in_dim3A_89 : vector<1x128xf32> to vector<512x128xf32>
    %sub3A_91 = arith.subf %add3A_21, %sub3A_90 : vector<512x128xf32>
    %mul3A_92 = vector.broadcast %slice3A_86 : vector<512x1xf32> to vector<512x128xf32>
    %mul3A_93 = arith.mulf %sub3A_91, %mul3A_92 : vector<512x128xf32>
    %exp23A_94 = math.exp2 %mul3A_93 : vector<512x128xf32>
    %reduce_sum3A_95 = arith.constant dense<0.000000e+00> : vector<128xf32>
    %reduce_sum3A_96 = vector.multi_reduction <add>, %exp23A_94, %reduce_sum3A_95 [0] : vector<512x128xf32> to vector<128xf32>
    %add3A_97 = arith.addf %add3A_85, %reduce_sum3A_96 : vector<128xf32>
    %slice3A_98 = vector.extract_strided_slice %div3A_50 {offsets = [0, 4], sizes = [512, 1], strides = [1, 1]} : vector<512x16xf32> to vector<512x1xf32>
    %slice3A_99 = vector.extract_strided_slice %select_n3A {offsets = [4, 0], sizes = [1, 128], strides = [1, 1]} : vector<16x128xf32> to vector<1x128xf32>
    %squeeze3A_100 = vector.shape_cast %slice3A_99 : vector<1x128xf32> to vector<128xf32>
    %broadcast_in_dim3A_101 = vector.shape_cast %squeeze3A_100 : vector<128xf32> to vector<1x128xf32>
    %sub3A_102 = vector.broadcast %broadcast_in_dim3A_101 : vector<1x128xf32> to vector<512x128xf32>
    %sub3A_103 = arith.subf %add3A_21, %sub3A_102 : vector<512x128xf32>
    %mul3A_104 = vector.broadcast %slice3A_98 : vector<512x1xf32> to vector<512x128xf32>
    %mul3A_105 = arith.mulf %sub3A_103, %mul3A_104 : vector<512x128xf32>
    %exp23A_106 = math.exp2 %mul3A_105 : vector<512x128xf32>
    %reduce_sum3A_107 = arith.constant dense<0.000000e+00> : vector<128xf32>
    %reduce_sum3A_108 = vector.multi_reduction <add>, %exp23A_106, %reduce_sum3A_107 [0] : vector<512x128xf32> to vector<128xf32>
    %add3A_109 = arith.addf %add3A_97, %reduce_sum3A_108 : vector<128xf32>
    %slice3A_110 = vector.extract_strided_slice %div3A_50 {offsets = [0, 5], sizes = [512, 1], strides = [1, 1]} : vector<512x16xf32> to vector<512x1xf32>
    %slice3A_111 = vector.extract_strided_slice %select_n3A {offsets = [5, 0], sizes = [1, 128], strides = [1, 1]} : vector<16x128xf32> to vector<1x128xf32>
    %squeeze3A_112 = vector.shape_cast %slice3A_111 : vector<1x128xf32> to vector<128xf32>
    %broadcast_in_dim3A_113 = vector.shape_cast %squeeze3A_112 : vector<128xf32> to vector<1x128xf32>
    %sub3A_114 = vector.broadcast %broadcast_in_dim3A_113 : vector<1x128xf32> to vector<512x128xf32>
    %sub3A_115 = arith.subf %add3A_21, %sub3A_114 : vector<512x128xf32>
    %mul3A_116 = vector.broadcast %slice3A_110 : vector<512x1xf32> to vector<512x128xf32>
    %mul3A_117 = arith.mulf %sub3A_115, %mul3A_116 : vector<512x128xf32>
    %exp23A_118 = math.exp2 %mul3A_117 : vector<512x128xf32>
    %reduce_sum3A_119 = arith.constant dense<0.000000e+00> : vector<128xf32>
    %reduce_sum3A_120 = vector.multi_reduction <add>, %exp23A_118, %reduce_sum3A_119 [0] : vector<512x128xf32> to vector<128xf32>
    %add3A_121 = arith.addf %add3A_109, %reduce_sum3A_120 : vector<128xf32>
    %slice3A_122 = vector.extract_strided_slice %div3A_50 {offsets = [0, 6], sizes = [512, 1], strides = [1, 1]} : vector<512x16xf32> to vector<512x1xf32>
    %slice3A_123 = vector.extract_strided_slice %select_n3A {offsets = [6, 0], sizes = [1, 128], strides = [1, 1]} : vector<16x128xf32> to vector<1x128xf32>
    %squeeze3A_124 = vector.shape_cast %slice3A_123 : vector<1x128xf32> to vector<128xf32>
    %broadcast_in_dim3A_125 = vector.shape_cast %squeeze3A_124 : vector<128xf32> to vector<1x128xf32>
    %sub3A_126 = vector.broadcast %broadcast_in_dim3A_125 : vector<1x128xf32> to vector<512x128xf32>
    %sub3A_127 = arith.subf %add3A_21, %sub3A_126 : vector<512x128xf32>
    %mul3A_128 = vector.broadcast %slice3A_122 : vector<512x1xf32> to vector<512x128xf32>
    %mul3A_129 = arith.mulf %sub3A_127, %mul3A_128 : vector<512x128xf32>
    %exp23A_130 = math.exp2 %mul3A_129 : vector<512x128xf32>
    %reduce_sum3A_131 = arith.constant dense<0.000000e+00> : vector<128xf32>
    %reduce_sum3A_132 = vector.multi_reduction <add>, %exp23A_130, %reduce_sum3A_131 [0] : vector<512x128xf32> to vector<128xf32>
    %add3A_133 = arith.addf %add3A_121, %reduce_sum3A_132 : vector<128xf32>
    %slice3A_134 = vector.extract_strided_slice %div3A_50 {offsets = [0, 7], sizes = [512, 1], strides = [1, 1]} : vector<512x16xf32> to vector<512x1xf32>
    %slice3A_135 = vector.extract_strided_slice %select_n3A {offsets = [7, 0], sizes = [1, 128], strides = [1, 1]} : vector<16x128xf32> to vector<1x128xf32>
    %squeeze3A_136 = vector.shape_cast %slice3A_135 : vector<1x128xf32> to vector<128xf32>
    %broadcast_in_dim3A_137 = vector.shape_cast %squeeze3A_136 : vector<128xf32> to vector<1x128xf32>
    %sub3A_138 = vector.broadcast %broadcast_in_dim3A_137 : vector<1x128xf32> to vector<512x128xf32>
    %sub3A_139 = arith.subf %add3A_21, %sub3A_138 : vector<512x128xf32>
    %mul3A_140 = vector.broadcast %slice3A_134 : vector<512x1xf32> to vector<512x128xf32>
    %mul3A_141 = arith.mulf %sub3A_139, %mul3A_140 : vector<512x128xf32>
    %exp23A_142 = math.exp2 %mul3A_141 : vector<512x128xf32>
    %reduce_sum3A_143 = arith.constant dense<0.000000e+00> : vector<128xf32>
    %reduce_sum3A_144 = vector.multi_reduction <add>, %exp23A_142, %reduce_sum3A_143 [0] : vector<512x128xf32> to vector<128xf32>
    %add3A_145 = arith.addf %add3A_133, %reduce_sum3A_144 : vector<128xf32>
    %slice3A_146 = vector.extract_strided_slice %div3A_50 {offsets = [0, 8], sizes = [512, 1], strides = [1, 1]} : vector<512x16xf32> to vector<512x1xf32>
    %slice3A_147 = vector.extract_strided_slice %select_n3A {offsets = [8, 0], sizes = [1, 128], strides = [1, 1]} : vector<16x128xf32> to vector<1x128xf32>
    %squeeze3A_148 = vector.shape_cast %slice3A_147 : vector<1x128xf32> to vector<128xf32>
    %broadcast_in_dim3A_149 = vector.shape_cast %squeeze3A_148 : vector<128xf32> to vector<1x128xf32>
    %sub3A_150 = vector.broadcast %broadcast_in_dim3A_149 : vector<1x128xf32> to vector<512x128xf32>
    %sub3A_151 = arith.subf %add3A_21, %sub3A_150 : vector<512x128xf32>
    %mul3A_152 = vector.broadcast %slice3A_146 : vector<512x1xf32> to vector<512x128xf32>
    %mul3A_153 = arith.mulf %sub3A_151, %mul3A_152 : vector<512x128xf32>
    %exp23A_154 = math.exp2 %mul3A_153 : vector<512x128xf32>
    %reduce_sum3A_155 = arith.constant dense<0.000000e+00> : vector<128xf32>
    %reduce_sum3A_156 = vector.multi_reduction <add>, %exp23A_154, %reduce_sum3A_155 [0] : vector<512x128xf32> to vector<128xf32>
    %add3A_157 = arith.addf %add3A_145, %reduce_sum3A_156 : vector<128xf32>
    %slice3A_158 = vector.extract_strided_slice %div3A_50 {offsets = [0, 9], sizes = [512, 1], strides = [1, 1]} : vector<512x16xf32> to vector<512x1xf32>
    %slice3A_159 = vector.extract_strided_slice %select_n3A {offsets = [9, 0], sizes = [1, 128], strides = [1, 1]} : vector<16x128xf32> to vector<1x128xf32>
    %squeeze3A_160 = vector.shape_cast %slice3A_159 : vector<1x128xf32> to vector<128xf32>
    %broadcast_in_dim3A_161 = vector.shape_cast %squeeze3A_160 : vector<128xf32> to vector<1x128xf32>
    %sub3A_162 = vector.broadcast %broadcast_in_dim3A_161 : vector<1x128xf32> to vector<512x128xf32>
    %sub3A_163 = arith.subf %add3A_21, %sub3A_162 : vector<512x128xf32>
    %mul3A_164 = vector.broadcast %slice3A_158 : vector<512x1xf32> to vector<512x128xf32>
    %mul3A_165 = arith.mulf %sub3A_163, %mul3A_164 : vector<512x128xf32>
    %exp23A_166 = math.exp2 %mul3A_165 : vector<512x128xf32>
    %reduce_sum3A_167 = arith.constant dense<0.000000e+00> : vector<128xf32>
    %reduce_sum3A_168 = vector.multi_reduction <add>, %exp23A_166, %reduce_sum3A_167 [0] : vector<512x128xf32> to vector<128xf32>
    %add3A_169 = arith.addf %add3A_157, %reduce_sum3A_168 : vector<128xf32>
    %slice3A_170 = vector.extract_strided_slice %div3A_50 {offsets = [0, 10], sizes = [512, 1], strides = [1, 1]} : vector<512x16xf32> to vector<512x1xf32>
    %slice3A_171 = vector.extract_strided_slice %select_n3A {offsets = [10, 0], sizes = [1, 128], strides = [1, 1]} : vector<16x128xf32> to vector<1x128xf32>
    %squeeze3A_172 = vector.shape_cast %slice3A_171 : vector<1x128xf32> to vector<128xf32>
    %broadcast_in_dim3A_173 = vector.shape_cast %squeeze3A_172 : vector<128xf32> to vector<1x128xf32>
    %sub3A_174 = vector.broadcast %broadcast_in_dim3A_173 : vector<1x128xf32> to vector<512x128xf32>
    %sub3A_175 = arith.subf %add3A_21, %sub3A_174 : vector<512x128xf32>
    %mul3A_176 = vector.broadcast %slice3A_170 : vector<512x1xf32> to vector<512x128xf32>
    %mul3A_177 = arith.mulf %sub3A_175, %mul3A_176 : vector<512x128xf32>
    %exp23A_178 = math.exp2 %mul3A_177 : vector<512x128xf32>
    %reduce_sum3A_179 = arith.constant dense<0.000000e+00> : vector<128xf32>
    %reduce_sum3A_180 = vector.multi_reduction <add>, %exp23A_178, %reduce_sum3A_179 [0] : vector<512x128xf32> to vector<128xf32>
    %add3A_181 = arith.addf %add3A_169, %reduce_sum3A_180 : vector<128xf32>
    %slice3A_182 = vector.extract_strided_slice %div3A_50 {offsets = [0, 11], sizes = [512, 1], strides = [1, 1]} : vector<512x16xf32> to vector<512x1xf32>
    %slice3A_183 = vector.extract_strided_slice %select_n3A {offsets = [11, 0], sizes = [1, 128], strides = [1, 1]} : vector<16x128xf32> to vector<1x128xf32>
    %squeeze3A_184 = vector.shape_cast %slice3A_183 : vector<1x128xf32> to vector<128xf32>
    %broadcast_in_dim3A_185 = vector.shape_cast %squeeze3A_184 : vector<128xf32> to vector<1x128xf32>
    %sub3A_186 = vector.broadcast %broadcast_in_dim3A_185 : vector<1x128xf32> to vector<512x128xf32>
    %sub3A_187 = arith.subf %add3A_21, %sub3A_186 : vector<512x128xf32>
    %mul3A_188 = vector.broadcast %slice3A_182 : vector<512x1xf32> to vector<512x128xf32>
    %mul3A_189 = arith.mulf %sub3A_187, %mul3A_188 : vector<512x128xf32>
    %exp23A_190 = math.exp2 %mul3A_189 : vector<512x128xf32>
    %reduce_sum3A_191 = arith.constant dense<0.000000e+00> : vector<128xf32>
    %reduce_sum3A_192 = vector.multi_reduction <add>, %exp23A_190, %reduce_sum3A_191 [0] : vector<512x128xf32> to vector<128xf32>
    %add3A_193 = arith.addf %add3A_181, %reduce_sum3A_192 : vector<128xf32>
    %slice3A_194 = vector.extract_strided_slice %div3A_50 {offsets = [0, 12], sizes = [512, 1], strides = [1, 1]} : vector<512x16xf32> to vector<512x1xf32>
    %slice3A_195 = vector.extract_strided_slice %select_n3A {offsets = [12, 0], sizes = [1, 128], strides = [1, 1]} : vector<16x128xf32> to vector<1x128xf32>
    %squeeze3A_196 = vector.shape_cast %slice3A_195 : vector<1x128xf32> to vector<128xf32>
    %broadcast_in_dim3A_197 = vector.shape_cast %squeeze3A_196 : vector<128xf32> to vector<1x128xf32>
    %sub3A_198 = vector.broadcast %broadcast_in_dim3A_197 : vector<1x128xf32> to vector<512x128xf32>
    %sub3A_199 = arith.subf %add3A_21, %sub3A_198 : vector<512x128xf32>
    %mul3A_200 = vector.broadcast %slice3A_194 : vector<512x1xf32> to vector<512x128xf32>
    %mul3A_201 = arith.mulf %sub3A_199, %mul3A_200 : vector<512x128xf32>
    %exp23A_202 = math.exp2 %mul3A_201 : vector<512x128xf32>
    %reduce_sum3A_203 = arith.constant dense<0.000000e+00> : vector<128xf32>
    %reduce_sum3A_204 = vector.multi_reduction <add>, %exp23A_202, %reduce_sum3A_203 [0] : vector<512x128xf32> to vector<128xf32>
    %add3A_205 = arith.addf %add3A_193, %reduce_sum3A_204 : vector<128xf32>
    %slice3A_206 = vector.extract_strided_slice %div3A_50 {offsets = [0, 13], sizes = [512, 1], strides = [1, 1]} : vector<512x16xf32> to vector<512x1xf32>
    %slice3A_207 = vector.extract_strided_slice %select_n3A {offsets = [13, 0], sizes = [1, 128], strides = [1, 1]} : vector<16x128xf32> to vector<1x128xf32>
    %squeeze3A_208 = vector.shape_cast %slice3A_207 : vector<1x128xf32> to vector<128xf32>
    %broadcast_in_dim3A_209 = vector.shape_cast %squeeze3A_208 : vector<128xf32> to vector<1x128xf32>
    %sub3A_210 = vector.broadcast %broadcast_in_dim3A_209 : vector<1x128xf32> to vector<512x128xf32>
    %sub3A_211 = arith.subf %add3A_21, %sub3A_210 : vector<512x128xf32>
    %mul3A_212 = vector.broadcast %slice3A_206 : vector<512x1xf32> to vector<512x128xf32>
    %mul3A_213 = arith.mulf %sub3A_211, %mul3A_212 : vector<512x128xf32>
    %exp23A_214 = math.exp2 %mul3A_213 : vector<512x128xf32>
    %reduce_sum3A_215 = arith.constant dense<0.000000e+00> : vector<128xf32>
    %reduce_sum3A_216 = vector.multi_reduction <add>, %exp23A_214, %reduce_sum3A_215 [0] : vector<512x128xf32> to vector<128xf32>
    %add3A_217 = arith.addf %add3A_205, %reduce_sum3A_216 : vector<128xf32>
    %slice3A_218 = vector.extract_strided_slice %div3A_50 {offsets = [0, 14], sizes = [512, 1], strides = [1, 1]} : vector<512x16xf32> to vector<512x1xf32>
    %slice3A_219 = vector.extract_strided_slice %select_n3A {offsets = [14, 0], sizes = [1, 128], strides = [1, 1]} : vector<16x128xf32> to vector<1x128xf32>
    %squeeze3A_220 = vector.shape_cast %slice3A_219 : vector<1x128xf32> to vector<128xf32>
    %broadcast_in_dim3A_221 = vector.shape_cast %squeeze3A_220 : vector<128xf32> to vector<1x128xf32>
    %sub3A_222 = vector.broadcast %broadcast_in_dim3A_221 : vector<1x128xf32> to vector<512x128xf32>
    %sub3A_223 = arith.subf %add3A_21, %sub3A_222 : vector<512x128xf32>
    %mul3A_224 = vector.broadcast %slice3A_218 : vector<512x1xf32> to vector<512x128xf32>
    %mul3A_225 = arith.mulf %sub3A_223, %mul3A_224 : vector<512x128xf32>
    %exp23A_226 = math.exp2 %mul3A_225 : vector<512x128xf32>
    %reduce_sum3A_227 = arith.constant dense<0.000000e+00> : vector<128xf32>
    %reduce_sum3A_228 = vector.multi_reduction <add>, %exp23A_226, %reduce_sum3A_227 [0] : vector<512x128xf32> to vector<128xf32>
    %add3A_229 = arith.addf %add3A_217, %reduce_sum3A_228 : vector<128xf32>
    %slice3A_230 = vector.extract_strided_slice %div3A_50 {offsets = [0, 15], sizes = [512, 1], strides = [1, 1]} : vector<512x16xf32> to vector<512x1xf32>
    %slice3A_231 = vector.extract_strided_slice %select_n3A {offsets = [15, 0], sizes = [1, 128], strides = [1, 1]} : vector<16x128xf32> to vector<1x128xf32>
    %squeeze3A_232 = vector.shape_cast %slice3A_231 : vector<1x128xf32> to vector<128xf32>
    %broadcast_in_dim3A_233 = vector.shape_cast %squeeze3A_232 : vector<128xf32> to vector<1x128xf32>
    %sub3A_234 = vector.broadcast %broadcast_in_dim3A_233 : vector<1x128xf32> to vector<512x128xf32>
    %sub3A_235 = arith.subf %add3A_21, %sub3A_234 : vector<512x128xf32>
    %mul3A_236 = vector.broadcast %slice3A_230 : vector<512x1xf32> to vector<512x128xf32>
    %mul3A_237 = arith.mulf %sub3A_235, %mul3A_236 : vector<512x128xf32>
    %exp23A_238 = math.exp2 %mul3A_237 : vector<512x128xf32>
    %reduce_sum3A_239 = arith.constant dense<0.000000e+00> : vector<128xf32>
    %reduce_sum3A_240 = vector.multi_reduction <add>, %exp23A_238, %reduce_sum3A_239 [0] : vector<512x128xf32> to vector<128xf32>
    %add3A_241 = arith.addf %add3A_229, %reduce_sum3A_240 : vector<128xf32>
    %eq3A_242 = arith.constant 0 : i32
    %eq3A_243 = arith.cmpi eq, %arg1, %eq3A_242 : i32
    %convert_element_type3A_244 = arith.extui %eq3A_243 : i1 to i32
    %cond3A_245 = arith.constant 0 : i32
    %cond3A_246 = arith.cmpi ne, %convert_element_type3A_244, %cond3A_245 : i32
    scf.if %cond3A_246 {
      %broadcast_in_dim3A_259 = arith.constant 0.000000e+00 : f32
      %broadcast_in_dim3A_260 = vector.broadcast %broadcast_in_dim3A_259 : f32 to vector<1x8x128xf32>
      %swap3A_261 = arith.constant 0 : index
      %swap3A_262 = arith.constant 0 : index
      %swap3A_263 = arith.constant 0 : index
      %swap3A_264 = vector.load %arg10[%swap3A_261, %swap3A_262, %swap3A_263] : memref<1x8x128xf32, #tpu.memory_space<vmem>>, vector<1x8x128xf32>
      tpu.vector_store %arg10[%swap3A_261, %swap3A_262, %swap3A_263], %broadcast_in_dim3A_260 {strides = array<i32>} : memref<1x8x128xf32, #tpu.memory_space<vmem>>, vector<1x8x128xf32>,
    } else {
    }
    %get3A_247 = arith.constant 0 : index
    %get3A_248 = arith.constant 0 : index
    %get3A_249 = arith.constant 0 : index
    %get3A_250 = vector.load %arg10[%get3A_247, %get3A_248, %get3A_249] : memref<1x8x128xf32, #tpu.memory_space<vmem>>, vector<1x8x128xf32>
    %broadcast_in_dim3A_251 = vector.shape_cast %add3A_241 : vector<128xf32> to vector<1x1x128xf32>
    %broadcast_in_dim3A_252 = vector.shape_cast %broadcast_in_dim3A_251 : vector<1x1x128xf32> to vector<1x1x128xf32>
    %broadcast_in_dim3A_253 = vector.broadcast %broadcast_in_dim3A_252 : vector<1x1x128xf32> to vector<1x8x128xf32>
    %add3A_254 = arith.addf %get3A_250, %broadcast_in_dim3A_253 : vector<1x8x128xf32>
    %swap3A_255 = arith.constant 0 : index
    %swap3A_256 = arith.constant 0 : index
    %swap3A_257 = arith.constant 0 : index
    %swap3A_258 = vector.load %arg10[%swap3A_255, %swap3A_256, %swap3A_257] : memref<1x8x128xf32, #tpu.memory_space<vmem>>, vector<1x8x128xf32>
    tpu.vector_store %arg10[%swap3A_255, %swap3A_256, %swap3A_257], %add3A_254 {strides = array<i32>} : memref<1x8x128xf32, #tpu.memory_space<vmem>>, vector<1x8x128xf32>,
    return
  }
  func.func @transform_0(%arg0: i32, %arg1: i32) -> (i32, i32, i32, i32) {
    %c0_i32 = arith.constant 0 : i32
    %c0_i32_0 = arith.constant 0 : i32
    %c0_i32_1 = arith.constant 0 : i32
    return %arg0, %arg1, %c0_i32, %c0_i32_0 : i32, i32, i32, i32
  }
  func.func @transform_1(%arg0: i32, %arg1: i32) -> i32 {
    %c0_i32 = arith.constant 0 : i32
    %c0_i32_0 = arith.constant 0 : i32
    return %c0_i32 : i32
  }
  func.func @transform_2(%arg0: i32, %arg1: i32) -> (i32, i32) {
    %c0_i32 = arith.constant 0 : i32
    %c0_i32_0 = arith.constant 0 : i32
    %c0_i32_1 = arith.constant 0 : i32
    return %c0_i32, %c0_i32_0 : i32, i32
  }
  func.func @transform_3(%arg0: i32, %arg1: i32) -> (i32, i32) {
    %c0_i32 = arith.constant 0 : i32
    %c0_i32_0 = arith.constant 0 : i32
    %c0_i32_1 = arith.constant 0 : i32
    return %c0_i32, %c0_i32_0 : i32, i32
  }
  func.func @transform_6(%arg0: i32, %arg1: i32) -> (i32, i32) {
    %mul3A = arith.constant 16 : i32
    %mul3A_0 = arith.muli %arg0, %mul3A : i32
    %add3A = arith.addi %mul3A_0, %arg1 : i32
    %c0_i32 = arith.constant 0 : i32
    %c0_i32_1 = arith.constant 0 : i32
    return %add3A, %c0_i32 : i32, i32
  }
  func.func @transform_7(%arg0: i32, %arg1: i32) -> (i32, i32) {
    %mul3A = arith.constant 16 : i32
    %mul3A_0 = arith.muli %arg0, %mul3A : i32
    %add3A = arith.constant 68 : i32
    %add3A_1 = arith.addi %add3A, %mul3A_0 : i32
    %add3A_2 = arith.addi %add3A_1, %arg1 : i32
    %c0_i32 = arith.constant 0 : i32
    %c0_i32_3 = arith.constant 0 : i32
    return %add3A_2, %c0_i32 : i32, i32
  }
  func.func @transform_8(%arg0: i32, %arg1: i32) -> (i32, i32, i32) {
    %c0_i32 = arith.constant 0 : i32
    %c0_i32_0 = arith.constant 0 : i32
    %c0_i32_1 = arith.constant 0 : i32
    return %arg0, %c0_i32, %c0_i32_0 : i32, i32, i32
  }
  func.func @transform_9(%arg0: i32, %arg1: i32) -> (i32, i32) {
    %mul3A = arith.constant 16 : i32
    %mul3A_0 = arith.muli %arg0, %mul3A : i32
    %add3A = arith.addi %mul3A_0, %arg1 : i32
    %c0_i32 = arith.constant 0 : i32
    %c0_i32_1 = arith.constant 0 : i32
    return %add3A, %c0_i32 : i32, i32
  }
  func.func @transform_10(%arg0: i32, %arg1: i32) -> (i32, i32) {
    %mul3A = arith.constant 16 : i32
    %mul3A_0 = arith.muli %arg0, %mul3A : i32
    %add3A = arith.constant 68 : i32
    %add3A_1 = arith.addi %add3A, %mul3A_0 : i32
    %add3A_2 = arith.addi %add3A_1, %arg1 : i32
    %c0_i32 = arith.constant 0 : i32
    %c0_i32_3 = arith.constant 0 : i32
    return %add3A_2, %c0_i32 : i32, i32
  }
  func.func @transform_11(%arg0: i32, %arg1: i32) -> (i32, i32, i32) {
    %c0_i32 = arith.constant 0 : i32
    %c0_i32_0 = arith.constant 0 : i32
    %c0_i32_1 = arith.constant 0 : i32
    %c0_i32_2 = arith.constant 0 : i32
    return %c0_i32, %c0_i32_0, %c0_i32_1 : i32, i32, i32
  }
  func.func @transform_12(%arg0: i32, %arg1: i32) -> (i32, i32) {
    %c0_i32 = arith.constant 0 : i32
    %c0_i32_0 = arith.constant 0 : i32
    %c0_i32_1 = arith.constant 0 : i32
    return %c0_i32, %c0_i32_0 : i32, i32
  }
  func.func @transform_13(%arg0: i32, %arg1: i32) -> (i32, i32) {
    %c0_i32 = arith.constant 0 : i32
    %c0_i32_0 = arith.constant 0 : i32
    %c0_i32_1 = arith.constant 0 : i32
    return %c0_i32, %c0_i32_0 : i32, i32
  }
}

module attributes {stable_mosaic.version = 14 : i64} {
  func.func @_patch_kernel(%arg0: memref<16xi32, #tpu.memory_space<smem>>, %arg1: memref<16x128xf32, #tpu.memory_space<vmem>>, %arg2: memref<16x128xf32, #tpu.memory_space<vmem>>, %arg3: memref<100000x128xf32, #tpu.memory_space<hbm>>, %arg4: memref<100000x128xf32, #tpu.memory_space<hbm>>, %arg5: memref<100000x128xf32, #tpu.memory_space<hbm>>, %arg6: memref<100000x128xf32, #tpu.memory_space<hbm>>, %arg7: memref<!tpu.dma_semaphore, #tpu.memory_space<semaphore_mem>>) attributes {dimension_semantics = [], scalar_prefetch = 0 : i64, scratch_operands = 1 : i64, tpu.core_type = #tpu.core_type<tc>} {
    %get3A = arith.constant 0 : index
    %get3A_0 = memref.load %arg0[%get3A] : memref<16xi32, #tpu.memory_space<smem>>
    %get3A_1 = arith.constant 1 : index
    %get3A_2 = memref.load %arg0[%get3A_1] : memref<16xi32, #tpu.memory_space<smem>>
    %eq3A = arith.cmpi eq, %get3A_2, %get3A_0 : i32
    %or3A = arith.constant false
    %or3A_3 = arith.ori %or3A, %eq3A : i1
    %get3A_4 = arith.constant 2 : index
    %get3A_5 = memref.load %arg0[%get3A_4] : memref<16xi32, #tpu.memory_space<smem>>
    %eq3A_6 = arith.cmpi eq, %get3A_5, %get3A_0 : i32
    %or3A_7 = arith.ori %or3A_3, %eq3A_6 : i1
    %get3A_8 = arith.constant 3 : index
    %get3A_9 = memref.load %arg0[%get3A_8] : memref<16xi32, #tpu.memory_space<smem>>
    %eq3A_10 = arith.cmpi eq, %get3A_9, %get3A_0 : i32
    %or3A_11 = arith.ori %or3A_7, %eq3A_10 : i1
    %get3A_12 = arith.constant 4 : index
    %get3A_13 = memref.load %arg0[%get3A_12] : memref<16xi32, #tpu.memory_space<smem>>
    %eq3A_14 = arith.cmpi eq, %get3A_13, %get3A_0 : i32
    %or3A_15 = arith.ori %or3A_11, %eq3A_14 : i1
    %get3A_16 = arith.constant 5 : index
    %get3A_17 = memref.load %arg0[%get3A_16] : memref<16xi32, #tpu.memory_space<smem>>
    %eq3A_18 = arith.cmpi eq, %get3A_17, %get3A_0 : i32
    %or3A_19 = arith.ori %or3A_15, %eq3A_18 : i1
    %get3A_20 = arith.constant 6 : index
    %get3A_21 = memref.load %arg0[%get3A_20] : memref<16xi32, #tpu.memory_space<smem>>
    %eq3A_22 = arith.cmpi eq, %get3A_21, %get3A_0 : i32
    %or3A_23 = arith.ori %or3A_19, %eq3A_22 : i1
    %get3A_24 = arith.constant 7 : index
    %get3A_25 = memref.load %arg0[%get3A_24] : memref<16xi32, #tpu.memory_space<smem>>
    %eq3A_26 = arith.cmpi eq, %get3A_25, %get3A_0 : i32
    %or3A_27 = arith.ori %or3A_23, %eq3A_26 : i1
    %get3A_28 = arith.constant 8 : index
    %get3A_29 = memref.load %arg0[%get3A_28] : memref<16xi32, #tpu.memory_space<smem>>
    %eq3A_30 = arith.cmpi eq, %get3A_29, %get3A_0 : i32
    %or3A_31 = arith.ori %or3A_27, %eq3A_30 : i1
    %get3A_32 = arith.constant 9 : index
    %get3A_33 = memref.load %arg0[%get3A_32] : memref<16xi32, #tpu.memory_space<smem>>
    %eq3A_34 = arith.cmpi eq, %get3A_33, %get3A_0 : i32
    %or3A_35 = arith.ori %or3A_31, %eq3A_34 : i1
    %get3A_36 = arith.constant 10 : index
    %get3A_37 = memref.load %arg0[%get3A_36] : memref<16xi32, #tpu.memory_space<smem>>
    %eq3A_38 = arith.cmpi eq, %get3A_37, %get3A_0 : i32
    %or3A_39 = arith.ori %or3A_35, %eq3A_38 : i1
    %get3A_40 = arith.constant 11 : index
    %get3A_41 = memref.load %arg0[%get3A_40] : memref<16xi32, #tpu.memory_space<smem>>
    %eq3A_42 = arith.cmpi eq, %get3A_41, %get3A_0 : i32
    %or3A_43 = arith.ori %or3A_39, %eq3A_42 : i1
    %get3A_44 = arith.constant 12 : index
    %get3A_45 = memref.load %arg0[%get3A_44] : memref<16xi32, #tpu.memory_space<smem>>
    %eq3A_46 = arith.cmpi eq, %get3A_45, %get3A_0 : i32
    %or3A_47 = arith.ori %or3A_43, %eq3A_46 : i1
    %get3A_48 = arith.constant 13 : index
    %get3A_49 = memref.load %arg0[%get3A_48] : memref<16xi32, #tpu.memory_space<smem>>
    %eq3A_50 = arith.cmpi eq, %get3A_49, %get3A_0 : i32
    %or3A_51 = arith.ori %or3A_47, %eq3A_50 : i1
    %get3A_52 = arith.constant 14 : index
    %get3A_53 = memref.load %arg0[%get3A_52] : memref<16xi32, #tpu.memory_space<smem>>
    %eq3A_54 = arith.cmpi eq, %get3A_53, %get3A_0 : i32
    %or3A_55 = arith.ori %or3A_51, %eq3A_54 : i1
    %get3A_56 = arith.constant 15 : index
    %get3A_57 = memref.load %arg0[%get3A_56] : memref<16xi32, #tpu.memory_space<smem>>
    %eq3A_58 = arith.cmpi eq, %get3A_57, %get3A_0 : i32
    %or3A_59 = arith.ori %or3A_55, %eq3A_58 : i1
    %not3A = arith.constant true
    %not3A_60 = arith.xori %or3A_59, %not3A : i1
    %convert_element_type3A = arith.extui %not3A_60 : i1 to i32
    %cond3A = arith.constant 0 : i32
    %cond3A_61 = arith.cmpi ne, %convert_element_type3A, %cond3A : i32
    scf.if %cond3A_61 {
      %dma_start3A = arith.constant 0 : i32
      %dma_start3A_650 = tpu.memref_slice %arg5[%get3A_0, %dma_start3A] : memref<100000x128xf32, #tpu.memory_space<hbm>> -> memref<1x128xf32, #tpu.memory_space<hbm>>
      %dma_start3A_651 = arith.constant 0 : i32
      %dma_start3A_652 = arith.constant 0 : i32
      %dma_start3A_653 = tpu.memref_slice %arg1[%dma_start3A_651, %dma_start3A_652] : memref<16x128xf32, #tpu.memory_space<vmem>> -> memref<1x128xf32, #tpu.memory_space<vmem>>
      tpu.enqueue_dma source(%dma_start3A_653 : memref<1x128xf32, #tpu.memory_space<vmem>>) target(%dma_start3A_650 : memref<1x128xf32, #tpu.memory_space<hbm>>) target_semaphore(%arg7 : memref<!tpu.dma_semaphore, #tpu.memory_space<semaphore_mem>>)
      %dma_start3A_654 = arith.constant 0 : i32
      %dma_start3A_655 = tpu.memref_slice %arg6[%get3A_0, %dma_start3A_654] : memref<100000x128xf32, #tpu.memory_space<hbm>> -> memref<1x128xf32, #tpu.memory_space<hbm>>
      %dma_start3A_656 = arith.constant 0 : i32
      %dma_start3A_657 = arith.constant 0 : i32
      %dma_start3A_658 = tpu.memref_slice %arg2[%dma_start3A_656, %dma_start3A_657] : memref<16x128xf32, #tpu.memory_space<vmem>> -> memref<1x128xf32, #tpu.memory_space<vmem>>
      tpu.enqueue_dma source(%dma_start3A_658 : memref<1x128xf32, #tpu.memory_space<vmem>>) target(%dma_start3A_655 : memref<1x128xf32, #tpu.memory_space<hbm>>) target_semaphore(%arg7 : memref<!tpu.dma_semaphore, #tpu.memory_space<semaphore_mem>>)
    } else {
    }
    %convert_element_type3A_62 = arith.extui %not3A_60 : i1 to i32
    %cond3A_63 = arith.constant 0 : i32
    %cond3A_64 = arith.cmpi ne, %convert_element_type3A_62, %cond3A_63 : i32
    scf.if %cond3A_64 {
      %dma_wait3A = arith.constant 0 : i32
      %dma_wait3A_650 = tpu.memref_slice %arg5[%get3A_0, %dma_wait3A] : memref<100000x128xf32, #tpu.memory_space<hbm>> -> memref<1x128xf32, #tpu.memory_space<hbm>>
      %dma_wait3A_651 = arith.constant 0 : i32
      %dma_wait3A_652 = arith.constant 0 : i32
      %dma_wait3A_653 = tpu.memref_slice %arg1[%dma_wait3A_651, %dma_wait3A_652] : memref<16x128xf32, #tpu.memory_space<vmem>> -> memref<1x128xf32, #tpu.memory_space<vmem>>
      tpu.wait_dma2 semaphore(%arg7 : memref<!tpu.dma_semaphore, #tpu.memory_space<semaphore_mem>>) src(%dma_wait3A_653 : memref<1x128xf32, #tpu.memory_space<vmem>>) dst(%dma_wait3A_650 : memref<1x128xf32, #tpu.memory_space<hbm>>)
      %dma_wait3A_654 = arith.constant 0 : i32
      %dma_wait3A_655 = tpu.memref_slice %arg6[%get3A_0, %dma_wait3A_654] : memref<100000x128xf32, #tpu.memory_space<hbm>> -> memref<1x128xf32, #tpu.memory_space<hbm>>
      %dma_wait3A_656 = arith.constant 0 : i32
      %dma_wait3A_657 = arith.constant 0 : i32
      %dma_wait3A_658 = tpu.memref_slice %arg2[%dma_wait3A_656, %dma_wait3A_657] : memref<16x128xf32, #tpu.memory_space<vmem>> -> memref<1x128xf32, #tpu.memory_space<vmem>>
      tpu.wait_dma2 semaphore(%arg7 : memref<!tpu.dma_semaphore, #tpu.memory_space<semaphore_mem>>) src(%dma_wait3A_658 : memref<1x128xf32, #tpu.memory_space<vmem>>) dst(%dma_wait3A_655 : memref<1x128xf32, #tpu.memory_space<hbm>>)
    } else {
    }
    %get3A_65 = arith.constant 1 : index
    %get3A_66 = memref.load %arg0[%get3A_65] : memref<16xi32, #tpu.memory_space<smem>>
    %get3A_67 = arith.constant 2 : index
    %get3A_68 = memref.load %arg0[%get3A_67] : memref<16xi32, #tpu.memory_space<smem>>
    %eq3A_69 = arith.cmpi eq, %get3A_68, %get3A_66 : i32
    %or3A_70 = arith.constant false
    %or3A_71 = arith.ori %or3A_70, %eq3A_69 : i1
    %get3A_72 = arith.constant 3 : index
    %get3A_73 = memref.load %arg0[%get3A_72] : memref<16xi32, #tpu.memory_space<smem>>
    %eq3A_74 = arith.cmpi eq, %get3A_73, %get3A_66 : i32
    %or3A_75 = arith.ori %or3A_71, %eq3A_74 : i1
    %get3A_76 = arith.constant 4 : index
    %get3A_77 = memref.load %arg0[%get3A_76] : memref<16xi32, #tpu.memory_space<smem>>
    %eq3A_78 = arith.cmpi eq, %get3A_77, %get3A_66 : i32
    %or3A_79 = arith.ori %or3A_75, %eq3A_78 : i1
    %get3A_80 = arith.constant 5 : index
    %get3A_81 = memref.load %arg0[%get3A_80] : memref<16xi32, #tpu.memory_space<smem>>
    %eq3A_82 = arith.cmpi eq, %get3A_81, %get3A_66 : i32
    %or3A_83 = arith.ori %or3A_79, %eq3A_82 : i1
    %get3A_84 = arith.constant 6 : index
    %get3A_85 = memref.load %arg0[%get3A_84] : memref<16xi32, #tpu.memory_space<smem>>
    %eq3A_86 = arith.cmpi eq, %get3A_85, %get3A_66 : i32
    %or3A_87 = arith.ori %or3A_83, %eq3A_86 : i1
    %get3A_88 = arith.constant 7 : index
    %get3A_89 = memref.load %arg0[%get3A_88] : memref<16xi32, #tpu.memory_space<smem>>
    %eq3A_90 = arith.cmpi eq, %get3A_89, %get3A_66 : i32
    %or3A_91 = arith.ori %or3A_87, %eq3A_90 : i1
    %get3A_92 = arith.constant 8 : index
    %get3A_93 = memref.load %arg0[%get3A_92] : memref<16xi32, #tpu.memory_space<smem>>
    %eq3A_94 = arith.cmpi eq, %get3A_93, %get3A_66 : i32
    %or3A_95 = arith.ori %or3A_91, %eq3A_94 : i1
    %get3A_96 = arith.constant 9 : index
    %get3A_97 = memref.load %arg0[%get3A_96] : memref<16xi32, #tpu.memory_space<smem>>
    %eq3A_98 = arith.cmpi eq, %get3A_97, %get3A_66 : i32
    %or3A_99 = arith.ori %or3A_95, %eq3A_98 : i1
    %get3A_100 = arith.constant 10 : index
    %get3A_101 = memref.load %arg0[%get3A_100] : memref<16xi32, #tpu.memory_space<smem>>
    %eq3A_102 = arith.cmpi eq, %get3A_101, %get3A_66 : i32
    %or3A_103 = arith.ori %or3A_99, %eq3A_102 : i1
    %get3A_104 = arith.constant 11 : index
    %get3A_105 = memref.load %arg0[%get3A_104] : memref<16xi32, #tpu.memory_space<smem>>
    %eq3A_106 = arith.cmpi eq, %get3A_105, %get3A_66 : i32
    %or3A_107 = arith.ori %or3A_103, %eq3A_106 : i1
    %get3A_108 = arith.constant 12 : index
    %get3A_109 = memref.load %arg0[%get3A_108] : memref<16xi32, #tpu.memory_space<smem>>
    %eq3A_110 = arith.cmpi eq, %get3A_109, %get3A_66 : i32
    %or3A_111 = arith.ori %or3A_107, %eq3A_110 : i1
    %get3A_112 = arith.constant 13 : index
    %get3A_113 = memref.load %arg0[%get3A_112] : memref<16xi32, #tpu.memory_space<smem>>
    %eq3A_114 = arith.cmpi eq, %get3A_113, %get3A_66 : i32
    %or3A_115 = arith.ori %or3A_111, %eq3A_114 : i1
    %get3A_116 = arith.constant 14 : index
    %get3A_117 = memref.load %arg0[%get3A_116] : memref<16xi32, #tpu.memory_space<smem>>
    %eq3A_118 = arith.cmpi eq, %get3A_117, %get3A_66 : i32
    %or3A_119 = arith.ori %or3A_115, %eq3A_118 : i1
    %get3A_120 = arith.constant 15 : index
    %get3A_121 = memref.load %arg0[%get3A_120] : memref<16xi32, #tpu.memory_space<smem>>
    %eq3A_122 = arith.cmpi eq, %get3A_121, %get3A_66 : i32
    %or3A_123 = arith.ori %or3A_119, %eq3A_122 : i1
    %not3A_124 = arith.constant true
    %not3A_125 = arith.xori %or3A_123, %not3A_124 : i1
    %convert_element_type3A_126 = arith.extui %not3A_125 : i1 to i32
    %cond3A_127 = arith.constant 0 : i32
    %cond3A_128 = arith.cmpi ne, %convert_element_type3A_126, %cond3A_127 : i32
    scf.if %cond3A_128 {
      %dma_start3A = arith.constant 0 : i32
      %dma_start3A_650 = tpu.memref_slice %arg5[%get3A_66, %dma_start3A] : memref<100000x128xf32, #tpu.memory_space<hbm>> -> memref<1x128xf32, #tpu.memory_space<hbm>>
      %dma_start3A_651 = arith.constant 1 : i32
      %dma_start3A_652 = arith.constant 0 : i32
      %dma_start3A_653 = tpu.memref_slice %arg1[%dma_start3A_651, %dma_start3A_652] : memref<16x128xf32, #tpu.memory_space<vmem>> -> memref<1x128xf32, #tpu.memory_space<vmem>>
      tpu.enqueue_dma source(%dma_start3A_653 : memref<1x128xf32, #tpu.memory_space<vmem>>) target(%dma_start3A_650 : memref<1x128xf32, #tpu.memory_space<hbm>>) target_semaphore(%arg7 : memref<!tpu.dma_semaphore, #tpu.memory_space<semaphore_mem>>)
      %dma_start3A_654 = arith.constant 0 : i32
      %dma_start3A_655 = tpu.memref_slice %arg6[%get3A_66, %dma_start3A_654] : memref<100000x128xf32, #tpu.memory_space<hbm>> -> memref<1x128xf32, #tpu.memory_space<hbm>>
      %dma_start3A_656 = arith.constant 1 : i32
      %dma_start3A_657 = arith.constant 0 : i32
      %dma_start3A_658 = tpu.memref_slice %arg2[%dma_start3A_656, %dma_start3A_657] : memref<16x128xf32, #tpu.memory_space<vmem>> -> memref<1x128xf32, #tpu.memory_space<vmem>>
      tpu.enqueue_dma source(%dma_start3A_658 : memref<1x128xf32, #tpu.memory_space<vmem>>) target(%dma_start3A_655 : memref<1x128xf32, #tpu.memory_space<hbm>>) target_semaphore(%arg7 : memref<!tpu.dma_semaphore, #tpu.memory_space<semaphore_mem>>)
    } else {
    }
    %convert_element_type3A_129 = arith.extui %not3A_125 : i1 to i32
    %cond3A_130 = arith.constant 0 : i32
    %cond3A_131 = arith.cmpi ne, %convert_element_type3A_129, %cond3A_130 : i32
    scf.if %cond3A_131 {
      %dma_wait3A = arith.constant 0 : i32
      %dma_wait3A_650 = tpu.memref_slice %arg5[%get3A_66, %dma_wait3A] : memref<100000x128xf32, #tpu.memory_space<hbm>> -> memref<1x128xf32, #tpu.memory_space<hbm>>
      %dma_wait3A_651 = arith.constant 1 : i32
      %dma_wait3A_652 = arith.constant 0 : i32
      %dma_wait3A_653 = tpu.memref_slice %arg1[%dma_wait3A_651, %dma_wait3A_652] : memref<16x128xf32, #tpu.memory_space<vmem>> -> memref<1x128xf32, #tpu.memory_space<vmem>>
      tpu.wait_dma2 semaphore(%arg7 : memref<!tpu.dma_semaphore, #tpu.memory_space<semaphore_mem>>) src(%dma_wait3A_653 : memref<1x128xf32, #tpu.memory_space<vmem>>) dst(%dma_wait3A_650 : memref<1x128xf32, #tpu.memory_space<hbm>>)
      %dma_wait3A_654 = arith.constant 0 : i32
      %dma_wait3A_655 = tpu.memref_slice %arg6[%get3A_66, %dma_wait3A_654] : memref<100000x128xf32, #tpu.memory_space<hbm>> -> memref<1x128xf32, #tpu.memory_space<hbm>>
      %dma_wait3A_656 = arith.constant 1 : i32
      %dma_wait3A_657 = arith.constant 0 : i32
      %dma_wait3A_658 = tpu.memref_slice %arg2[%dma_wait3A_656, %dma_wait3A_657] : memref<16x128xf32, #tpu.memory_space<vmem>> -> memref<1x128xf32, #tpu.memory_space<vmem>>
      tpu.wait_dma2 semaphore(%arg7 : memref<!tpu.dma_semaphore, #tpu.memory_space<semaphore_mem>>) src(%dma_wait3A_658 : memref<1x128xf32, #tpu.memory_space<vmem>>) dst(%dma_wait3A_655 : memref<1x128xf32, #tpu.memory_space<hbm>>)
    } else {
    }
    %get3A_132 = arith.constant 2 : index
    %get3A_133 = memref.load %arg0[%get3A_132] : memref<16xi32, #tpu.memory_space<smem>>
    %get3A_134 = arith.constant 3 : index
    %get3A_135 = memref.load %arg0[%get3A_134] : memref<16xi32, #tpu.memory_space<smem>>
    %eq3A_136 = arith.cmpi eq, %get3A_135, %get3A_133 : i32
    %or3A_137 = arith.constant false
    %or3A_138 = arith.ori %or3A_137, %eq3A_136 : i1
    %get3A_139 = arith.constant 4 : index
    %get3A_140 = memref.load %arg0[%get3A_139] : memref<16xi32, #tpu.memory_space<smem>>
    %eq3A_141 = arith.cmpi eq, %get3A_140, %get3A_133 : i32
    %or3A_142 = arith.ori %or3A_138, %eq3A_141 : i1
    %get3A_143 = arith.constant 5 : index
    %get3A_144 = memref.load %arg0[%get3A_143] : memref<16xi32, #tpu.memory_space<smem>>
    %eq3A_145 = arith.cmpi eq, %get3A_144, %get3A_133 : i32
    %or3A_146 = arith.ori %or3A_142, %eq3A_145 : i1
    %get3A_147 = arith.constant 6 : index
    %get3A_148 = memref.load %arg0[%get3A_147] : memref<16xi32, #tpu.memory_space<smem>>
    %eq3A_149 = arith.cmpi eq, %get3A_148, %get3A_133 : i32
    %or3A_150 = arith.ori %or3A_146, %eq3A_149 : i1
    %get3A_151 = arith.constant 7 : index
    %get3A_152 = memref.load %arg0[%get3A_151] : memref<16xi32, #tpu.memory_space<smem>>
    %eq3A_153 = arith.cmpi eq, %get3A_152, %get3A_133 : i32
    %or3A_154 = arith.ori %or3A_150, %eq3A_153 : i1
    %get3A_155 = arith.constant 8 : index
    %get3A_156 = memref.load %arg0[%get3A_155] : memref<16xi32, #tpu.memory_space<smem>>
    %eq3A_157 = arith.cmpi eq, %get3A_156, %get3A_133 : i32
    %or3A_158 = arith.ori %or3A_154, %eq3A_157 : i1
    %get3A_159 = arith.constant 9 : index
    %get3A_160 = memref.load %arg0[%get3A_159] : memref<16xi32, #tpu.memory_space<smem>>
    %eq3A_161 = arith.cmpi eq, %get3A_160, %get3A_133 : i32
    %or3A_162 = arith.ori %or3A_158, %eq3A_161 : i1
    %get3A_163 = arith.constant 10 : index
    %get3A_164 = memref.load %arg0[%get3A_163] : memref<16xi32, #tpu.memory_space<smem>>
    %eq3A_165 = arith.cmpi eq, %get3A_164, %get3A_133 : i32
    %or3A_166 = arith.ori %or3A_162, %eq3A_165 : i1
    %get3A_167 = arith.constant 11 : index
    %get3A_168 = memref.load %arg0[%get3A_167] : memref<16xi32, #tpu.memory_space<smem>>
    %eq3A_169 = arith.cmpi eq, %get3A_168, %get3A_133 : i32
    %or3A_170 = arith.ori %or3A_166, %eq3A_169 : i1
    %get3A_171 = arith.constant 12 : index
    %get3A_172 = memref.load %arg0[%get3A_171] : memref<16xi32, #tpu.memory_space<smem>>
    %eq3A_173 = arith.cmpi eq, %get3A_172, %get3A_133 : i32
    %or3A_174 = arith.ori %or3A_170, %eq3A_173 : i1
    %get3A_175 = arith.constant 13 : index
    %get3A_176 = memref.load %arg0[%get3A_175] : memref<16xi32, #tpu.memory_space<smem>>
    %eq3A_177 = arith.cmpi eq, %get3A_176, %get3A_133 : i32
    %or3A_178 = arith.ori %or3A_174, %eq3A_177 : i1
    %get3A_179 = arith.constant 14 : index
    %get3A_180 = memref.load %arg0[%get3A_179] : memref<16xi32, #tpu.memory_space<smem>>
    %eq3A_181 = arith.cmpi eq, %get3A_180, %get3A_133 : i32
    %or3A_182 = arith.ori %or3A_178, %eq3A_181 : i1
    %get3A_183 = arith.constant 15 : index
    %get3A_184 = memref.load %arg0[%get3A_183] : memref<16xi32, #tpu.memory_space<smem>>
    %eq3A_185 = arith.cmpi eq, %get3A_184, %get3A_133 : i32
    %or3A_186 = arith.ori %or3A_182, %eq3A_185 : i1
    %not3A_187 = arith.constant true
    %not3A_188 = arith.xori %or3A_186, %not3A_187 : i1
    %convert_element_type3A_189 = arith.extui %not3A_188 : i1 to i32
    %cond3A_190 = arith.constant 0 : i32
    %cond3A_191 = arith.cmpi ne, %convert_element_type3A_189, %cond3A_190 : i32
    scf.if %cond3A_191 {
      %dma_start3A = arith.constant 0 : i32
      %dma_start3A_650 = tpu.memref_slice %arg5[%get3A_133, %dma_start3A] : memref<100000x128xf32, #tpu.memory_space<hbm>> -> memref<1x128xf32, #tpu.memory_space<hbm>>
      %dma_start3A_651 = arith.constant 2 : i32
      %dma_start3A_652 = arith.constant 0 : i32
      %dma_start3A_653 = tpu.memref_slice %arg1[%dma_start3A_651, %dma_start3A_652] : memref<16x128xf32, #tpu.memory_space<vmem>> -> memref<1x128xf32, #tpu.memory_space<vmem>>
      tpu.enqueue_dma source(%dma_start3A_653 : memref<1x128xf32, #tpu.memory_space<vmem>>) target(%dma_start3A_650 : memref<1x128xf32, #tpu.memory_space<hbm>>) target_semaphore(%arg7 : memref<!tpu.dma_semaphore, #tpu.memory_space<semaphore_mem>>)
      %dma_start3A_654 = arith.constant 0 : i32
      %dma_start3A_655 = tpu.memref_slice %arg6[%get3A_133, %dma_start3A_654] : memref<100000x128xf32, #tpu.memory_space<hbm>> -> memref<1x128xf32, #tpu.memory_space<hbm>>
      %dma_start3A_656 = arith.constant 2 : i32
      %dma_start3A_657 = arith.constant 0 : i32
      %dma_start3A_658 = tpu.memref_slice %arg2[%dma_start3A_656, %dma_start3A_657] : memref<16x128xf32, #tpu.memory_space<vmem>> -> memref<1x128xf32, #tpu.memory_space<vmem>>
      tpu.enqueue_dma source(%dma_start3A_658 : memref<1x128xf32, #tpu.memory_space<vmem>>) target(%dma_start3A_655 : memref<1x128xf32, #tpu.memory_space<hbm>>) target_semaphore(%arg7 : memref<!tpu.dma_semaphore, #tpu.memory_space<semaphore_mem>>)
    } else {
    }
    %convert_element_type3A_192 = arith.extui %not3A_188 : i1 to i32
    %cond3A_193 = arith.constant 0 : i32
    %cond3A_194 = arith.cmpi ne, %convert_element_type3A_192, %cond3A_193 : i32
    scf.if %cond3A_194 {
      %dma_wait3A = arith.constant 0 : i32
      %dma_wait3A_650 = tpu.memref_slice %arg5[%get3A_133, %dma_wait3A] : memref<100000x128xf32, #tpu.memory_space<hbm>> -> memref<1x128xf32, #tpu.memory_space<hbm>>
      %dma_wait3A_651 = arith.constant 2 : i32
      %dma_wait3A_652 = arith.constant 0 : i32
      %dma_wait3A_653 = tpu.memref_slice %arg1[%dma_wait3A_651, %dma_wait3A_652] : memref<16x128xf32, #tpu.memory_space<vmem>> -> memref<1x128xf32, #tpu.memory_space<vmem>>
      tpu.wait_dma2 semaphore(%arg7 : memref<!tpu.dma_semaphore, #tpu.memory_space<semaphore_mem>>) src(%dma_wait3A_653 : memref<1x128xf32, #tpu.memory_space<vmem>>) dst(%dma_wait3A_650 : memref<1x128xf32, #tpu.memory_space<hbm>>)
      %dma_wait3A_654 = arith.constant 0 : i32
      %dma_wait3A_655 = tpu.memref_slice %arg6[%get3A_133, %dma_wait3A_654] : memref<100000x128xf32, #tpu.memory_space<hbm>> -> memref<1x128xf32, #tpu.memory_space<hbm>>
      %dma_wait3A_656 = arith.constant 2 : i32
      %dma_wait3A_657 = arith.constant 0 : i32
      %dma_wait3A_658 = tpu.memref_slice %arg2[%dma_wait3A_656, %dma_wait3A_657] : memref<16x128xf32, #tpu.memory_space<vmem>> -> memref<1x128xf32, #tpu.memory_space<vmem>>
      tpu.wait_dma2 semaphore(%arg7 : memref<!tpu.dma_semaphore, #tpu.memory_space<semaphore_mem>>) src(%dma_wait3A_658 : memref<1x128xf32, #tpu.memory_space<vmem>>) dst(%dma_wait3A_655 : memref<1x128xf32, #tpu.memory_space<hbm>>)
    } else {
    }
    %get3A_195 = arith.constant 3 : index
    %get3A_196 = memref.load %arg0[%get3A_195] : memref<16xi32, #tpu.memory_space<smem>>
    %get3A_197 = arith.constant 4 : index
    %get3A_198 = memref.load %arg0[%get3A_197] : memref<16xi32, #tpu.memory_space<smem>>
    %eq3A_199 = arith.cmpi eq, %get3A_198, %get3A_196 : i32
    %or3A_200 = arith.constant false
    %or3A_201 = arith.ori %or3A_200, %eq3A_199 : i1
    %get3A_202 = arith.constant 5 : index
    %get3A_203 = memref.load %arg0[%get3A_202] : memref<16xi32, #tpu.memory_space<smem>>
    %eq3A_204 = arith.cmpi eq, %get3A_203, %get3A_196 : i32
    %or3A_205 = arith.ori %or3A_201, %eq3A_204 : i1
    %get3A_206 = arith.constant 6 : index
    %get3A_207 = memref.load %arg0[%get3A_206] : memref<16xi32, #tpu.memory_space<smem>>
    %eq3A_208 = arith.cmpi eq, %get3A_207, %get3A_196 : i32
    %or3A_209 = arith.ori %or3A_205, %eq3A_208 : i1
    %get3A_210 = arith.constant 7 : index
    %get3A_211 = memref.load %arg0[%get3A_210] : memref<16xi32, #tpu.memory_space<smem>>
    %eq3A_212 = arith.cmpi eq, %get3A_211, %get3A_196 : i32
    %or3A_213 = arith.ori %or3A_209, %eq3A_212 : i1
    %get3A_214 = arith.constant 8 : index
    %get3A_215 = memref.load %arg0[%get3A_214] : memref<16xi32, #tpu.memory_space<smem>>
    %eq3A_216 = arith.cmpi eq, %get3A_215, %get3A_196 : i32
    %or3A_217 = arith.ori %or3A_213, %eq3A_216 : i1
    %get3A_218 = arith.constant 9 : index
    %get3A_219 = memref.load %arg0[%get3A_218] : memref<16xi32, #tpu.memory_space<smem>>
    %eq3A_220 = arith.cmpi eq, %get3A_219, %get3A_196 : i32
    %or3A_221 = arith.ori %or3A_217, %eq3A_220 : i1
    %get3A_222 = arith.constant 10 : index
    %get3A_223 = memref.load %arg0[%get3A_222] : memref<16xi32, #tpu.memory_space<smem>>
    %eq3A_224 = arith.cmpi eq, %get3A_223, %get3A_196 : i32
    %or3A_225 = arith.ori %or3A_221, %eq3A_224 : i1
    %get3A_226 = arith.constant 11 : index
    %get3A_227 = memref.load %arg0[%get3A_226] : memref<16xi32, #tpu.memory_space<smem>>
    %eq3A_228 = arith.cmpi eq, %get3A_227, %get3A_196 : i32
    %or3A_229 = arith.ori %or3A_225, %eq3A_228 : i1
    %get3A_230 = arith.constant 12 : index
    %get3A_231 = memref.load %arg0[%get3A_230] : memref<16xi32, #tpu.memory_space<smem>>
    %eq3A_232 = arith.cmpi eq, %get3A_231, %get3A_196 : i32
    %or3A_233 = arith.ori %or3A_229, %eq3A_232 : i1
    %get3A_234 = arith.constant 13 : index
    %get3A_235 = memref.load %arg0[%get3A_234] : memref<16xi32, #tpu.memory_space<smem>>
    %eq3A_236 = arith.cmpi eq, %get3A_235, %get3A_196 : i32
    %or3A_237 = arith.ori %or3A_233, %eq3A_236 : i1
    %get3A_238 = arith.constant 14 : index
    %get3A_239 = memref.load %arg0[%get3A_238] : memref<16xi32, #tpu.memory_space<smem>>
    %eq3A_240 = arith.cmpi eq, %get3A_239, %get3A_196 : i32
    %or3A_241 = arith.ori %or3A_237, %eq3A_240 : i1
    %get3A_242 = arith.constant 15 : index
    %get3A_243 = memref.load %arg0[%get3A_242] : memref<16xi32, #tpu.memory_space<smem>>
    %eq3A_244 = arith.cmpi eq, %get3A_243, %get3A_196 : i32
    %or3A_245 = arith.ori %or3A_241, %eq3A_244 : i1
    %not3A_246 = arith.constant true
    %not3A_247 = arith.xori %or3A_245, %not3A_246 : i1
    %convert_element_type3A_248 = arith.extui %not3A_247 : i1 to i32
    %cond3A_249 = arith.constant 0 : i32
    %cond3A_250 = arith.cmpi ne, %convert_element_type3A_248, %cond3A_249 : i32
    scf.if %cond3A_250 {
      %dma_start3A = arith.constant 0 : i32
      %dma_start3A_650 = tpu.memref_slice %arg5[%get3A_196, %dma_start3A] : memref<100000x128xf32, #tpu.memory_space<hbm>> -> memref<1x128xf32, #tpu.memory_space<hbm>>
      %dma_start3A_651 = arith.constant 3 : i32
      %dma_start3A_652 = arith.constant 0 : i32
      %dma_start3A_653 = tpu.memref_slice %arg1[%dma_start3A_651, %dma_start3A_652] : memref<16x128xf32, #tpu.memory_space<vmem>> -> memref<1x128xf32, #tpu.memory_space<vmem>>
      tpu.enqueue_dma source(%dma_start3A_653 : memref<1x128xf32, #tpu.memory_space<vmem>>) target(%dma_start3A_650 : memref<1x128xf32, #tpu.memory_space<hbm>>) target_semaphore(%arg7 : memref<!tpu.dma_semaphore, #tpu.memory_space<semaphore_mem>>)
      %dma_start3A_654 = arith.constant 0 : i32
      %dma_start3A_655 = tpu.memref_slice %arg6[%get3A_196, %dma_start3A_654] : memref<100000x128xf32, #tpu.memory_space<hbm>> -> memref<1x128xf32, #tpu.memory_space<hbm>>
      %dma_start3A_656 = arith.constant 3 : i32
      %dma_start3A_657 = arith.constant 0 : i32
      %dma_start3A_658 = tpu.memref_slice %arg2[%dma_start3A_656, %dma_start3A_657] : memref<16x128xf32, #tpu.memory_space<vmem>> -> memref<1x128xf32, #tpu.memory_space<vmem>>
      tpu.enqueue_dma source(%dma_start3A_658 : memref<1x128xf32, #tpu.memory_space<vmem>>) target(%dma_start3A_655 : memref<1x128xf32, #tpu.memory_space<hbm>>) target_semaphore(%arg7 : memref<!tpu.dma_semaphore, #tpu.memory_space<semaphore_mem>>)
    } else {
    }
    %convert_element_type3A_251 = arith.extui %not3A_247 : i1 to i32
    %cond3A_252 = arith.constant 0 : i32
    %cond3A_253 = arith.cmpi ne, %convert_element_type3A_251, %cond3A_252 : i32
    scf.if %cond3A_253 {
      %dma_wait3A = arith.constant 0 : i32
      %dma_wait3A_650 = tpu.memref_slice %arg5[%get3A_196, %dma_wait3A] : memref<100000x128xf32, #tpu.memory_space<hbm>> -> memref<1x128xf32, #tpu.memory_space<hbm>>
      %dma_wait3A_651 = arith.constant 3 : i32
      %dma_wait3A_652 = arith.constant 0 : i32
      %dma_wait3A_653 = tpu.memref_slice %arg1[%dma_wait3A_651, %dma_wait3A_652] : memref<16x128xf32, #tpu.memory_space<vmem>> -> memref<1x128xf32, #tpu.memory_space<vmem>>
      tpu.wait_dma2 semaphore(%arg7 : memref<!tpu.dma_semaphore, #tpu.memory_space<semaphore_mem>>) src(%dma_wait3A_653 : memref<1x128xf32, #tpu.memory_space<vmem>>) dst(%dma_wait3A_650 : memref<1x128xf32, #tpu.memory_space<hbm>>)
      %dma_wait3A_654 = arith.constant 0 : i32
      %dma_wait3A_655 = tpu.memref_slice %arg6[%get3A_196, %dma_wait3A_654] : memref<100000x128xf32, #tpu.memory_space<hbm>> -> memref<1x128xf32, #tpu.memory_space<hbm>>
      %dma_wait3A_656 = arith.constant 3 : i32
      %dma_wait3A_657 = arith.constant 0 : i32
      %dma_wait3A_658 = tpu.memref_slice %arg2[%dma_wait3A_656, %dma_wait3A_657] : memref<16x128xf32, #tpu.memory_space<vmem>> -> memref<1x128xf32, #tpu.memory_space<vmem>>
      tpu.wait_dma2 semaphore(%arg7 : memref<!tpu.dma_semaphore, #tpu.memory_space<semaphore_mem>>) src(%dma_wait3A_658 : memref<1x128xf32, #tpu.memory_space<vmem>>) dst(%dma_wait3A_655 : memref<1x128xf32, #tpu.memory_space<hbm>>)
    } else {
    }
    %get3A_254 = arith.constant 4 : index
    %get3A_255 = memref.load %arg0[%get3A_254] : memref<16xi32, #tpu.memory_space<smem>>
    %get3A_256 = arith.constant 5 : index
    %get3A_257 = memref.load %arg0[%get3A_256] : memref<16xi32, #tpu.memory_space<smem>>
    %eq3A_258 = arith.cmpi eq, %get3A_257, %get3A_255 : i32
    %or3A_259 = arith.constant false
    %or3A_260 = arith.ori %or3A_259, %eq3A_258 : i1
    %get3A_261 = arith.constant 6 : index
    %get3A_262 = memref.load %arg0[%get3A_261] : memref<16xi32, #tpu.memory_space<smem>>
    %eq3A_263 = arith.cmpi eq, %get3A_262, %get3A_255 : i32
    %or3A_264 = arith.ori %or3A_260, %eq3A_263 : i1
    %get3A_265 = arith.constant 7 : index
    %get3A_266 = memref.load %arg0[%get3A_265] : memref<16xi32, #tpu.memory_space<smem>>
    %eq3A_267 = arith.cmpi eq, %get3A_266, %get3A_255 : i32
    %or3A_268 = arith.ori %or3A_264, %eq3A_267 : i1
    %get3A_269 = arith.constant 8 : index
    %get3A_270 = memref.load %arg0[%get3A_269] : memref<16xi32, #tpu.memory_space<smem>>
    %eq3A_271 = arith.cmpi eq, %get3A_270, %get3A_255 : i32
    %or3A_272 = arith.ori %or3A_268, %eq3A_271 : i1
    %get3A_273 = arith.constant 9 : index
    %get3A_274 = memref.load %arg0[%get3A_273] : memref<16xi32, #tpu.memory_space<smem>>
    %eq3A_275 = arith.cmpi eq, %get3A_274, %get3A_255 : i32
    %or3A_276 = arith.ori %or3A_272, %eq3A_275 : i1
    %get3A_277 = arith.constant 10 : index
    %get3A_278 = memref.load %arg0[%get3A_277] : memref<16xi32, #tpu.memory_space<smem>>
    %eq3A_279 = arith.cmpi eq, %get3A_278, %get3A_255 : i32
    %or3A_280 = arith.ori %or3A_276, %eq3A_279 : i1
    %get3A_281 = arith.constant 11 : index
    %get3A_282 = memref.load %arg0[%get3A_281] : memref<16xi32, #tpu.memory_space<smem>>
    %eq3A_283 = arith.cmpi eq, %get3A_282, %get3A_255 : i32
    %or3A_284 = arith.ori %or3A_280, %eq3A_283 : i1
    %get3A_285 = arith.constant 12 : index
    %get3A_286 = memref.load %arg0[%get3A_285] : memref<16xi32, #tpu.memory_space<smem>>
    %eq3A_287 = arith.cmpi eq, %get3A_286, %get3A_255 : i32
    %or3A_288 = arith.ori %or3A_284, %eq3A_287 : i1
    %get3A_289 = arith.constant 13 : index
    %get3A_290 = memref.load %arg0[%get3A_289] : memref<16xi32, #tpu.memory_space<smem>>
    %eq3A_291 = arith.cmpi eq, %get3A_290, %get3A_255 : i32
    %or3A_292 = arith.ori %or3A_288, %eq3A_291 : i1
    %get3A_293 = arith.constant 14 : index
    %get3A_294 = memref.load %arg0[%get3A_293] : memref<16xi32, #tpu.memory_space<smem>>
    %eq3A_295 = arith.cmpi eq, %get3A_294, %get3A_255 : i32
    %or3A_296 = arith.ori %or3A_292, %eq3A_295 : i1
    %get3A_297 = arith.constant 15 : index
    %get3A_298 = memref.load %arg0[%get3A_297] : memref<16xi32, #tpu.memory_space<smem>>
    %eq3A_299 = arith.cmpi eq, %get3A_298, %get3A_255 : i32
    %or3A_300 = arith.ori %or3A_296, %eq3A_299 : i1
    %not3A_301 = arith.constant true
    %not3A_302 = arith.xori %or3A_300, %not3A_301 : i1
    %convert_element_type3A_303 = arith.extui %not3A_302 : i1 to i32
    %cond3A_304 = arith.constant 0 : i32
    %cond3A_305 = arith.cmpi ne, %convert_element_type3A_303, %cond3A_304 : i32
    scf.if %cond3A_305 {
      %dma_start3A = arith.constant 0 : i32
      %dma_start3A_650 = tpu.memref_slice %arg5[%get3A_255, %dma_start3A] : memref<100000x128xf32, #tpu.memory_space<hbm>> -> memref<1x128xf32, #tpu.memory_space<hbm>>
      %dma_start3A_651 = arith.constant 4 : i32
      %dma_start3A_652 = arith.constant 0 : i32
      %dma_start3A_653 = tpu.memref_slice %arg1[%dma_start3A_651, %dma_start3A_652] : memref<16x128xf32, #tpu.memory_space<vmem>> -> memref<1x128xf32, #tpu.memory_space<vmem>>
      tpu.enqueue_dma source(%dma_start3A_653 : memref<1x128xf32, #tpu.memory_space<vmem>>) target(%dma_start3A_650 : memref<1x128xf32, #tpu.memory_space<hbm>>) target_semaphore(%arg7 : memref<!tpu.dma_semaphore, #tpu.memory_space<semaphore_mem>>)
      %dma_start3A_654 = arith.constant 0 : i32
      %dma_start3A_655 = tpu.memref_slice %arg6[%get3A_255, %dma_start3A_654] : memref<100000x128xf32, #tpu.memory_space<hbm>> -> memref<1x128xf32, #tpu.memory_space<hbm>>
      %dma_start3A_656 = arith.constant 4 : i32
      %dma_start3A_657 = arith.constant 0 : i32
      %dma_start3A_658 = tpu.memref_slice %arg2[%dma_start3A_656, %dma_start3A_657] : memref<16x128xf32, #tpu.memory_space<vmem>> -> memref<1x128xf32, #tpu.memory_space<vmem>>
      tpu.enqueue_dma source(%dma_start3A_658 : memref<1x128xf32, #tpu.memory_space<vmem>>) target(%dma_start3A_655 : memref<1x128xf32, #tpu.memory_space<hbm>>) target_semaphore(%arg7 : memref<!tpu.dma_semaphore, #tpu.memory_space<semaphore_mem>>)
    } else {
    }
    %convert_element_type3A_306 = arith.extui %not3A_302 : i1 to i32
    %cond3A_307 = arith.constant 0 : i32
    %cond3A_308 = arith.cmpi ne, %convert_element_type3A_306, %cond3A_307 : i32
    scf.if %cond3A_308 {
      %dma_wait3A = arith.constant 0 : i32
      %dma_wait3A_650 = tpu.memref_slice %arg5[%get3A_255, %dma_wait3A] : memref<100000x128xf32, #tpu.memory_space<hbm>> -> memref<1x128xf32, #tpu.memory_space<hbm>>
      %dma_wait3A_651 = arith.constant 4 : i32
      %dma_wait3A_652 = arith.constant 0 : i32
      %dma_wait3A_653 = tpu.memref_slice %arg1[%dma_wait3A_651, %dma_wait3A_652] : memref<16x128xf32, #tpu.memory_space<vmem>> -> memref<1x128xf32, #tpu.memory_space<vmem>>
      tpu.wait_dma2 semaphore(%arg7 : memref<!tpu.dma_semaphore, #tpu.memory_space<semaphore_mem>>) src(%dma_wait3A_653 : memref<1x128xf32, #tpu.memory_space<vmem>>) dst(%dma_wait3A_650 : memref<1x128xf32, #tpu.memory_space<hbm>>)
      %dma_wait3A_654 = arith.constant 0 : i32
      %dma_wait3A_655 = tpu.memref_slice %arg6[%get3A_255, %dma_wait3A_654] : memref<100000x128xf32, #tpu.memory_space<hbm>> -> memref<1x128xf32, #tpu.memory_space<hbm>>
      %dma_wait3A_656 = arith.constant 4 : i32
      %dma_wait3A_657 = arith.constant 0 : i32
      %dma_wait3A_658 = tpu.memref_slice %arg2[%dma_wait3A_656, %dma_wait3A_657] : memref<16x128xf32, #tpu.memory_space<vmem>> -> memref<1x128xf32, #tpu.memory_space<vmem>>
      tpu.wait_dma2 semaphore(%arg7 : memref<!tpu.dma_semaphore, #tpu.memory_space<semaphore_mem>>) src(%dma_wait3A_658 : memref<1x128xf32, #tpu.memory_space<vmem>>) dst(%dma_wait3A_655 : memref<1x128xf32, #tpu.memory_space<hbm>>)
    } else {
    }
    %get3A_309 = arith.constant 5 : index
    %get3A_310 = memref.load %arg0[%get3A_309] : memref<16xi32, #tpu.memory_space<smem>>
    %get3A_311 = arith.constant 6 : index
    %get3A_312 = memref.load %arg0[%get3A_311] : memref<16xi32, #tpu.memory_space<smem>>
    %eq3A_313 = arith.cmpi eq, %get3A_312, %get3A_310 : i32
    %or3A_314 = arith.constant false
    %or3A_315 = arith.ori %or3A_314, %eq3A_313 : i1
    %get3A_316 = arith.constant 7 : index
    %get3A_317 = memref.load %arg0[%get3A_316] : memref<16xi32, #tpu.memory_space<smem>>
    %eq3A_318 = arith.cmpi eq, %get3A_317, %get3A_310 : i32
    %or3A_319 = arith.ori %or3A_315, %eq3A_318 : i1
    %get3A_320 = arith.constant 8 : index
    %get3A_321 = memref.load %arg0[%get3A_320] : memref<16xi32, #tpu.memory_space<smem>>
    %eq3A_322 = arith.cmpi eq, %get3A_321, %get3A_310 : i32
    %or3A_323 = arith.ori %or3A_319, %eq3A_322 : i1
    %get3A_324 = arith.constant 9 : index
    %get3A_325 = memref.load %arg0[%get3A_324] : memref<16xi32, #tpu.memory_space<smem>>
    %eq3A_326 = arith.cmpi eq, %get3A_325, %get3A_310 : i32
    %or3A_327 = arith.ori %or3A_323, %eq3A_326 : i1
    %get3A_328 = arith.constant 10 : index
    %get3A_329 = memref.load %arg0[%get3A_328] : memref<16xi32, #tpu.memory_space<smem>>
    %eq3A_330 = arith.cmpi eq, %get3A_329, %get3A_310 : i32
    %or3A_331 = arith.ori %or3A_327, %eq3A_330 : i1
    %get3A_332 = arith.constant 11 : index
    %get3A_333 = memref.load %arg0[%get3A_332] : memref<16xi32, #tpu.memory_space<smem>>
    %eq3A_334 = arith.cmpi eq, %get3A_333, %get3A_310 : i32
    %or3A_335 = arith.ori %or3A_331, %eq3A_334 : i1
    %get3A_336 = arith.constant 12 : index
    %get3A_337 = memref.load %arg0[%get3A_336] : memref<16xi32, #tpu.memory_space<smem>>
    %eq3A_338 = arith.cmpi eq, %get3A_337, %get3A_310 : i32
    %or3A_339 = arith.ori %or3A_335, %eq3A_338 : i1
    %get3A_340 = arith.constant 13 : index
    %get3A_341 = memref.load %arg0[%get3A_340] : memref<16xi32, #tpu.memory_space<smem>>
    %eq3A_342 = arith.cmpi eq, %get3A_341, %get3A_310 : i32
    %or3A_343 = arith.ori %or3A_339, %eq3A_342 : i1
    %get3A_344 = arith.constant 14 : index
    %get3A_345 = memref.load %arg0[%get3A_344] : memref<16xi32, #tpu.memory_space<smem>>
    %eq3A_346 = arith.cmpi eq, %get3A_345, %get3A_310 : i32
    %or3A_347 = arith.ori %or3A_343, %eq3A_346 : i1
    %get3A_348 = arith.constant 15 : index
    %get3A_349 = memref.load %arg0[%get3A_348] : memref<16xi32, #tpu.memory_space<smem>>
    %eq3A_350 = arith.cmpi eq, %get3A_349, %get3A_310 : i32
    %or3A_351 = arith.ori %or3A_347, %eq3A_350 : i1
    %not3A_352 = arith.constant true
    %not3A_353 = arith.xori %or3A_351, %not3A_352 : i1
    %convert_element_type3A_354 = arith.extui %not3A_353 : i1 to i32
    %cond3A_355 = arith.constant 0 : i32
    %cond3A_356 = arith.cmpi ne, %convert_element_type3A_354, %cond3A_355 : i32
    scf.if %cond3A_356 {
      %dma_start3A = arith.constant 0 : i32
      %dma_start3A_650 = tpu.memref_slice %arg5[%get3A_310, %dma_start3A] : memref<100000x128xf32, #tpu.memory_space<hbm>> -> memref<1x128xf32, #tpu.memory_space<hbm>>
      %dma_start3A_651 = arith.constant 5 : i32
      %dma_start3A_652 = arith.constant 0 : i32
      %dma_start3A_653 = tpu.memref_slice %arg1[%dma_start3A_651, %dma_start3A_652] : memref<16x128xf32, #tpu.memory_space<vmem>> -> memref<1x128xf32, #tpu.memory_space<vmem>>
      tpu.enqueue_dma source(%dma_start3A_653 : memref<1x128xf32, #tpu.memory_space<vmem>>) target(%dma_start3A_650 : memref<1x128xf32, #tpu.memory_space<hbm>>) target_semaphore(%arg7 : memref<!tpu.dma_semaphore, #tpu.memory_space<semaphore_mem>>)
      %dma_start3A_654 = arith.constant 0 : i32
      %dma_start3A_655 = tpu.memref_slice %arg6[%get3A_310, %dma_start3A_654] : memref<100000x128xf32, #tpu.memory_space<hbm>> -> memref<1x128xf32, #tpu.memory_space<hbm>>
      %dma_start3A_656 = arith.constant 5 : i32
      %dma_start3A_657 = arith.constant 0 : i32
      %dma_start3A_658 = tpu.memref_slice %arg2[%dma_start3A_656, %dma_start3A_657] : memref<16x128xf32, #tpu.memory_space<vmem>> -> memref<1x128xf32, #tpu.memory_space<vmem>>
      tpu.enqueue_dma source(%dma_start3A_658 : memref<1x128xf32, #tpu.memory_space<vmem>>) target(%dma_start3A_655 : memref<1x128xf32, #tpu.memory_space<hbm>>) target_semaphore(%arg7 : memref<!tpu.dma_semaphore, #tpu.memory_space<semaphore_mem>>)
    } else {
    }
    %convert_element_type3A_357 = arith.extui %not3A_353 : i1 to i32
    %cond3A_358 = arith.constant 0 : i32
    %cond3A_359 = arith.cmpi ne, %convert_element_type3A_357, %cond3A_358 : i32
    scf.if %cond3A_359 {
      %dma_wait3A = arith.constant 0 : i32
      %dma_wait3A_650 = tpu.memref_slice %arg5[%get3A_310, %dma_wait3A] : memref<100000x128xf32, #tpu.memory_space<hbm>> -> memref<1x128xf32, #tpu.memory_space<hbm>>
      %dma_wait3A_651 = arith.constant 5 : i32
      %dma_wait3A_652 = arith.constant 0 : i32
      %dma_wait3A_653 = tpu.memref_slice %arg1[%dma_wait3A_651, %dma_wait3A_652] : memref<16x128xf32, #tpu.memory_space<vmem>> -> memref<1x128xf32, #tpu.memory_space<vmem>>
      tpu.wait_dma2 semaphore(%arg7 : memref<!tpu.dma_semaphore, #tpu.memory_space<semaphore_mem>>) src(%dma_wait3A_653 : memref<1x128xf32, #tpu.memory_space<vmem>>) dst(%dma_wait3A_650 : memref<1x128xf32, #tpu.memory_space<hbm>>)
      %dma_wait3A_654 = arith.constant 0 : i32
      %dma_wait3A_655 = tpu.memref_slice %arg6[%get3A_310, %dma_wait3A_654] : memref<100000x128xf32, #tpu.memory_space<hbm>> -> memref<1x128xf32, #tpu.memory_space<hbm>>
      %dma_wait3A_656 = arith.constant 5 : i32
      %dma_wait3A_657 = arith.constant 0 : i32
      %dma_wait3A_658 = tpu.memref_slice %arg2[%dma_wait3A_656, %dma_wait3A_657] : memref<16x128xf32, #tpu.memory_space<vmem>> -> memref<1x128xf32, #tpu.memory_space<vmem>>
      tpu.wait_dma2 semaphore(%arg7 : memref<!tpu.dma_semaphore, #tpu.memory_space<semaphore_mem>>) src(%dma_wait3A_658 : memref<1x128xf32, #tpu.memory_space<vmem>>) dst(%dma_wait3A_655 : memref<1x128xf32, #tpu.memory_space<hbm>>)
    } else {
    }
    %get3A_360 = arith.constant 6 : index
    %get3A_361 = memref.load %arg0[%get3A_360] : memref<16xi32, #tpu.memory_space<smem>>
    %get3A_362 = arith.constant 7 : index
    %get3A_363 = memref.load %arg0[%get3A_362] : memref<16xi32, #tpu.memory_space<smem>>
    %eq3A_364 = arith.cmpi eq, %get3A_363, %get3A_361 : i32
    %or3A_365 = arith.constant false
    %or3A_366 = arith.ori %or3A_365, %eq3A_364 : i1
    %get3A_367 = arith.constant 8 : index
    %get3A_368 = memref.load %arg0[%get3A_367] : memref<16xi32, #tpu.memory_space<smem>>
    %eq3A_369 = arith.cmpi eq, %get3A_368, %get3A_361 : i32
    %or3A_370 = arith.ori %or3A_366, %eq3A_369 : i1
    %get3A_371 = arith.constant 9 : index
    %get3A_372 = memref.load %arg0[%get3A_371] : memref<16xi32, #tpu.memory_space<smem>>
    %eq3A_373 = arith.cmpi eq, %get3A_372, %get3A_361 : i32
    %or3A_374 = arith.ori %or3A_370, %eq3A_373 : i1
    %get3A_375 = arith.constant 10 : index
    %get3A_376 = memref.load %arg0[%get3A_375] : memref<16xi32, #tpu.memory_space<smem>>
    %eq3A_377 = arith.cmpi eq, %get3A_376, %get3A_361 : i32
    %or3A_378 = arith.ori %or3A_374, %eq3A_377 : i1
    %get3A_379 = arith.constant 11 : index
    %get3A_380 = memref.load %arg0[%get3A_379] : memref<16xi32, #tpu.memory_space<smem>>
    %eq3A_381 = arith.cmpi eq, %get3A_380, %get3A_361 : i32
    %or3A_382 = arith.ori %or3A_378, %eq3A_381 : i1
    %get3A_383 = arith.constant 12 : index
    %get3A_384 = memref.load %arg0[%get3A_383] : memref<16xi32, #tpu.memory_space<smem>>
    %eq3A_385 = arith.cmpi eq, %get3A_384, %get3A_361 : i32
    %or3A_386 = arith.ori %or3A_382, %eq3A_385 : i1
    %get3A_387 = arith.constant 13 : index
    %get3A_388 = memref.load %arg0[%get3A_387] : memref<16xi32, #tpu.memory_space<smem>>
    %eq3A_389 = arith.cmpi eq, %get3A_388, %get3A_361 : i32
    %or3A_390 = arith.ori %or3A_386, %eq3A_389 : i1
    %get3A_391 = arith.constant 14 : index
    %get3A_392 = memref.load %arg0[%get3A_391] : memref<16xi32, #tpu.memory_space<smem>>
    %eq3A_393 = arith.cmpi eq, %get3A_392, %get3A_361 : i32
    %or3A_394 = arith.ori %or3A_390, %eq3A_393 : i1
    %get3A_395 = arith.constant 15 : index
    %get3A_396 = memref.load %arg0[%get3A_395] : memref<16xi32, #tpu.memory_space<smem>>
    %eq3A_397 = arith.cmpi eq, %get3A_396, %get3A_361 : i32
    %or3A_398 = arith.ori %or3A_394, %eq3A_397 : i1
    %not3A_399 = arith.constant true
    %not3A_400 = arith.xori %or3A_398, %not3A_399 : i1
    %convert_element_type3A_401 = arith.extui %not3A_400 : i1 to i32
    %cond3A_402 = arith.constant 0 : i32
    %cond3A_403 = arith.cmpi ne, %convert_element_type3A_401, %cond3A_402 : i32
    scf.if %cond3A_403 {
      %dma_start3A = arith.constant 0 : i32
      %dma_start3A_650 = tpu.memref_slice %arg5[%get3A_361, %dma_start3A] : memref<100000x128xf32, #tpu.memory_space<hbm>> -> memref<1x128xf32, #tpu.memory_space<hbm>>
      %dma_start3A_651 = arith.constant 6 : i32
      %dma_start3A_652 = arith.constant 0 : i32
      %dma_start3A_653 = tpu.memref_slice %arg1[%dma_start3A_651, %dma_start3A_652] : memref<16x128xf32, #tpu.memory_space<vmem>> -> memref<1x128xf32, #tpu.memory_space<vmem>>
      tpu.enqueue_dma source(%dma_start3A_653 : memref<1x128xf32, #tpu.memory_space<vmem>>) target(%dma_start3A_650 : memref<1x128xf32, #tpu.memory_space<hbm>>) target_semaphore(%arg7 : memref<!tpu.dma_semaphore, #tpu.memory_space<semaphore_mem>>)
      %dma_start3A_654 = arith.constant 0 : i32
      %dma_start3A_655 = tpu.memref_slice %arg6[%get3A_361, %dma_start3A_654] : memref<100000x128xf32, #tpu.memory_space<hbm>> -> memref<1x128xf32, #tpu.memory_space<hbm>>
      %dma_start3A_656 = arith.constant 6 : i32
      %dma_start3A_657 = arith.constant 0 : i32
      %dma_start3A_658 = tpu.memref_slice %arg2[%dma_start3A_656, %dma_start3A_657] : memref<16x128xf32, #tpu.memory_space<vmem>> -> memref<1x128xf32, #tpu.memory_space<vmem>>
      tpu.enqueue_dma source(%dma_start3A_658 : memref<1x128xf32, #tpu.memory_space<vmem>>) target(%dma_start3A_655 : memref<1x128xf32, #tpu.memory_space<hbm>>) target_semaphore(%arg7 : memref<!tpu.dma_semaphore, #tpu.memory_space<semaphore_mem>>)
    } else {
    }
    %convert_element_type3A_404 = arith.extui %not3A_400 : i1 to i32
    %cond3A_405 = arith.constant 0 : i32
    %cond3A_406 = arith.cmpi ne, %convert_element_type3A_404, %cond3A_405 : i32
    scf.if %cond3A_406 {
      %dma_wait3A = arith.constant 0 : i32
      %dma_wait3A_650 = tpu.memref_slice %arg5[%get3A_361, %dma_wait3A] : memref<100000x128xf32, #tpu.memory_space<hbm>> -> memref<1x128xf32, #tpu.memory_space<hbm>>
      %dma_wait3A_651 = arith.constant 6 : i32
      %dma_wait3A_652 = arith.constant 0 : i32
      %dma_wait3A_653 = tpu.memref_slice %arg1[%dma_wait3A_651, %dma_wait3A_652] : memref<16x128xf32, #tpu.memory_space<vmem>> -> memref<1x128xf32, #tpu.memory_space<vmem>>
      tpu.wait_dma2 semaphore(%arg7 : memref<!tpu.dma_semaphore, #tpu.memory_space<semaphore_mem>>) src(%dma_wait3A_653 : memref<1x128xf32, #tpu.memory_space<vmem>>) dst(%dma_wait3A_650 : memref<1x128xf32, #tpu.memory_space<hbm>>)
      %dma_wait3A_654 = arith.constant 0 : i32
      %dma_wait3A_655 = tpu.memref_slice %arg6[%get3A_361, %dma_wait3A_654] : memref<100000x128xf32, #tpu.memory_space<hbm>> -> memref<1x128xf32, #tpu.memory_space<hbm>>
      %dma_wait3A_656 = arith.constant 6 : i32
      %dma_wait3A_657 = arith.constant 0 : i32
      %dma_wait3A_658 = tpu.memref_slice %arg2[%dma_wait3A_656, %dma_wait3A_657] : memref<16x128xf32, #tpu.memory_space<vmem>> -> memref<1x128xf32, #tpu.memory_space<vmem>>
      tpu.wait_dma2 semaphore(%arg7 : memref<!tpu.dma_semaphore, #tpu.memory_space<semaphore_mem>>) src(%dma_wait3A_658 : memref<1x128xf32, #tpu.memory_space<vmem>>) dst(%dma_wait3A_655 : memref<1x128xf32, #tpu.memory_space<hbm>>)
    } else {
    }
    %get3A_407 = arith.constant 7 : index
    %get3A_408 = memref.load %arg0[%get3A_407] : memref<16xi32, #tpu.memory_space<smem>>
    %get3A_409 = arith.constant 8 : index
    %get3A_410 = memref.load %arg0[%get3A_409] : memref<16xi32, #tpu.memory_space<smem>>
    %eq3A_411 = arith.cmpi eq, %get3A_410, %get3A_408 : i32
    %or3A_412 = arith.constant false
    %or3A_413 = arith.ori %or3A_412, %eq3A_411 : i1
    %get3A_414 = arith.constant 9 : index
    %get3A_415 = memref.load %arg0[%get3A_414] : memref<16xi32, #tpu.memory_space<smem>>
    %eq3A_416 = arith.cmpi eq, %get3A_415, %get3A_408 : i32
    %or3A_417 = arith.ori %or3A_413, %eq3A_416 : i1
    %get3A_418 = arith.constant 10 : index
    %get3A_419 = memref.load %arg0[%get3A_418] : memref<16xi32, #tpu.memory_space<smem>>
    %eq3A_420 = arith.cmpi eq, %get3A_419, %get3A_408 : i32
    %or3A_421 = arith.ori %or3A_417, %eq3A_420 : i1
    %get3A_422 = arith.constant 11 : index
    %get3A_423 = memref.load %arg0[%get3A_422] : memref<16xi32, #tpu.memory_space<smem>>
    %eq3A_424 = arith.cmpi eq, %get3A_423, %get3A_408 : i32
    %or3A_425 = arith.ori %or3A_421, %eq3A_424 : i1
    %get3A_426 = arith.constant 12 : index
    %get3A_427 = memref.load %arg0[%get3A_426] : memref<16xi32, #tpu.memory_space<smem>>
    %eq3A_428 = arith.cmpi eq, %get3A_427, %get3A_408 : i32
    %or3A_429 = arith.ori %or3A_425, %eq3A_428 : i1
    %get3A_430 = arith.constant 13 : index
    %get3A_431 = memref.load %arg0[%get3A_430] : memref<16xi32, #tpu.memory_space<smem>>
    %eq3A_432 = arith.cmpi eq, %get3A_431, %get3A_408 : i32
    %or3A_433 = arith.ori %or3A_429, %eq3A_432 : i1
    %get3A_434 = arith.constant 14 : index
    %get3A_435 = memref.load %arg0[%get3A_434] : memref<16xi32, #tpu.memory_space<smem>>
    %eq3A_436 = arith.cmpi eq, %get3A_435, %get3A_408 : i32
    %or3A_437 = arith.ori %or3A_433, %eq3A_436 : i1
    %get3A_438 = arith.constant 15 : index
    %get3A_439 = memref.load %arg0[%get3A_438] : memref<16xi32, #tpu.memory_space<smem>>
    %eq3A_440 = arith.cmpi eq, %get3A_439, %get3A_408 : i32
    %or3A_441 = arith.ori %or3A_437, %eq3A_440 : i1
    %not3A_442 = arith.constant true
    %not3A_443 = arith.xori %or3A_441, %not3A_442 : i1
    %convert_element_type3A_444 = arith.extui %not3A_443 : i1 to i32
    %cond3A_445 = arith.constant 0 : i32
    %cond3A_446 = arith.cmpi ne, %convert_element_type3A_444, %cond3A_445 : i32
    scf.if %cond3A_446 {
      %dma_start3A = arith.constant 0 : i32
      %dma_start3A_650 = tpu.memref_slice %arg5[%get3A_408, %dma_start3A] : memref<100000x128xf32, #tpu.memory_space<hbm>> -> memref<1x128xf32, #tpu.memory_space<hbm>>
      %dma_start3A_651 = arith.constant 7 : i32
      %dma_start3A_652 = arith.constant 0 : i32
      %dma_start3A_653 = tpu.memref_slice %arg1[%dma_start3A_651, %dma_start3A_652] : memref<16x128xf32, #tpu.memory_space<vmem>> -> memref<1x128xf32, #tpu.memory_space<vmem>>
      tpu.enqueue_dma source(%dma_start3A_653 : memref<1x128xf32, #tpu.memory_space<vmem>>) target(%dma_start3A_650 : memref<1x128xf32, #tpu.memory_space<hbm>>) target_semaphore(%arg7 : memref<!tpu.dma_semaphore, #tpu.memory_space<semaphore_mem>>)
      %dma_start3A_654 = arith.constant 0 : i32
      %dma_start3A_655 = tpu.memref_slice %arg6[%get3A_408, %dma_start3A_654] : memref<100000x128xf32, #tpu.memory_space<hbm>> -> memref<1x128xf32, #tpu.memory_space<hbm>>
      %dma_start3A_656 = arith.constant 7 : i32
      %dma_start3A_657 = arith.constant 0 : i32
      %dma_start3A_658 = tpu.memref_slice %arg2[%dma_start3A_656, %dma_start3A_657] : memref<16x128xf32, #tpu.memory_space<vmem>> -> memref<1x128xf32, #tpu.memory_space<vmem>>
      tpu.enqueue_dma source(%dma_start3A_658 : memref<1x128xf32, #tpu.memory_space<vmem>>) target(%dma_start3A_655 : memref<1x128xf32, #tpu.memory_space<hbm>>) target_semaphore(%arg7 : memref<!tpu.dma_semaphore, #tpu.memory_space<semaphore_mem>>)
    } else {
    }
    %convert_element_type3A_447 = arith.extui %not3A_443 : i1 to i32
    %cond3A_448 = arith.constant 0 : i32
    %cond3A_449 = arith.cmpi ne, %convert_element_type3A_447, %cond3A_448 : i32
    scf.if %cond3A_449 {
      %dma_wait3A = arith.constant 0 : i32
      %dma_wait3A_650 = tpu.memref_slice %arg5[%get3A_408, %dma_wait3A] : memref<100000x128xf32, #tpu.memory_space<hbm>> -> memref<1x128xf32, #tpu.memory_space<hbm>>
      %dma_wait3A_651 = arith.constant 7 : i32
      %dma_wait3A_652 = arith.constant 0 : i32
      %dma_wait3A_653 = tpu.memref_slice %arg1[%dma_wait3A_651, %dma_wait3A_652] : memref<16x128xf32, #tpu.memory_space<vmem>> -> memref<1x128xf32, #tpu.memory_space<vmem>>
      tpu.wait_dma2 semaphore(%arg7 : memref<!tpu.dma_semaphore, #tpu.memory_space<semaphore_mem>>) src(%dma_wait3A_653 : memref<1x128xf32, #tpu.memory_space<vmem>>) dst(%dma_wait3A_650 : memref<1x128xf32, #tpu.memory_space<hbm>>)
      %dma_wait3A_654 = arith.constant 0 : i32
      %dma_wait3A_655 = tpu.memref_slice %arg6[%get3A_408, %dma_wait3A_654] : memref<100000x128xf32, #tpu.memory_space<hbm>> -> memref<1x128xf32, #tpu.memory_space<hbm>>
      %dma_wait3A_656 = arith.constant 7 : i32
      %dma_wait3A_657 = arith.constant 0 : i32
      %dma_wait3A_658 = tpu.memref_slice %arg2[%dma_wait3A_656, %dma_wait3A_657] : memref<16x128xf32, #tpu.memory_space<vmem>> -> memref<1x128xf32, #tpu.memory_space<vmem>>
      tpu.wait_dma2 semaphore(%arg7 : memref<!tpu.dma_semaphore, #tpu.memory_space<semaphore_mem>>) src(%dma_wait3A_658 : memref<1x128xf32, #tpu.memory_space<vmem>>) dst(%dma_wait3A_655 : memref<1x128xf32, #tpu.memory_space<hbm>>)
    } else {
    }
    %get3A_450 = arith.constant 8 : index
    %get3A_451 = memref.load %arg0[%get3A_450] : memref<16xi32, #tpu.memory_space<smem>>
    %get3A_452 = arith.constant 9 : index
    %get3A_453 = memref.load %arg0[%get3A_452] : memref<16xi32, #tpu.memory_space<smem>>
    %eq3A_454 = arith.cmpi eq, %get3A_453, %get3A_451 : i32
    %or3A_455 = arith.constant false
    %or3A_456 = arith.ori %or3A_455, %eq3A_454 : i1
    %get3A_457 = arith.constant 10 : index
    %get3A_458 = memref.load %arg0[%get3A_457] : memref<16xi32, #tpu.memory_space<smem>>
    %eq3A_459 = arith.cmpi eq, %get3A_458, %get3A_451 : i32
    %or3A_460 = arith.ori %or3A_456, %eq3A_459 : i1
    %get3A_461 = arith.constant 11 : index
    %get3A_462 = memref.load %arg0[%get3A_461] : memref<16xi32, #tpu.memory_space<smem>>
    %eq3A_463 = arith.cmpi eq, %get3A_462, %get3A_451 : i32
    %or3A_464 = arith.ori %or3A_460, %eq3A_463 : i1
    %get3A_465 = arith.constant 12 : index
    %get3A_466 = memref.load %arg0[%get3A_465] : memref<16xi32, #tpu.memory_space<smem>>
    %eq3A_467 = arith.cmpi eq, %get3A_466, %get3A_451 : i32
    %or3A_468 = arith.ori %or3A_464, %eq3A_467 : i1
    %get3A_469 = arith.constant 13 : index
    %get3A_470 = memref.load %arg0[%get3A_469] : memref<16xi32, #tpu.memory_space<smem>>
    %eq3A_471 = arith.cmpi eq, %get3A_470, %get3A_451 : i32
    %or3A_472 = arith.ori %or3A_468, %eq3A_471 : i1
    %get3A_473 = arith.constant 14 : index
    %get3A_474 = memref.load %arg0[%get3A_473] : memref<16xi32, #tpu.memory_space<smem>>
    %eq3A_475 = arith.cmpi eq, %get3A_474, %get3A_451 : i32
    %or3A_476 = arith.ori %or3A_472, %eq3A_475 : i1
    %get3A_477 = arith.constant 15 : index
    %get3A_478 = memref.load %arg0[%get3A_477] : memref<16xi32, #tpu.memory_space<smem>>
    %eq3A_479 = arith.cmpi eq, %get3A_478, %get3A_451 : i32
    %or3A_480 = arith.ori %or3A_476, %eq3A_479 : i1
    %not3A_481 = arith.constant true
    %not3A_482 = arith.xori %or3A_480, %not3A_481 : i1
    %convert_element_type3A_483 = arith.extui %not3A_482 : i1 to i32
    %cond3A_484 = arith.constant 0 : i32
    %cond3A_485 = arith.cmpi ne, %convert_element_type3A_483, %cond3A_484 : i32
    scf.if %cond3A_485 {
      %dma_start3A = arith.constant 0 : i32
      %dma_start3A_650 = tpu.memref_slice %arg5[%get3A_451, %dma_start3A] : memref<100000x128xf32, #tpu.memory_space<hbm>> -> memref<1x128xf32, #tpu.memory_space<hbm>>
      %dma_start3A_651 = arith.constant 8 : i32
      %dma_start3A_652 = arith.constant 0 : i32
      %dma_start3A_653 = tpu.memref_slice %arg1[%dma_start3A_651, %dma_start3A_652] : memref<16x128xf32, #tpu.memory_space<vmem>> -> memref<1x128xf32, #tpu.memory_space<vmem>>
      tpu.enqueue_dma source(%dma_start3A_653 : memref<1x128xf32, #tpu.memory_space<vmem>>) target(%dma_start3A_650 : memref<1x128xf32, #tpu.memory_space<hbm>>) target_semaphore(%arg7 : memref<!tpu.dma_semaphore, #tpu.memory_space<semaphore_mem>>)
      %dma_start3A_654 = arith.constant 0 : i32
      %dma_start3A_655 = tpu.memref_slice %arg6[%get3A_451, %dma_start3A_654] : memref<100000x128xf32, #tpu.memory_space<hbm>> -> memref<1x128xf32, #tpu.memory_space<hbm>>
      %dma_start3A_656 = arith.constant 8 : i32
      %dma_start3A_657 = arith.constant 0 : i32
      %dma_start3A_658 = tpu.memref_slice %arg2[%dma_start3A_656, %dma_start3A_657] : memref<16x128xf32, #tpu.memory_space<vmem>> -> memref<1x128xf32, #tpu.memory_space<vmem>>
      tpu.enqueue_dma source(%dma_start3A_658 : memref<1x128xf32, #tpu.memory_space<vmem>>) target(%dma_start3A_655 : memref<1x128xf32, #tpu.memory_space<hbm>>) target_semaphore(%arg7 : memref<!tpu.dma_semaphore, #tpu.memory_space<semaphore_mem>>)
    } else {
    }
    %convert_element_type3A_486 = arith.extui %not3A_482 : i1 to i32
    %cond3A_487 = arith.constant 0 : i32
    %cond3A_488 = arith.cmpi ne, %convert_element_type3A_486, %cond3A_487 : i32
    scf.if %cond3A_488 {
      %dma_wait3A = arith.constant 0 : i32
      %dma_wait3A_650 = tpu.memref_slice %arg5[%get3A_451, %dma_wait3A] : memref<100000x128xf32, #tpu.memory_space<hbm>> -> memref<1x128xf32, #tpu.memory_space<hbm>>
      %dma_wait3A_651 = arith.constant 8 : i32
      %dma_wait3A_652 = arith.constant 0 : i32
      %dma_wait3A_653 = tpu.memref_slice %arg1[%dma_wait3A_651, %dma_wait3A_652] : memref<16x128xf32, #tpu.memory_space<vmem>> -> memref<1x128xf32, #tpu.memory_space<vmem>>
      tpu.wait_dma2 semaphore(%arg7 : memref<!tpu.dma_semaphore, #tpu.memory_space<semaphore_mem>>) src(%dma_wait3A_653 : memref<1x128xf32, #tpu.memory_space<vmem>>) dst(%dma_wait3A_650 : memref<1x128xf32, #tpu.memory_space<hbm>>)
      %dma_wait3A_654 = arith.constant 0 : i32
      %dma_wait3A_655 = tpu.memref_slice %arg6[%get3A_451, %dma_wait3A_654] : memref<100000x128xf32, #tpu.memory_space<hbm>> -> memref<1x128xf32, #tpu.memory_space<hbm>>
      %dma_wait3A_656 = arith.constant 8 : i32
      %dma_wait3A_657 = arith.constant 0 : i32
      %dma_wait3A_658 = tpu.memref_slice %arg2[%dma_wait3A_656, %dma_wait3A_657] : memref<16x128xf32, #tpu.memory_space<vmem>> -> memref<1x128xf32, #tpu.memory_space<vmem>>
      tpu.wait_dma2 semaphore(%arg7 : memref<!tpu.dma_semaphore, #tpu.memory_space<semaphore_mem>>) src(%dma_wait3A_658 : memref<1x128xf32, #tpu.memory_space<vmem>>) dst(%dma_wait3A_655 : memref<1x128xf32, #tpu.memory_space<hbm>>)
    } else {
    }
    %get3A_489 = arith.constant 9 : index
    %get3A_490 = memref.load %arg0[%get3A_489] : memref<16xi32, #tpu.memory_space<smem>>
    %get3A_491 = arith.constant 10 : index
    %get3A_492 = memref.load %arg0[%get3A_491] : memref<16xi32, #tpu.memory_space<smem>>
    %eq3A_493 = arith.cmpi eq, %get3A_492, %get3A_490 : i32
    %or3A_494 = arith.constant false
    %or3A_495 = arith.ori %or3A_494, %eq3A_493 : i1
    %get3A_496 = arith.constant 11 : index
    %get3A_497 = memref.load %arg0[%get3A_496] : memref<16xi32, #tpu.memory_space<smem>>
    %eq3A_498 = arith.cmpi eq, %get3A_497, %get3A_490 : i32
    %or3A_499 = arith.ori %or3A_495, %eq3A_498 : i1
    %get3A_500 = arith.constant 12 : index
    %get3A_501 = memref.load %arg0[%get3A_500] : memref<16xi32, #tpu.memory_space<smem>>
    %eq3A_502 = arith.cmpi eq, %get3A_501, %get3A_490 : i32
    %or3A_503 = arith.ori %or3A_499, %eq3A_502 : i1
    %get3A_504 = arith.constant 13 : index
    %get3A_505 = memref.load %arg0[%get3A_504] : memref<16xi32, #tpu.memory_space<smem>>
    %eq3A_506 = arith.cmpi eq, %get3A_505, %get3A_490 : i32
    %or3A_507 = arith.ori %or3A_503, %eq3A_506 : i1
    %get3A_508 = arith.constant 14 : index
    %get3A_509 = memref.load %arg0[%get3A_508] : memref<16xi32, #tpu.memory_space<smem>>
    %eq3A_510 = arith.cmpi eq, %get3A_509, %get3A_490 : i32
    %or3A_511 = arith.ori %or3A_507, %eq3A_510 : i1
    %get3A_512 = arith.constant 15 : index
    %get3A_513 = memref.load %arg0[%get3A_512] : memref<16xi32, #tpu.memory_space<smem>>
    %eq3A_514 = arith.cmpi eq, %get3A_513, %get3A_490 : i32
    %or3A_515 = arith.ori %or3A_511, %eq3A_514 : i1
    %not3A_516 = arith.constant true
    %not3A_517 = arith.xori %or3A_515, %not3A_516 : i1
    %convert_element_type3A_518 = arith.extui %not3A_517 : i1 to i32
    %cond3A_519 = arith.constant 0 : i32
    %cond3A_520 = arith.cmpi ne, %convert_element_type3A_518, %cond3A_519 : i32
    scf.if %cond3A_520 {
      %dma_start3A = arith.constant 0 : i32
      %dma_start3A_650 = tpu.memref_slice %arg5[%get3A_490, %dma_start3A] : memref<100000x128xf32, #tpu.memory_space<hbm>> -> memref<1x128xf32, #tpu.memory_space<hbm>>
      %dma_start3A_651 = arith.constant 9 : i32
      %dma_start3A_652 = arith.constant 0 : i32
      %dma_start3A_653 = tpu.memref_slice %arg1[%dma_start3A_651, %dma_start3A_652] : memref<16x128xf32, #tpu.memory_space<vmem>> -> memref<1x128xf32, #tpu.memory_space<vmem>>
      tpu.enqueue_dma source(%dma_start3A_653 : memref<1x128xf32, #tpu.memory_space<vmem>>) target(%dma_start3A_650 : memref<1x128xf32, #tpu.memory_space<hbm>>) target_semaphore(%arg7 : memref<!tpu.dma_semaphore, #tpu.memory_space<semaphore_mem>>)
      %dma_start3A_654 = arith.constant 0 : i32
      %dma_start3A_655 = tpu.memref_slice %arg6[%get3A_490, %dma_start3A_654] : memref<100000x128xf32, #tpu.memory_space<hbm>> -> memref<1x128xf32, #tpu.memory_space<hbm>>
      %dma_start3A_656 = arith.constant 9 : i32
      %dma_start3A_657 = arith.constant 0 : i32
      %dma_start3A_658 = tpu.memref_slice %arg2[%dma_start3A_656, %dma_start3A_657] : memref<16x128xf32, #tpu.memory_space<vmem>> -> memref<1x128xf32, #tpu.memory_space<vmem>>
      tpu.enqueue_dma source(%dma_start3A_658 : memref<1x128xf32, #tpu.memory_space<vmem>>) target(%dma_start3A_655 : memref<1x128xf32, #tpu.memory_space<hbm>>) target_semaphore(%arg7 : memref<!tpu.dma_semaphore, #tpu.memory_space<semaphore_mem>>)
    } else {
    }
    %convert_element_type3A_521 = arith.extui %not3A_517 : i1 to i32
    %cond3A_522 = arith.constant 0 : i32
    %cond3A_523 = arith.cmpi ne, %convert_element_type3A_521, %cond3A_522 : i32
    scf.if %cond3A_523 {
      %dma_wait3A = arith.constant 0 : i32
      %dma_wait3A_650 = tpu.memref_slice %arg5[%get3A_490, %dma_wait3A] : memref<100000x128xf32, #tpu.memory_space<hbm>> -> memref<1x128xf32, #tpu.memory_space<hbm>>
      %dma_wait3A_651 = arith.constant 9 : i32
      %dma_wait3A_652 = arith.constant 0 : i32
      %dma_wait3A_653 = tpu.memref_slice %arg1[%dma_wait3A_651, %dma_wait3A_652] : memref<16x128xf32, #tpu.memory_space<vmem>> -> memref<1x128xf32, #tpu.memory_space<vmem>>
      tpu.wait_dma2 semaphore(%arg7 : memref<!tpu.dma_semaphore, #tpu.memory_space<semaphore_mem>>) src(%dma_wait3A_653 : memref<1x128xf32, #tpu.memory_space<vmem>>) dst(%dma_wait3A_650 : memref<1x128xf32, #tpu.memory_space<hbm>>)
      %dma_wait3A_654 = arith.constant 0 : i32
      %dma_wait3A_655 = tpu.memref_slice %arg6[%get3A_490, %dma_wait3A_654] : memref<100000x128xf32, #tpu.memory_space<hbm>> -> memref<1x128xf32, #tpu.memory_space<hbm>>
      %dma_wait3A_656 = arith.constant 9 : i32
      %dma_wait3A_657 = arith.constant 0 : i32
      %dma_wait3A_658 = tpu.memref_slice %arg2[%dma_wait3A_656, %dma_wait3A_657] : memref<16x128xf32, #tpu.memory_space<vmem>> -> memref<1x128xf32, #tpu.memory_space<vmem>>
      tpu.wait_dma2 semaphore(%arg7 : memref<!tpu.dma_semaphore, #tpu.memory_space<semaphore_mem>>) src(%dma_wait3A_658 : memref<1x128xf32, #tpu.memory_space<vmem>>) dst(%dma_wait3A_655 : memref<1x128xf32, #tpu.memory_space<hbm>>)
    } else {
    }
    %get3A_524 = arith.constant 10 : index
    %get3A_525 = memref.load %arg0[%get3A_524] : memref<16xi32, #tpu.memory_space<smem>>
    %get3A_526 = arith.constant 11 : index
    %get3A_527 = memref.load %arg0[%get3A_526] : memref<16xi32, #tpu.memory_space<smem>>
    %eq3A_528 = arith.cmpi eq, %get3A_527, %get3A_525 : i32
    %or3A_529 = arith.constant false
    %or3A_530 = arith.ori %or3A_529, %eq3A_528 : i1
    %get3A_531 = arith.constant 12 : index
    %get3A_532 = memref.load %arg0[%get3A_531] : memref<16xi32, #tpu.memory_space<smem>>
    %eq3A_533 = arith.cmpi eq, %get3A_532, %get3A_525 : i32
    %or3A_534 = arith.ori %or3A_530, %eq3A_533 : i1
    %get3A_535 = arith.constant 13 : index
    %get3A_536 = memref.load %arg0[%get3A_535] : memref<16xi32, #tpu.memory_space<smem>>
    %eq3A_537 = arith.cmpi eq, %get3A_536, %get3A_525 : i32
    %or3A_538 = arith.ori %or3A_534, %eq3A_537 : i1
    %get3A_539 = arith.constant 14 : index
    %get3A_540 = memref.load %arg0[%get3A_539] : memref<16xi32, #tpu.memory_space<smem>>
    %eq3A_541 = arith.cmpi eq, %get3A_540, %get3A_525 : i32
    %or3A_542 = arith.ori %or3A_538, %eq3A_541 : i1
    %get3A_543 = arith.constant 15 : index
    %get3A_544 = memref.load %arg0[%get3A_543] : memref<16xi32, #tpu.memory_space<smem>>
    %eq3A_545 = arith.cmpi eq, %get3A_544, %get3A_525 : i32
    %or3A_546 = arith.ori %or3A_542, %eq3A_545 : i1
    %not3A_547 = arith.constant true
    %not3A_548 = arith.xori %or3A_546, %not3A_547 : i1
    %convert_element_type3A_549 = arith.extui %not3A_548 : i1 to i32
    %cond3A_550 = arith.constant 0 : i32
    %cond3A_551 = arith.cmpi ne, %convert_element_type3A_549, %cond3A_550 : i32
    scf.if %cond3A_551 {
      %dma_start3A = arith.constant 0 : i32
      %dma_start3A_650 = tpu.memref_slice %arg5[%get3A_525, %dma_start3A] : memref<100000x128xf32, #tpu.memory_space<hbm>> -> memref<1x128xf32, #tpu.memory_space<hbm>>
      %dma_start3A_651 = arith.constant 10 : i32
      %dma_start3A_652 = arith.constant 0 : i32
      %dma_start3A_653 = tpu.memref_slice %arg1[%dma_start3A_651, %dma_start3A_652] : memref<16x128xf32, #tpu.memory_space<vmem>> -> memref<1x128xf32, #tpu.memory_space<vmem>>
      tpu.enqueue_dma source(%dma_start3A_653 : memref<1x128xf32, #tpu.memory_space<vmem>>) target(%dma_start3A_650 : memref<1x128xf32, #tpu.memory_space<hbm>>) target_semaphore(%arg7 : memref<!tpu.dma_semaphore, #tpu.memory_space<semaphore_mem>>)
      %dma_start3A_654 = arith.constant 0 : i32
      %dma_start3A_655 = tpu.memref_slice %arg6[%get3A_525, %dma_start3A_654] : memref<100000x128xf32, #tpu.memory_space<hbm>> -> memref<1x128xf32, #tpu.memory_space<hbm>>
      %dma_start3A_656 = arith.constant 10 : i32
      %dma_start3A_657 = arith.constant 0 : i32
      %dma_start3A_658 = tpu.memref_slice %arg2[%dma_start3A_656, %dma_start3A_657] : memref<16x128xf32, #tpu.memory_space<vmem>> -> memref<1x128xf32, #tpu.memory_space<vmem>>
      tpu.enqueue_dma source(%dma_start3A_658 : memref<1x128xf32, #tpu.memory_space<vmem>>) target(%dma_start3A_655 : memref<1x128xf32, #tpu.memory_space<hbm>>) target_semaphore(%arg7 : memref<!tpu.dma_semaphore, #tpu.memory_space<semaphore_mem>>)
    } else {
    }
    %convert_element_type3A_552 = arith.extui %not3A_548 : i1 to i32
    %cond3A_553 = arith.constant 0 : i32
    %cond3A_554 = arith.cmpi ne, %convert_element_type3A_552, %cond3A_553 : i32
    scf.if %cond3A_554 {
      %dma_wait3A = arith.constant 0 : i32
      %dma_wait3A_650 = tpu.memref_slice %arg5[%get3A_525, %dma_wait3A] : memref<100000x128xf32, #tpu.memory_space<hbm>> -> memref<1x128xf32, #tpu.memory_space<hbm>>
      %dma_wait3A_651 = arith.constant 10 : i32
      %dma_wait3A_652 = arith.constant 0 : i32
      %dma_wait3A_653 = tpu.memref_slice %arg1[%dma_wait3A_651, %dma_wait3A_652] : memref<16x128xf32, #tpu.memory_space<vmem>> -> memref<1x128xf32, #tpu.memory_space<vmem>>
      tpu.wait_dma2 semaphore(%arg7 : memref<!tpu.dma_semaphore, #tpu.memory_space<semaphore_mem>>) src(%dma_wait3A_653 : memref<1x128xf32, #tpu.memory_space<vmem>>) dst(%dma_wait3A_650 : memref<1x128xf32, #tpu.memory_space<hbm>>)
      %dma_wait3A_654 = arith.constant 0 : i32
      %dma_wait3A_655 = tpu.memref_slice %arg6[%get3A_525, %dma_wait3A_654] : memref<100000x128xf32, #tpu.memory_space<hbm>> -> memref<1x128xf32, #tpu.memory_space<hbm>>
      %dma_wait3A_656 = arith.constant 10 : i32
      %dma_wait3A_657 = arith.constant 0 : i32
      %dma_wait3A_658 = tpu.memref_slice %arg2[%dma_wait3A_656, %dma_wait3A_657] : memref<16x128xf32, #tpu.memory_space<vmem>> -> memref<1x128xf32, #tpu.memory_space<vmem>>
      tpu.wait_dma2 semaphore(%arg7 : memref<!tpu.dma_semaphore, #tpu.memory_space<semaphore_mem>>) src(%dma_wait3A_658 : memref<1x128xf32, #tpu.memory_space<vmem>>) dst(%dma_wait3A_655 : memref<1x128xf32, #tpu.memory_space<hbm>>)
    } else {
    }
    %get3A_555 = arith.constant 11 : index
    %get3A_556 = memref.load %arg0[%get3A_555] : memref<16xi32, #tpu.memory_space<smem>>
    %get3A_557 = arith.constant 12 : index
    %get3A_558 = memref.load %arg0[%get3A_557] : memref<16xi32, #tpu.memory_space<smem>>
    %eq3A_559 = arith.cmpi eq, %get3A_558, %get3A_556 : i32
    %or3A_560 = arith.constant false
    %or3A_561 = arith.ori %or3A_560, %eq3A_559 : i1
    %get3A_562 = arith.constant 13 : index
    %get3A_563 = memref.load %arg0[%get3A_562] : memref<16xi32, #tpu.memory_space<smem>>
    %eq3A_564 = arith.cmpi eq, %get3A_563, %get3A_556 : i32
    %or3A_565 = arith.ori %or3A_561, %eq3A_564 : i1
    %get3A_566 = arith.constant 14 : index
    %get3A_567 = memref.load %arg0[%get3A_566] : memref<16xi32, #tpu.memory_space<smem>>
    %eq3A_568 = arith.cmpi eq, %get3A_567, %get3A_556 : i32
    %or3A_569 = arith.ori %or3A_565, %eq3A_568 : i1
    %get3A_570 = arith.constant 15 : index
    %get3A_571 = memref.load %arg0[%get3A_570] : memref<16xi32, #tpu.memory_space<smem>>
    %eq3A_572 = arith.cmpi eq, %get3A_571, %get3A_556 : i32
    %or3A_573 = arith.ori %or3A_569, %eq3A_572 : i1
    %not3A_574 = arith.constant true
    %not3A_575 = arith.xori %or3A_573, %not3A_574 : i1
    %convert_element_type3A_576 = arith.extui %not3A_575 : i1 to i32
    %cond3A_577 = arith.constant 0 : i32
    %cond3A_578 = arith.cmpi ne, %convert_element_type3A_576, %cond3A_577 : i32
    scf.if %cond3A_578 {
      %dma_start3A = arith.constant 0 : i32
      %dma_start3A_650 = tpu.memref_slice %arg5[%get3A_556, %dma_start3A] : memref<100000x128xf32, #tpu.memory_space<hbm>> -> memref<1x128xf32, #tpu.memory_space<hbm>>
      %dma_start3A_651 = arith.constant 11 : i32
      %dma_start3A_652 = arith.constant 0 : i32
      %dma_start3A_653 = tpu.memref_slice %arg1[%dma_start3A_651, %dma_start3A_652] : memref<16x128xf32, #tpu.memory_space<vmem>> -> memref<1x128xf32, #tpu.memory_space<vmem>>
      tpu.enqueue_dma source(%dma_start3A_653 : memref<1x128xf32, #tpu.memory_space<vmem>>) target(%dma_start3A_650 : memref<1x128xf32, #tpu.memory_space<hbm>>) target_semaphore(%arg7 : memref<!tpu.dma_semaphore, #tpu.memory_space<semaphore_mem>>)
      %dma_start3A_654 = arith.constant 0 : i32
      %dma_start3A_655 = tpu.memref_slice %arg6[%get3A_556, %dma_start3A_654] : memref<100000x128xf32, #tpu.memory_space<hbm>> -> memref<1x128xf32, #tpu.memory_space<hbm>>
      %dma_start3A_656 = arith.constant 11 : i32
      %dma_start3A_657 = arith.constant 0 : i32
      %dma_start3A_658 = tpu.memref_slice %arg2[%dma_start3A_656, %dma_start3A_657] : memref<16x128xf32, #tpu.memory_space<vmem>> -> memref<1x128xf32, #tpu.memory_space<vmem>>
      tpu.enqueue_dma source(%dma_start3A_658 : memref<1x128xf32, #tpu.memory_space<vmem>>) target(%dma_start3A_655 : memref<1x128xf32, #tpu.memory_space<hbm>>) target_semaphore(%arg7 : memref<!tpu.dma_semaphore, #tpu.memory_space<semaphore_mem>>)
    } else {
    }
    %convert_element_type3A_579 = arith.extui %not3A_575 : i1 to i32
    %cond3A_580 = arith.constant 0 : i32
    %cond3A_581 = arith.cmpi ne, %convert_element_type3A_579, %cond3A_580 : i32
    scf.if %cond3A_581 {
      %dma_wait3A = arith.constant 0 : i32
      %dma_wait3A_650 = tpu.memref_slice %arg5[%get3A_556, %dma_wait3A] : memref<100000x128xf32, #tpu.memory_space<hbm>> -> memref<1x128xf32, #tpu.memory_space<hbm>>
      %dma_wait3A_651 = arith.constant 11 : i32
      %dma_wait3A_652 = arith.constant 0 : i32
      %dma_wait3A_653 = tpu.memref_slice %arg1[%dma_wait3A_651, %dma_wait3A_652] : memref<16x128xf32, #tpu.memory_space<vmem>> -> memref<1x128xf32, #tpu.memory_space<vmem>>
      tpu.wait_dma2 semaphore(%arg7 : memref<!tpu.dma_semaphore, #tpu.memory_space<semaphore_mem>>) src(%dma_wait3A_653 : memref<1x128xf32, #tpu.memory_space<vmem>>) dst(%dma_wait3A_650 : memref<1x128xf32, #tpu.memory_space<hbm>>)
      %dma_wait3A_654 = arith.constant 0 : i32
      %dma_wait3A_655 = tpu.memref_slice %arg6[%get3A_556, %dma_wait3A_654] : memref<100000x128xf32, #tpu.memory_space<hbm>> -> memref<1x128xf32, #tpu.memory_space<hbm>>
      %dma_wait3A_656 = arith.constant 11 : i32
      %dma_wait3A_657 = arith.constant 0 : i32
      %dma_wait3A_658 = tpu.memref_slice %arg2[%dma_wait3A_656, %dma_wait3A_657] : memref<16x128xf32, #tpu.memory_space<vmem>> -> memref<1x128xf32, #tpu.memory_space<vmem>>
      tpu.wait_dma2 semaphore(%arg7 : memref<!tpu.dma_semaphore, #tpu.memory_space<semaphore_mem>>) src(%dma_wait3A_658 : memref<1x128xf32, #tpu.memory_space<vmem>>) dst(%dma_wait3A_655 : memref<1x128xf32, #tpu.memory_space<hbm>>)
    } else {
    }
    %get3A_582 = arith.constant 12 : index
    %get3A_583 = memref.load %arg0[%get3A_582] : memref<16xi32, #tpu.memory_space<smem>>
    %get3A_584 = arith.constant 13 : index
    %get3A_585 = memref.load %arg0[%get3A_584] : memref<16xi32, #tpu.memory_space<smem>>
    %eq3A_586 = arith.cmpi eq, %get3A_585, %get3A_583 : i32
    %or3A_587 = arith.constant false
    %or3A_588 = arith.ori %or3A_587, %eq3A_586 : i1
    %get3A_589 = arith.constant 14 : index
    %get3A_590 = memref.load %arg0[%get3A_589] : memref<16xi32, #tpu.memory_space<smem>>
    %eq3A_591 = arith.cmpi eq, %get3A_590, %get3A_583 : i32
    %or3A_592 = arith.ori %or3A_588, %eq3A_591 : i1
    %get3A_593 = arith.constant 15 : index
    %get3A_594 = memref.load %arg0[%get3A_593] : memref<16xi32, #tpu.memory_space<smem>>
    %eq3A_595 = arith.cmpi eq, %get3A_594, %get3A_583 : i32
    %or3A_596 = arith.ori %or3A_592, %eq3A_595 : i1
    %not3A_597 = arith.constant true
    %not3A_598 = arith.xori %or3A_596, %not3A_597 : i1
    %convert_element_type3A_599 = arith.extui %not3A_598 : i1 to i32
    %cond3A_600 = arith.constant 0 : i32
    %cond3A_601 = arith.cmpi ne, %convert_element_type3A_599, %cond3A_600 : i32
    scf.if %cond3A_601 {
      %dma_start3A = arith.constant 0 : i32
      %dma_start3A_650 = tpu.memref_slice %arg5[%get3A_583, %dma_start3A] : memref<100000x128xf32, #tpu.memory_space<hbm>> -> memref<1x128xf32, #tpu.memory_space<hbm>>
      %dma_start3A_651 = arith.constant 12 : i32
      %dma_start3A_652 = arith.constant 0 : i32
      %dma_start3A_653 = tpu.memref_slice %arg1[%dma_start3A_651, %dma_start3A_652] : memref<16x128xf32, #tpu.memory_space<vmem>> -> memref<1x128xf32, #tpu.memory_space<vmem>>
      tpu.enqueue_dma source(%dma_start3A_653 : memref<1x128xf32, #tpu.memory_space<vmem>>) target(%dma_start3A_650 : memref<1x128xf32, #tpu.memory_space<hbm>>) target_semaphore(%arg7 : memref<!tpu.dma_semaphore, #tpu.memory_space<semaphore_mem>>)
      %dma_start3A_654 = arith.constant 0 : i32
      %dma_start3A_655 = tpu.memref_slice %arg6[%get3A_583, %dma_start3A_654] : memref<100000x128xf32, #tpu.memory_space<hbm>> -> memref<1x128xf32, #tpu.memory_space<hbm>>
      %dma_start3A_656 = arith.constant 12 : i32
      %dma_start3A_657 = arith.constant 0 : i32
      %dma_start3A_658 = tpu.memref_slice %arg2[%dma_start3A_656, %dma_start3A_657] : memref<16x128xf32, #tpu.memory_space<vmem>> -> memref<1x128xf32, #tpu.memory_space<vmem>>
      tpu.enqueue_dma source(%dma_start3A_658 : memref<1x128xf32, #tpu.memory_space<vmem>>) target(%dma_start3A_655 : memref<1x128xf32, #tpu.memory_space<hbm>>) target_semaphore(%arg7 : memref<!tpu.dma_semaphore, #tpu.memory_space<semaphore_mem>>)
    } else {
    }
    %convert_element_type3A_602 = arith.extui %not3A_598 : i1 to i32
    %cond3A_603 = arith.constant 0 : i32
    %cond3A_604 = arith.cmpi ne, %convert_element_type3A_602, %cond3A_603 : i32
    scf.if %cond3A_604 {
      %dma_wait3A = arith.constant 0 : i32
      %dma_wait3A_650 = tpu.memref_slice %arg5[%get3A_583, %dma_wait3A] : memref<100000x128xf32, #tpu.memory_space<hbm>> -> memref<1x128xf32, #tpu.memory_space<hbm>>
      %dma_wait3A_651 = arith.constant 12 : i32
      %dma_wait3A_652 = arith.constant 0 : i32
      %dma_wait3A_653 = tpu.memref_slice %arg1[%dma_wait3A_651, %dma_wait3A_652] : memref<16x128xf32, #tpu.memory_space<vmem>> -> memref<1x128xf32, #tpu.memory_space<vmem>>
      tpu.wait_dma2 semaphore(%arg7 : memref<!tpu.dma_semaphore, #tpu.memory_space<semaphore_mem>>) src(%dma_wait3A_653 : memref<1x128xf32, #tpu.memory_space<vmem>>) dst(%dma_wait3A_650 : memref<1x128xf32, #tpu.memory_space<hbm>>)
      %dma_wait3A_654 = arith.constant 0 : i32
      %dma_wait3A_655 = tpu.memref_slice %arg6[%get3A_583, %dma_wait3A_654] : memref<100000x128xf32, #tpu.memory_space<hbm>> -> memref<1x128xf32, #tpu.memory_space<hbm>>
      %dma_wait3A_656 = arith.constant 12 : i32
      %dma_wait3A_657 = arith.constant 0 : i32
      %dma_wait3A_658 = tpu.memref_slice %arg2[%dma_wait3A_656, %dma_wait3A_657] : memref<16x128xf32, #tpu.memory_space<vmem>> -> memref<1x128xf32, #tpu.memory_space<vmem>>
      tpu.wait_dma2 semaphore(%arg7 : memref<!tpu.dma_semaphore, #tpu.memory_space<semaphore_mem>>) src(%dma_wait3A_658 : memref<1x128xf32, #tpu.memory_space<vmem>>) dst(%dma_wait3A_655 : memref<1x128xf32, #tpu.memory_space<hbm>>)
    } else {
    }
    %get3A_605 = arith.constant 13 : index
    %get3A_606 = memref.load %arg0[%get3A_605] : memref<16xi32, #tpu.memory_space<smem>>
    %get3A_607 = arith.constant 14 : index
    %get3A_608 = memref.load %arg0[%get3A_607] : memref<16xi32, #tpu.memory_space<smem>>
    %eq3A_609 = arith.cmpi eq, %get3A_608, %get3A_606 : i32
    %or3A_610 = arith.constant false
    %or3A_611 = arith.ori %or3A_610, %eq3A_609 : i1
    %get3A_612 = arith.constant 15 : index
    %get3A_613 = memref.load %arg0[%get3A_612] : memref<16xi32, #tpu.memory_space<smem>>
    %eq3A_614 = arith.cmpi eq, %get3A_613, %get3A_606 : i32
    %or3A_615 = arith.ori %or3A_611, %eq3A_614 : i1
    %not3A_616 = arith.constant true
    %not3A_617 = arith.xori %or3A_615, %not3A_616 : i1
    %convert_element_type3A_618 = arith.extui %not3A_617 : i1 to i32
    %cond3A_619 = arith.constant 0 : i32
    %cond3A_620 = arith.cmpi ne, %convert_element_type3A_618, %cond3A_619 : i32
    scf.if %cond3A_620 {
      %dma_start3A = arith.constant 0 : i32
      %dma_start3A_650 = tpu.memref_slice %arg5[%get3A_606, %dma_start3A] : memref<100000x128xf32, #tpu.memory_space<hbm>> -> memref<1x128xf32, #tpu.memory_space<hbm>>
      %dma_start3A_651 = arith.constant 13 : i32
      %dma_start3A_652 = arith.constant 0 : i32
      %dma_start3A_653 = tpu.memref_slice %arg1[%dma_start3A_651, %dma_start3A_652] : memref<16x128xf32, #tpu.memory_space<vmem>> -> memref<1x128xf32, #tpu.memory_space<vmem>>
      tpu.enqueue_dma source(%dma_start3A_653 : memref<1x128xf32, #tpu.memory_space<vmem>>) target(%dma_start3A_650 : memref<1x128xf32, #tpu.memory_space<hbm>>) target_semaphore(%arg7 : memref<!tpu.dma_semaphore, #tpu.memory_space<semaphore_mem>>)
      %dma_start3A_654 = arith.constant 0 : i32
      %dma_start3A_655 = tpu.memref_slice %arg6[%get3A_606, %dma_start3A_654] : memref<100000x128xf32, #tpu.memory_space<hbm>> -> memref<1x128xf32, #tpu.memory_space<hbm>>
      %dma_start3A_656 = arith.constant 13 : i32
      %dma_start3A_657 = arith.constant 0 : i32
      %dma_start3A_658 = tpu.memref_slice %arg2[%dma_start3A_656, %dma_start3A_657] : memref<16x128xf32, #tpu.memory_space<vmem>> -> memref<1x128xf32, #tpu.memory_space<vmem>>
      tpu.enqueue_dma source(%dma_start3A_658 : memref<1x128xf32, #tpu.memory_space<vmem>>) target(%dma_start3A_655 : memref<1x128xf32, #tpu.memory_space<hbm>>) target_semaphore(%arg7 : memref<!tpu.dma_semaphore, #tpu.memory_space<semaphore_mem>>)
    } else {
    }
    %convert_element_type3A_621 = arith.extui %not3A_617 : i1 to i32
    %cond3A_622 = arith.constant 0 : i32
    %cond3A_623 = arith.cmpi ne, %convert_element_type3A_621, %cond3A_622 : i32
    scf.if %cond3A_623 {
      %dma_wait3A = arith.constant 0 : i32
      %dma_wait3A_650 = tpu.memref_slice %arg5[%get3A_606, %dma_wait3A] : memref<100000x128xf32, #tpu.memory_space<hbm>> -> memref<1x128xf32, #tpu.memory_space<hbm>>
      %dma_wait3A_651 = arith.constant 13 : i32
      %dma_wait3A_652 = arith.constant 0 : i32
      %dma_wait3A_653 = tpu.memref_slice %arg1[%dma_wait3A_651, %dma_wait3A_652] : memref<16x128xf32, #tpu.memory_space<vmem>> -> memref<1x128xf32, #tpu.memory_space<vmem>>
      tpu.wait_dma2 semaphore(%arg7 : memref<!tpu.dma_semaphore, #tpu.memory_space<semaphore_mem>>) src(%dma_wait3A_653 : memref<1x128xf32, #tpu.memory_space<vmem>>) dst(%dma_wait3A_650 : memref<1x128xf32, #tpu.memory_space<hbm>>)
      %dma_wait3A_654 = arith.constant 0 : i32
      %dma_wait3A_655 = tpu.memref_slice %arg6[%get3A_606, %dma_wait3A_654] : memref<100000x128xf32, #tpu.memory_space<hbm>> -> memref<1x128xf32, #tpu.memory_space<hbm>>
      %dma_wait3A_656 = arith.constant 13 : i32
      %dma_wait3A_657 = arith.constant 0 : i32
      %dma_wait3A_658 = tpu.memref_slice %arg2[%dma_wait3A_656, %dma_wait3A_657] : memref<16x128xf32, #tpu.memory_space<vmem>> -> memref<1x128xf32, #tpu.memory_space<vmem>>
      tpu.wait_dma2 semaphore(%arg7 : memref<!tpu.dma_semaphore, #tpu.memory_space<semaphore_mem>>) src(%dma_wait3A_658 : memref<1x128xf32, #tpu.memory_space<vmem>>) dst(%dma_wait3A_655 : memref<1x128xf32, #tpu.memory_space<hbm>>)
    } else {
    }
    %get3A_624 = arith.constant 14 : index
    %get3A_625 = memref.load %arg0[%get3A_624] : memref<16xi32, #tpu.memory_space<smem>>
    %get3A_626 = arith.constant 15 : index
    %get3A_627 = memref.load %arg0[%get3A_626] : memref<16xi32, #tpu.memory_space<smem>>
    %eq3A_628 = arith.cmpi eq, %get3A_627, %get3A_625 : i32
    %or3A_629 = arith.constant false
    %or3A_630 = arith.ori %or3A_629, %eq3A_628 : i1
    %not3A_631 = arith.constant true
    %not3A_632 = arith.xori %or3A_630, %not3A_631 : i1
    %convert_element_type3A_633 = arith.extui %not3A_632 : i1 to i32
    %cond3A_634 = arith.constant 0 : i32
    %cond3A_635 = arith.cmpi ne, %convert_element_type3A_633, %cond3A_634 : i32
    scf.if %cond3A_635 {
      %dma_start3A = arith.constant 0 : i32
      %dma_start3A_650 = tpu.memref_slice %arg5[%get3A_625, %dma_start3A] : memref<100000x128xf32, #tpu.memory_space<hbm>> -> memref<1x128xf32, #tpu.memory_space<hbm>>
      %dma_start3A_651 = arith.constant 14 : i32
      %dma_start3A_652 = arith.constant 0 : i32
      %dma_start3A_653 = tpu.memref_slice %arg1[%dma_start3A_651, %dma_start3A_652] : memref<16x128xf32, #tpu.memory_space<vmem>> -> memref<1x128xf32, #tpu.memory_space<vmem>>
      tpu.enqueue_dma source(%dma_start3A_653 : memref<1x128xf32, #tpu.memory_space<vmem>>) target(%dma_start3A_650 : memref<1x128xf32, #tpu.memory_space<hbm>>) target_semaphore(%arg7 : memref<!tpu.dma_semaphore, #tpu.memory_space<semaphore_mem>>)
      %dma_start3A_654 = arith.constant 0 : i32
      %dma_start3A_655 = tpu.memref_slice %arg6[%get3A_625, %dma_start3A_654] : memref<100000x128xf32, #tpu.memory_space<hbm>> -> memref<1x128xf32, #tpu.memory_space<hbm>>
      %dma_start3A_656 = arith.constant 14 : i32
      %dma_start3A_657 = arith.constant 0 : i32
      %dma_start3A_658 = tpu.memref_slice %arg2[%dma_start3A_656, %dma_start3A_657] : memref<16x128xf32, #tpu.memory_space<vmem>> -> memref<1x128xf32, #tpu.memory_space<vmem>>
      tpu.enqueue_dma source(%dma_start3A_658 : memref<1x128xf32, #tpu.memory_space<vmem>>) target(%dma_start3A_655 : memref<1x128xf32, #tpu.memory_space<hbm>>) target_semaphore(%arg7 : memref<!tpu.dma_semaphore, #tpu.memory_space<semaphore_mem>>)
    } else {
    }
    %convert_element_type3A_636 = arith.extui %not3A_632 : i1 to i32
    %cond3A_637 = arith.constant 0 : i32
    %cond3A_638 = arith.cmpi ne, %convert_element_type3A_636, %cond3A_637 : i32
    scf.if %cond3A_638 {
      %dma_wait3A = arith.constant 0 : i32
      %dma_wait3A_650 = tpu.memref_slice %arg5[%get3A_625, %dma_wait3A] : memref<100000x128xf32, #tpu.memory_space<hbm>> -> memref<1x128xf32, #tpu.memory_space<hbm>>
      %dma_wait3A_651 = arith.constant 14 : i32
      %dma_wait3A_652 = arith.constant 0 : i32
      %dma_wait3A_653 = tpu.memref_slice %arg1[%dma_wait3A_651, %dma_wait3A_652] : memref<16x128xf32, #tpu.memory_space<vmem>> -> memref<1x128xf32, #tpu.memory_space<vmem>>
      tpu.wait_dma2 semaphore(%arg7 : memref<!tpu.dma_semaphore, #tpu.memory_space<semaphore_mem>>) src(%dma_wait3A_653 : memref<1x128xf32, #tpu.memory_space<vmem>>) dst(%dma_wait3A_650 : memref<1x128xf32, #tpu.memory_space<hbm>>)
      %dma_wait3A_654 = arith.constant 0 : i32
      %dma_wait3A_655 = tpu.memref_slice %arg6[%get3A_625, %dma_wait3A_654] : memref<100000x128xf32, #tpu.memory_space<hbm>> -> memref<1x128xf32, #tpu.memory_space<hbm>>
      %dma_wait3A_656 = arith.constant 14 : i32
      %dma_wait3A_657 = arith.constant 0 : i32
      %dma_wait3A_658 = tpu.memref_slice %arg2[%dma_wait3A_656, %dma_wait3A_657] : memref<16x128xf32, #tpu.memory_space<vmem>> -> memref<1x128xf32, #tpu.memory_space<vmem>>
      tpu.wait_dma2 semaphore(%arg7 : memref<!tpu.dma_semaphore, #tpu.memory_space<semaphore_mem>>) src(%dma_wait3A_658 : memref<1x128xf32, #tpu.memory_space<vmem>>) dst(%dma_wait3A_655 : memref<1x128xf32, #tpu.memory_space<hbm>>)
    } else {
    }
    %get3A_639 = arith.constant 15 : index
    %get3A_640 = memref.load %arg0[%get3A_639] : memref<16xi32, #tpu.memory_space<smem>>
    %not3A_641 = arith.constant false
    %not3A_642 = arith.constant true
    %not3A_643 = arith.xori %not3A_641, %not3A_642 : i1
    %convert_element_type3A_644 = arith.extui %not3A_643 : i1 to i32
    %cond3A_645 = arith.constant 0 : i32
    %cond3A_646 = arith.cmpi ne, %convert_element_type3A_644, %cond3A_645 : i32
    scf.if %cond3A_646 {
      %dma_start3A = arith.constant 0 : i32
      %dma_start3A_650 = tpu.memref_slice %arg5[%get3A_640, %dma_start3A] : memref<100000x128xf32, #tpu.memory_space<hbm>> -> memref<1x128xf32, #tpu.memory_space<hbm>>
      %dma_start3A_651 = arith.constant 15 : i32
      %dma_start3A_652 = arith.constant 0 : i32
      %dma_start3A_653 = tpu.memref_slice %arg1[%dma_start3A_651, %dma_start3A_652] : memref<16x128xf32, #tpu.memory_space<vmem>> -> memref<1x128xf32, #tpu.memory_space<vmem>>
      tpu.enqueue_dma source(%dma_start3A_653 : memref<1x128xf32, #tpu.memory_space<vmem>>) target(%dma_start3A_650 : memref<1x128xf32, #tpu.memory_space<hbm>>) target_semaphore(%arg7 : memref<!tpu.dma_semaphore, #tpu.memory_space<semaphore_mem>>)
      %dma_start3A_654 = arith.constant 0 : i32
      %dma_start3A_655 = tpu.memref_slice %arg6[%get3A_640, %dma_start3A_654] : memref<100000x128xf32, #tpu.memory_space<hbm>> -> memref<1x128xf32, #tpu.memory_space<hbm>>
      %dma_start3A_656 = arith.constant 15 : i32
      %dma_start3A_657 = arith.constant 0 : i32
      %dma_start3A_658 = tpu.memref_slice %arg2[%dma_start3A_656, %dma_start3A_657] : memref<16x128xf32, #tpu.memory_space<vmem>> -> memref<1x128xf32, #tpu.memory_space<vmem>>
      tpu.enqueue_dma source(%dma_start3A_658 : memref<1x128xf32, #tpu.memory_space<vmem>>) target(%dma_start3A_655 : memref<1x128xf32, #tpu.memory_space<hbm>>) target_semaphore(%arg7 : memref<!tpu.dma_semaphore, #tpu.memory_space<semaphore_mem>>)
    } else {
    }
    %convert_element_type3A_647 = arith.extui %not3A_643 : i1 to i32
    %cond3A_648 = arith.constant 0 : i32
    %cond3A_649 = arith.cmpi ne, %convert_element_type3A_647, %cond3A_648 : i32
    scf.if %cond3A_649 {
      %dma_wait3A = arith.constant 0 : i32
      %dma_wait3A_650 = tpu.memref_slice %arg5[%get3A_640, %dma_wait3A] : memref<100000x128xf32, #tpu.memory_space<hbm>> -> memref<1x128xf32, #tpu.memory_space<hbm>>
      %dma_wait3A_651 = arith.constant 15 : i32
      %dma_wait3A_652 = arith.constant 0 : i32
      %dma_wait3A_653 = tpu.memref_slice %arg1[%dma_wait3A_651, %dma_wait3A_652] : memref<16x128xf32, #tpu.memory_space<vmem>> -> memref<1x128xf32, #tpu.memory_space<vmem>>
      tpu.wait_dma2 semaphore(%arg7 : memref<!tpu.dma_semaphore, #tpu.memory_space<semaphore_mem>>) src(%dma_wait3A_653 : memref<1x128xf32, #tpu.memory_space<vmem>>) dst(%dma_wait3A_650 : memref<1x128xf32, #tpu.memory_space<hbm>>)
      %dma_wait3A_654 = arith.constant 0 : i32
      %dma_wait3A_655 = tpu.memref_slice %arg6[%get3A_640, %dma_wait3A_654] : memref<100000x128xf32, #tpu.memory_space<hbm>> -> memref<1x128xf32, #tpu.memory_space<hbm>>
      %dma_wait3A_656 = arith.constant 15 : i32
      %dma_wait3A_657 = arith.constant 0 : i32
      %dma_wait3A_658 = tpu.memref_slice %arg2[%dma_wait3A_656, %dma_wait3A_657] : memref<16x128xf32, #tpu.memory_space<vmem>> -> memref<1x128xf32, #tpu.memory_space<vmem>>
      tpu.wait_dma2 semaphore(%arg7 : memref<!tpu.dma_semaphore, #tpu.memory_space<semaphore_mem>>) src(%dma_wait3A_658 : memref<1x128xf32, #tpu.memory_space<vmem>>) dst(%dma_wait3A_655 : memref<1x128xf32, #tpu.memory_space<hbm>>)
    } else {
    }
    return
  }
}

</mosaic_0001>

<sc_bundles>
// kernel: kernel.7.cloned.1.call-start
scs
__scs_entry_jumppad:
0x0: {  	(pc) =	sbr.rel $0x88, $3  }
0x1: {  	(tag) =	ssettag $0x0;
	lr =	simm.s32 $0x1  }
0x2: {  	[smem:$0x3F9B] =	sst lr;
	_ =	strace $0xD0000000  }
0x3: {  	_ = 	snop  }
0x4: {  	_ = 	snop  }
0x5: {  	_ = 	snop  }
0x6: {  	_ = 	snop  }
0x7: {  	_ = 	snop  }
__scs_overlays_trampoline_lowered:
0x8: {  	[smem:$0x3FAA] =	sst s0  }
0x9: {  	[smem:$0x3FAB] =	sst s1  }
0xa: {  	[smem:$0x3FAC] =	sst s2  }
0xb: {  	[smem:$0x3FAD] =	sst s3  }
0xc: {  	[smem:$0x3FAE] =	sst s4  }
0xd: {  	[smem:$0x3FAF] =	sst s5  }
0xe: {  	[smem:$0x3FB0] =	sst s6  }
0xf: {  	[smem:$0x3FB1] =	sst s7  }
0x10: {  	[smem:$0x3FB2] =	sst s8  }
0x11: {  	[smem:$0x3FB3] =	sst s9;
	s0 =	simm.s32 @!p0 $0x0  }
0x12: {  	s1 =	sld [smem:$0x3F99];
	s0 =	simm.s32 @p0 $0x1  }
0x13: {  	[smem:$0x3FB4] =	sst s0;
	s0 =	simm.s32 @!p1 $0x0  }
0x14: {  	s2 =	sld [smem:$0x3F98];
	s0 =	simm.s32 @p1 $0x1  }
0x15: {  	[smem:$0x3FB5] =	sst s0;
	s0 =	simm.s32 @!p2 $0x0  }
0x16: {  	s3 =	sld [smem:$0x3FDB];
	s0 =	simm.s32 @p2 $0x1  }
0x17: {  	s4 =	simm.s32 $0x1BF5;
	[smem:$0x3FB7] =	sst s0  }
0x18: {  	s0 =	sld [smem:$0x3F9A];
	_ =	swait.ge [sflag:s4], $0x0  }
0x19: {  	s7 =	sld [smem:$0x3F9B]  }
0x1a: {  	s8 =	sadd.s32 $0xFFFFE003, lr  }
0x1b: {  	s9 =	sadd.s32 $0xFFFFFEF7, lr;
	s5 =	simm.s32 $0xFFFFFFFF;
	p2 =	slt.u32 s8, $0xFFFFF086  }
0x1c: {  	p1 =	slt.u32 s9, $0xF7A;
	s5 =	simm.s32 @!p2 $0x0  }
0x1d: {  	s5 =	simm.s32 @p1 $0x1;
	p0 =	seq.s32 s7, s2  }
0x1e: {  	s7 =	smul.u32 @!p0 $0xF7A, s2;
	p2 =	seq.s32 @!p0 s5, $0x0  }
0x1f: {  	s9 =	smul.u32 $0xF7A, s1;
	s8 =	simm.s32 @!p0 $0x1BF5;
	p2 =	por !p2, p0  }
0x20: {  	[sflag:s8] =	ssyncset.s32 @!p0 $0xFFFFF086;
	s6 =	sadd.s32 @!p0 s3, s7;
	s7 =	simm.s32 @!p0 $0x108  }
0x21: {  	s3 =	sadd.s32 s3, s9;
	s6 =	sadd.s32 @!p0 $0x88, s6;
	s7 =	simm.s32 @p2 $0x1082  }
0x22: {  	[simem:s7], [sflag:s8] =	dma.local @!p0 [hbm:s6], $0xF7A  }
0x23: {  	s9 =	sor.u32 $0xD0000000, s2;
	s6 =	simm.s32 $0x108;
	_ =	swait.ge @!p0 [sflag:s8], $0x0  }
0x24: {  	s3 =	sadd.s32 $0x88, s3;
	s6 =	simm.s32 @!p1 $0x1082;
	[sflag:s4] =	ssyncset.s32 $0xFFFFF086  }
0x25: {  	[simem:s6], [sflag:s4] =	dma.local [hbm:s3], $0xF7A  }
0x26: {  	[smem:$0x3F9B] =	sst s1;
	(tag) =	ssettag s2;
	_ =	strace s9  }
0x27: {  	s1 =	sld [smem:$0x3FAB]  }
0x28: {  	s2 =	sld [smem:$0x3FAC]  }
0x29: {  	s4 =	sld [smem:$0x3FAE]  }
0x2a: {  	p0 =	seq.s32 s5, $0x0;
	s5 =	sld [smem:$0x3FAF]  }
0x2b: {  	s6 =	sld [smem:$0x3FB0]  }
0x2c: {  	s7 =	sld [smem:$0x3FB1]  }
0x2d: {  	s3 =	simm.s32 $0x108;
	s8 =	sld [smem:$0x3FB2]  }
0x2e: {  	s3 =	simm.s32 @!p0 $0x1082;
	s9 =	sld [smem:$0x3FB3]  }
0x2f: {  	lr =	sadd.s32 s0, s3;
	s0 =	sld [smem:$0x3FAA]  }
0x30: {  	s3 =	sld [smem:$0x3FAD]  }
0x31: {  	[smem:$0x3FB6] =	sst s10  }
0x32: {  	s10 =	sld [smem:$0x3FB4];
	_ =	sdelay $0x3  }
0x33: {  	p0 =	seq.s32 s10, $0x1;
	s10 =	sld [smem:$0x3FB6];
	_ =	sdelay $0x3  }
0x34: {  	[smem:$0x3FB6] =	sst s10  }
0x35: {  	s10 =	sld [smem:$0x3FB5];
	_ =	sdelay $0x3  }
0x36: {  	p1 =	seq.s32 s10, $0x1;
	s10 =	sld [smem:$0x3FB6];
	_ =	sdelay $0x3  }
0x37: {  	[smem:$0x3FB6] =	sst s10  }
0x38: {  	s10 =	sld [smem:$0x3FB7]  }
0x39: {  	_ = 	snop;
	(pc) =	sbr.ind lr, $3  }
0x3a: {  	_ = 	snop  }
0x3b: {  	_ = 	snop  }
0x3c: {  	p2 =	seq.s32 s10, $0x1;
	s10 =	sld [smem:$0x3FB6]  }
0x3d: {  	_ =	shalt  }
0x3e: {  	_ =	shalt  }
0x3f: {  	_ =	shalt  }
0x40: {  	_ =	shalt  }
0x41: {  	_ =	shalt  }
0x42: {  	_ =	shalt  }
0x43: {  	_ =	shalt  }
0x44: {  	_ =	shalt  }
0x45: {  	_ =	shalt  }
0x46: {  	_ =	shalt  }
0x47: {  	_ =	shalt  }
0x48: {  	_ =	shalt  }
0x49: {  	_ =	shalt  }
0x4a: {  	_ =	shalt  }
0x4b: {  	_ =	shalt  }
0x4c: {  	_ =	shalt  }
0x4d: {  	_ =	shalt  }
0x4e: {  	_ =	shalt  }
0x4f: {  	_ =	shalt  }
0x50: {  	_ =	shalt  }
0x51: {  	_ =	shalt  }
0x52: {  	_ =	shalt  }
0x53: {  	_ =	shalt  }
0x54: {  	_ =	shalt  }
0x55: {  	_ =	shalt  }
0x56: {  	_ =	shalt  }
0x57: {  	_ =	shalt  }
0x58: {  	_ =	shalt  }
0x59: {  	_ =	shalt  }
0x5a: {  	_ =	shalt  }
0x5b: {  	_ =	shalt  }
0x5c: {  	_ =	shalt  }
0x5d: {  	_ =	shalt  }
0x5e: {  	_ =	shalt  }
0x5f: {  	_ =	shalt  }
0x60: {  	_ =	shalt  }
0x61: {  	_ =	shalt  }
0x62: {  	_ =	shalt  }
0x63: {  	_ =	shalt  }
0x64: {  	_ =	shalt  }
0x65: {  	_ =	shalt  }
0x66: {  	_ =	shalt  }
0x67: {  	_ =	shalt  }
0x68: {  	_ =	shalt  }
0x69: {  	_ =	shalt  }
0x6a: {  	_ =	shalt  }
0x6b: {  	_ =	shalt  }
0x6c: {  	_ =	shalt  }
0x6d: {  	_ =	shalt  }
0x6e: {  	_ =	shalt  }
0x6f: {  	_ =	shalt  }
0x70: {  	_ =	shalt  }
0x71: {  	_ =	shalt  }
0x72: {  	_ =	shalt  }
0x73: {  	_ =	shalt  }
0x74: {  	_ =	shalt  }
0x75: {  	_ =	shalt  }
0x76: {  	_ =	shalt  }
0x77: {  	_ =	shalt  }
0x78: {  	_ =	shalt  }
0x79: {  	_ =	shalt  }
0x7a: {  	_ =	shalt  }
0x7b: {  	_ =	shalt  }
0x7c: {  	_ =	shalt  }
0x7d: {  	_ =	shalt  }
0x7e: {  	_ =	shalt  }
0x7f: {  	_ =	shalt  }
0x80: {  	_ =	shalt  }
0x81: {  	_ =	shalt  }
0x82: {  	_ =	shalt  }
0x83: {  	_ =	shalt  }
0x84: {  	_ =	shalt  }
0x85: {  	_ =	shalt  }
0x86: {  	_ =	shalt  }
0x87: {  	_ =	shalt  }
.Lfunc_end0:
.L_simem_size_0:
called_computation_lowered:
.L_overlay_start_0:
0x88: {  	s2 =	sld [smem:$0x3FD9]  }
0x89: {  	s3 =	sld [smem:$0x3FFE];
	_ =	sdelay $0x1  }
0x8a: {  	s1 =	srdreg.scid  }
0x8b: {  	s0 =	sand.u32 $0x1, s1  }
0x8c: {  	s15 =	sshll.u32 s0, $0xA;
	s2 =	sadd.s32 s3, s2  }
0x8d: {  	s2 =	sadd.s32 s2, s15  }
0x8e: {  	[smem:$0x3FC2] =	sst s2  }
0x8f: {  	_ = 	snop  }
0x90: {  	s2 =	sld [smem:$0x3FD0];
	_ =	sdelay $0x1  }
0x91: {  	s16 =	sld [smem:$0x3FC5]  }
0x92: {  	s5 =	simm.s32 $0xA;
	s6 =	simm.s32 $0x10;
	s4 =	sld [smem:$0x3FC4]  }
0x93: {  	[smem:s6], [sflag:s5] =	dma.local [hbm:s2], $0x1  }
0x94: {  	_ =	swait.eq [sflag:s5], $0x1  }
0x95: {  	[sflag:s5] =	ssyncset.done $0x0  }
0x96: {  	s17 =	sld [smem:$0x12];
	[sflag:s5] =	ssyncadd.s32 $0xFFFFFFFF  }
0x97: {  	s18 =	sld [smem:$0x13];
	(tm) =	ssettm $0x1  }
0x98: {  	s19 =	sld [smem:$0x3FFB];
	_ =	sdelay $0x3  }
0x99: {  	_ =	strace s19  }
0x9a: {  	s6 =	sld [smem:$0x3FFC];
	_ =	sdelay $0x3  }
0x9b: {  	_ =	strace s6  }
0x9c: {  	s6 =	sld [smem:$0x3FFD];
	_ =	sdelay $0x3  }
0x9d: {  	_ =	strace s6  }
0x9e: {  	_ =	strace $0x8FFFFFFF  }
0x9f: {  	s20 =	sld [smem:$0x3FDB];
	_ =	sdelay $0x1  }
0xa0: {  	s7 =	simm.s32 $_scs_section_size  }
0xa1: {  	s8 =	simm.s32 $_size__tile_overlayer_lowered;
	s9 =	simm.s32 $_tile_overlayer_lowered  }
0xa2: {  	s23 =	simm.s32 $0x1BFF;
	s22 =	sshll.u32 s9, $0x1;
	s6 =	sadd.s32 s7, s20  }
0xa3: {  	s10 =	simm.s32 $0x0;
	s21 =	sshll.u32 s8, $0x1;
	s8 =	sadd.s32 s22, s6  }
0xa4: {  	[timem:s10], [sflag:s23] =	dma.local [hbm:s8], s21  }
0xa5: {  	_ =	swait.ge [sflag:s23], s21  }
0xa6: {  	s7 =	ssub.s32 $0x0, s21;
	[sflag:s23] =	ssyncset.done $0x0  }
0xa7: {  	[sflag:s23] =	ssyncadd.s32 s7;
	_ =	sdelay $0x1  }
0xa8: {  	s24 =	simm.s32 $0x1B8B  }
0xa9: {  	_ =	swait.ge [sflag:s24], $0x1  }
0xaa: {  	[sflag:s24] =	ssyncset.done $0x0  }
0xab: {  	s25 =	simm.s32 $0x1B8E;
	[sflag:s24] =	ssyncadd.s32 $0xFFFFFFFF  }
0xac: {  	s26 =	simm.s32 $execute0_lowered;
	[smem:$0x3FD2] =	sst s25  }
0xad: {  	s7 =	sshll.u32 s26, $0x1;
	_ =	strace $0x80000046;
	[dreg:$0x1] =	wrdreg $0xFFFFFFFF  }
0xae: {  	s28 =	simm.s32 $_size_execute0_lowered;
	s6 =	sadd.s32 s6, s7;
	[dreg:$0x0] =	wrdreg $0x0  }
0xaf: {  	s7 =	sshll.u32 s28, $0x1;
	[dreg:$0x2] =	wrdreg s6  }
0xb0: {  	[dreg:$0x3] =	wrdreg s7  }
0xb1: {  	[dreg:$0x4] =	wrdreg $0xC0  }
0xb2: {  	_ =	task [dreg:s10], $0x5FFFF  }
0xb3: {  	[dreg:$0x1] =	wrdreg $0xFFFFFFFF  }
0xb4: {  	[dreg:$0x0] =	wrdreg $0x60  }
0xb5: {  	[dreg:$0x2] =	wrdreg s16  }
0xb6: {  	[dreg:$0x3] =	wrdreg s4  }
0xb7: {  	[dreg:$0x4] =	wrdreg s17  }
0xb8: {  	[dreg:$0x5] =	wrdreg s18  }
0xb9: {  	[dreg:$0x6] =	wrdreg $0x9  }
0xba: {  	_ =	task.clear_ibuf [dreg:s10], $0x7FFFF;
	_ =	strace $0x90000046  }
0xbb: {  	s29 =	simm.s32 $0x9;
	_ =	strace $0x80000048  }
0xbc: {  	_ =	swait.ge [sflag:s29], $0x1  }
0xbd: {  	[sflag:s29] =	ssyncadd.s32 $0xFFFFFFFF  }
0xbe: {  	_ =	strace $0x90000048  }
0xbf: {  	_ =	sfence  }
0xc0: {  	s30 =	sld [smem:$0x0];
	_ =	sdelay $0x2  }
0xc1: {  	s31 =	sshll.u32 s1, $0xD;
	s1 =	sshrl.u32 s1, $0x2  }
0xc2: {  	s3 =	sand.u32 $0x4000, s31;
	s1 =	sadd.s32 s1, s30  }
0xc3: {  	s0 =	sor.u32 s3, s0;
	s1 =	sshll.u32 s1, $0x11  }
0xc4: {  	s0 =	sor.u32 s1, s0  }
0xc5: {  	s0 =	sadd.s32 $0x8F2B, s0  }
0xc6: {  	[sflag:s0] =	ssyncadd.remote.s32 $0x1  }
0xc7: {  	_ =	sfence.sel $0xFFFF  }
0xc8: {  	[dreg:$0x0] =	wrdreg $0xFFFFFFFF;
	(pc) =	sbr.abs _section_cstart, $3  }
0xc9: {  	[dreg:$0x1] =	wrdreg $0xFFFFFFFF  }
0xca: {  	_ =	task.clear_ibuf [dreg:s10], $0x2FFFF;
	_ =	strace $0x9FFFFFFF  }
0xcb: {  	(tm) =	ssettm $0x7FFFFFFF  }
tec
execute0_lowered:
.L_overlay_start_1:
0x0: {  	(tag) =	ssettag $0x1  }
0x1: {  	s1 =	rddreg [dreg:$0x0]  }
0x2: {  	s3 =	rddreg [dreg:$0x1]  }
0x3: {  	s7 =	rddreg [dreg:$0x2]  }
0x4: {  	s5 =	srdreg.scid;
	s2 =	stileid.u32  }
0x5: {  	s16 =	rddreg [dreg:$0x3];
	s19 =	sand.u32 $0x1, s5;
	s31 =	sshll.u32 s2, $0x1  }
0x6: {  	s0 =	rddreg [dreg:$0x4];
	s4 =	simm.s32 $0x0;
	s14 =	sor.u32 s19, s31  }
0x7: {  	s6 =	simm.s32 $0x3;
	[smem:$0x7FF] =	sst s4;
	s5 =	sshll.u32 s14, $0x5  }
0x8: {  	_ =	strace $0x80000047;
	s8 =	sshll.u32 s14, $0x8;
	s5 =	sadd.s32 s7, s5  }
0x9: {  	[tilespmem:s4], [sflag:$0x3] =	stream.linear.gather [hbm4b:s5+s4], $0x80, $0x38;
	[tilespmem:$0x10100] =	vst v63  }
0xa: {  	s17 =	sor.u32 $0x80, s8;
	_ =	swait.ge [sflag:s6], $0x80  }
0xb: {  	s8 =	sshrl.u32 s17, $0x3;
	[sflag:s6] =	ssyncset.done $0x0  }
0xc: {  	s7 =	sadd.s32 s7, s8;
	s8 =	simm.s32 $0x80;
	[sflag:s6] =	ssyncadd.s32 $0xFFFFFF80  }
0xd: {  	[tilespmem:s8], [sflag:$0x3] =	stream.linear.gather [hbm4b:s7+s4], $0x80, $0x38;
	[tilespmem:$0x10100] =	vst v63  }
0xe: {  	_ =	swait.ge [sflag:s6], $0x80  }
0xf: {  	[sflag:s6] =	ssyncset.done $0x0  }
0x10: {  	s9 =	simm.s32 $0x100;
	[sflag:s6] =	ssyncadd.s32 $0xFFFFFF80  }
0x11: {  	[tilespmem:s9], [sflag:$0x1] =	stream.indirect.gather [hbm4b:s3+s8], $0x80, s4, s8, $0xb8;
	[tilespmem:$0x10100] =	vst v63  }
0x12: {  	s10 =	simm.s32 $0x4100  }
0x13: {  	[tilespmem:s10], [sflag:$0x1] =	stream.indirect.gather [hbm4b:s1+s8], $0x80, s4, s8, $0xb8;
	[tilespmem:$0x10100] =	vst v63  }
0x14: {  	s11 =	simm.s32 $0x8100  }
0x15: {  	[tilespmem:s11], [sflag:$0x1] =	stream.indirect.gather [hbm4b:s3+s8], $0x80, s8, s8, $0xb8;
	[tilespmem:$0x10100] =	vst v63  }
0x16: {  	s12 =	simm.s32 $0xC100;
	s13 =	simm.s32 $0x1  }
0x17: {  	[tilespmem:s12], [sflag:$0x1] =	stream.indirect.gather [hbm4b:s1+s8], $0x80, s8, s8, $0xb8;
	[tilespmem:$0x10100] =	vst v63  }
0x18: {  	_ =	swait.ge [sflag:s13], $0x4000  }
0x19: {  	[sflag:s13] =	ssyncset.done $0x0  }
0x1a: {  	[sflag:s13] =	ssyncadd.s32 $0xFFFFC000  }
0x1b: {  	_ =	swait.ge [sflag:s13], $0x4000  }
0x1c: {  	[sflag:s13] =	ssyncset.done $0x0  }
0x1d: {  	[sflag:s13] =	ssyncadd.s32 $0xFFFFC000  }
0x1e: {  	_ =	swait.ge [sflag:s13], $0x4000  }
0x1f: {  	[sflag:s13] =	ssyncset.done $0x0  }
0x20: {  	[sflag:s13] =	ssyncadd.s32 $0xFFFFC000  }
0x21: {  	_ =	swait.ge [sflag:s13], $0x4000  }
0x22: {  	s15 =	sshll.u32 s14, $0xC;
	[sflag:s13] =	ssyncset.done $0x0  }
0x23: {  	s18 =	sadd.s32 $0x20000, s16;
	s14 =	sadd.s32 s16, s15;
	[sflag:s13] =	ssyncadd.s32 $0xFFFFC000  }
0x24: {  	[hbm4b:s14+s4] =	stream.linear.scatter [tilespmem:s9], [sflag:$0x2], $0x4000, $0x38;
	[tilespmem:$0x10100] =	vst v63  }
0x25: {  	s15 =	sadd.s32 s15, s18;
	s17 =	sshll.u32 s17, $0x4  }
0x26: {  	[hbm4b:s15+s4] =	stream.linear.scatter [tilespmem:s10], [sflag:$0x2], $0x4000, $0x38;
	[tilespmem:$0x10100] =	vst v63  }
0x27: {  	s16 =	sadd.s32 s16, s17  }
0x28: {  	[hbm4b:s16+s4] =	stream.linear.scatter [tilespmem:s11], [sflag:$0x2], $0x4000, $0x38;
	[tilespmem:$0x10100] =	vst v63  }
0x29: {  	s18 =	sadd.s32 s17, s18;
	s17 =	simm.s32 $0x2  }
0x2a: {  	[hbm4b:s18+s4] =	stream.linear.scatter [tilespmem:s12], [sflag:$0x2], $0x4000, $0x38;
	[tilespmem:$0x10100] =	vst v63  }
0x2b: {  	_ =	swait.ge [sflag:s17], $0x4000  }
0x2c: {  	s19 =	ssub.s32 $0x2, s19;
	[sflag:s17] =	ssyncset.done $0x0  }
0x2d: {  	s20 =	sshrl.u32 s19, $0x1;
	[sflag:s17] =	ssyncadd.s32 $0xFFFFC000  }
0x2e: {  	s19 =	ssub.s32 s19, s20;
	_ =	swait.ge [sflag:s17], $0x4000  }
0x2f: {  	s19 =	smax.u32 s19, $0x1;
	[sflag:s17] =	ssyncset.done $0x0  }
0x30: {  	p0 =	sne.s32 s19, $0x1;
	[sflag:s17] =	ssyncadd.s32 $0xFFFFC000  }
.Ltmp0:
0x31: {  	_ =	swait.ge [sflag:s17], $0x4000;
	(pc) =	sbr.rel @!p0 .LBB2_2-.Ltmp0, $4  }
0x32: {  	[sflag:s17] =	ssyncset.done $0x0  }
0x33: {  	[sflag:s17] =	ssyncadd.s32 $0xFFFFC000  }
0x34: {  	_ =	swait.ge [sflag:s17], $0x4000  }
0x35: {  	s19 =	sadd.s32 $0xFFFFFFFF, s19;
	[sflag:s17] =	ssyncset.done $0x0  }
.LBB2_1:
0x36: {  	p0 =	sne.s32 s19, $0x1;
	s19 =	sadd.s32 $0xFFFFFFFF, s19;
	[sflag:s17] =	ssyncadd.s32 $0xFFFFC000  }
0x37: {  	[tilespmem:s4], [sflag:$0x3] =	stream.linear.gather [hbm4b:s5+s4], $0x80, $0x38;
	[tilespmem:$0x10100] =	vst v63  }
0x38: {  	_ =	swait.ge [sflag:s6], $0x80  }
0x39: {  	[sflag:s6] =	ssyncset.done $0x0  }
0x3a: {  	[sflag:s6] =	ssyncadd.s32 $0xFFFFFF80  }
0x3b: {  	[tilespmem:s8], [sflag:$0x3] =	stream.linear.gather [hbm4b:s7+s4], $0x80, $0x38;
	[tilespmem:$0x10100] =	vst v63  }
0x3c: {  	_ =	swait.ge [sflag:s6], $0x80  }
0x3d: {  	[sflag:s6] =	ssyncset.done $0x0  }
0x3e: {  	[sflag:s6] =	ssyncadd.s32 $0xFFFFFF80  }
0x3f: {  	[tilespmem:s9], [sflag:$0x1] =	stream.indirect.gather [hbm4b:s3+s8], $0x80, s4, s8, $0xb8;
	[tilespmem:$0x10100] =	vst v63  }
0x40: {  	_ = 	snop  }
0x41: {  	[tilespmem:s10], [sflag:$0x1] =	stream.indirect.gather [hbm4b:s1+s8], $0x80, s4, s8, $0xb8;
	[tilespmem:$0x10100] =	vst v63  }
0x42: {  	_ = 	snop  }
0x43: {  	[tilespmem:s11], [sflag:$0x1] =	stream.indirect.gather [hbm4b:s3+s8], $0x80, s8, s8, $0xb8;
	[tilespmem:$0x10100] =	vst v63  }
0x44: {  	_ = 	snop  }
0x45: {  	[tilespmem:s12], [sflag:$0x1] =	stream.indirect.gather [hbm4b:s1+s8], $0x80, s8, s8, $0xb8;
	[tilespmem:$0x10100] =	vst v63  }
0x46: {  	_ =	swait.ge [sflag:s13], $0x4000  }
0x47: {  	[sflag:s13] =	ssyncset.done $0x0  }
0x48: {  	[sflag:s13] =	ssyncadd.s32 $0xFFFFC000  }
0x49: {  	_ =	swait.ge [sflag:s13], $0x4000  }
0x4a: {  	[sflag:s13] =	ssyncset.done $0x0  }
0x4b: {  	[sflag:s13] =	ssyncadd.s32 $0xFFFFC000  }
0x4c: {  	_ =	swait.ge [sflag:s13], $0x4000  }
0x4d: {  	[sflag:s13] =	ssyncset.done $0x0  }
0x4e: {  	[sflag:s13] =	ssyncadd.s32 $0xFFFFC000  }
0x4f: {  	_ =	swait.ge [sflag:s13], $0x4000  }
0x50: {  	[sflag:s13] =	ssyncset.done $0x0  }
0x51: {  	[sflag:s13] =	ssyncadd.s32 $0xFFFFC000  }
0x52: {  	[hbm4b:s14+s4] =	stream.linear.scatter [tilespmem:s9], [sflag:$0x2], $0x4000, $0x38;
	[tilespmem:$0x10100] =	vst v63  }
0x53: {  	_ = 	snop  }
0x54: {  	[hbm4b:s15+s4] =	stream.linear.scatter [tilespmem:s10], [sflag:$0x2], $0x4000, $0x38;
	[tilespmem:$0x10100] =	vst v63  }
0x55: {  	_ = 	snop  }
0x56: {  	[hbm4b:s16+s4] =	stream.linear.scatter [tilespmem:s11], [sflag:$0x2], $0x4000, $0x38;
	[tilespmem:$0x10100] =	vst v63  }
0x57: {  	_ = 	snop  }
0x58: {  	[hbm4b:s18+s4] =	stream.linear.scatter [tilespmem:s12], [sflag:$0x2], $0x4000, $0x38;
	[tilespmem:$0x10100] =	vst v63  }
0x59: {  	_ =	swait.ge [sflag:s17], $0x4000  }
0x5a: {  	[sflag:s17] =	ssyncset.done $0x0  }
0x5b: {  	[sflag:s17] =	ssyncadd.s32 $0xFFFFC000  }
0x5c: {  	_ =	swait.ge [sflag:s17], $0x4000  }
0x5d: {  	[sflag:s17] =	ssyncset.done $0x0  }
0x5e: {  	[sflag:s17] =	ssyncadd.s32 $0xFFFFC000  }
.Ltmp1:
0x5f: {  	_ =	swait.ge [sflag:s17], $0x4000;
	(pc) =	sbr.rel @p0 .LBB2_1-.Ltmp1, $4  }
0x60: {  	[sflag:s17] =	ssyncset.done $0x0  }
0x61: {  	[sflag:s17] =	ssyncadd.s32 $0xFFFFC000  }
0x62: {  	_ =	swait.ge [sflag:s17], $0x4000  }
0x63: {  	[sflag:s17] =	ssyncset.done $0x0  }
.LBB2_2:
0x64: {  	[sflag:s17] =	ssyncadd.s32 $0xFFFFC000  }
0x65: {  	_ =	sfence.sel $0x180000  }
0x66: {  	[bflag:$0x0] =	sbarrier.arrive $0xFFFF  }
0x67: {  	p0 =	sne.s32 s2, $0x0;
	_ =	strace $0x90000047  }
0x68: {  	s0 =	sadd.s32 @!p0 $0x100000, s0;
	[bflag:$0x2] =	sbarrier.arrive $0xFFFF  }
0x69: {  	[sflag:s0] =	ssyncadd.tile.s32 @!p0 $0x1;
	_ =	shalt  }
.Lfunc_end2:
_tile_overlayer_lowered:
.L_overlay_start_2:
0x6a: {  	(tag) =	ssettag $0x2  }
0x6b: {  	s0 =	rddreg [dreg:$0x0];
	s2 =	stileid.u32  }
0x6c: {  	s1 =	rddreg [dreg:$0x1];
	p0 =	sne.s32 s2, $0x0  }
0x6d: {  	s3 =	rddreg [dreg:$0x2];
	[bflag:$0x3] =	sbarrier.arrive $0xFFFF;
	s2 =	simm.s32 @!p0 $0x1C03  }
0x6e: {  	[timem:s3], [sflag:s2] =	dma.local @!p0 [hbm:s0], s1  }
0x6f: {  	s0 =	simm.s32 @!p0 $0x3  }
0x70: {  	_ =	swait.ge @!p0 [sflag:s0], s1  }
0x71: {  	s1 =	ssub.s32 @!p0 $0x0, s1;
	[sflag:s0] =	ssyncset.done @!p0 $0x0  }
0x72: {  	[sflag:s0] =	ssyncadd.s32 @!p0 s1  }
0x73: {  	[bflag:$0x3] =	sbarrier.arrive $0xFFFF  }
0x74: {  	_ =	shalt  }

</sc_bundles>
